<compile_context>
chip_gen: v7x
topology: tpu7x:2x2x1
jax: 0.10.2.dev20260603
libtpu: 0.0.44.dev20260713+nightly
codegen_flags: <defaults>
</compile_context>

<pallas_src>
import functools

import jax
import jax.numpy as jnp
from jax import lax
from jax.experimental import pallas as pl
from jax.experimental.pallas import tpu as pltpu
from jax.experimental.pallas import tpu_sc as plsc

B = 32
N = 1024
M = 1024
Q = 512
NC = 2
NS = 16
RPT = N // NS
CPT = Q // NS
RPB = 16
NB = RPT // RPB
IMGS = B // NC
L = 16


def _splat_lane(vec, k):
    dnums = lax.GatherDimensionNumbers(
        offset_dims=(), collapsed_slice_dims=(0,), start_index_map=(0,))
    idx = jnp.full((L, 1), k, jnp.int32)
    return lax.gather(vec, idx, dnums, (1,),
                      mode=lax.GatherScatterMode.PROMISE_IN_BOUNDS)


def _body(inp_hbm, val_hbm, i1_hbm, i2_hbm, out_hbm,
          t_sp, val_col, t_local, out_buf, ts_buf, i2_buf, i1_vmem):
    cid = lax.axis_index("c")
    sid = lax.axis_index("s")
    col0 = sid * CPT
    row0 = sid * RPT

    pltpu.sync_copy(i2_hbm, i2_buf)
    pltpu.sync_copy(i1_hbm, i1_vmem)

    cols_a = lax.iota(jnp.int32, L)
    cols_b = cols_a + L

    def per_image(i, carry):
        img = cid * IMGS + i

        def zero_blk(j, c2):
            for k in range(4):
                t_local[j * 4 + k, pl.ds(0, L)] = jnp.zeros((L,), jnp.float32)
                t_local[j * 4 + k, pl.ds(L, L)] = jnp.zeros((L,), jnp.float32)
            return c2
        lax.fori_loop(0, N // 4, zero_blk, 0)

        pltpu.sync_copy(val_hbm.at[img, :, pl.ds(col0, CPT)], val_col)

        def route(pc, c2):
            i1c = i1_vmem[pl.ds(pc * L, L)]
            for k in range(L):
                p = pc * L + k
                rows = _splat_lane(i1c, k)
                plsc.addupdate_scatter(
                    t_local, [rows, cols_a], val_col[p, pl.ds(0, L)])
                plsc.addupdate_scatter(
                    t_local, [rows, cols_b], val_col[p, pl.ds(L, L)])
            return c2
        lax.fori_loop(0, N // L, route, 0)

        pltpu.sync_copy(t_local, t_sp.at[:, pl.ds(col0, CPT)])
        plsc.subcore_barrier()

        for h in range(NB):
            r0 = row0 + h * RPB
            pltpu.sync_copy(t_sp.at[pl.ds(r0, RPB), :], ts_buf)
            if h == NB - 1:
                plsc.subcore_barrier()
            pltpu.sync_copy(inp_hbm.at[img, pl.ds(r0, RPB), :], out_buf)

            def per_chunk(ch, c2):
                idx = i2_buf[pl.ds(ch * L, L)]
                for row in range(RPB):
                    v = ts_buf[row, pl.ds(ch * L, L)]
                    rows = jnp.full((L,), row, jnp.int32)
                    plsc.addupdate_scatter(out_buf, [rows, idx], v)
                return c2
            lax.fori_loop(0, Q // L, per_chunk, 0)

            pltpu.sync_copy(out_buf, out_hbm.at[img, pl.ds(r0, RPB), :])
        return carry

    lax.fori_loop(0, IMGS, per_image, 0)


@jax.jit
def _scatter_add(inp, val, i1, i2):
    mesh = plsc.VectorSubcoreMesh(core_axis_name="c", subcore_axis_name="s")
    return pl.kernel(
        _body,
        out_type=jax.ShapeDtypeStruct((B, N, M), jnp.float32),
        mesh=mesh,
        compiler_params=pltpu.CompilerParams(
            needs_layout_passes=False, use_tc_tiling_on_sc=False),
        scratch_types=[
            pltpu.VMEM_SHARED((N, Q), jnp.float32),
            pltpu.VMEM((N, CPT), jnp.float32),
            pltpu.VMEM((N, CPT), jnp.float32),
            pltpu.VMEM((RPB, M), jnp.float32),
            pltpu.VMEM((RPB, Q), jnp.float32),
            pltpu.VMEM((Q,), jnp.int32),
            pltpu.VMEM((N,), jnp.int32),
        ],
    )(inp, val, i1, i2)


def kernel(input, index1, index2, value):
    inp = input.reshape(B, N, M)
    val = value.reshape(B, N, Q)
    i1 = index1.reshape(N).astype(jnp.int32)
    i2 = index2.astype(jnp.int32)
    out = _scatter_add(inp, val, i1, i2)
    return out.reshape(input.shape)

# --- scband reference (transcript-rebuilt; emitter-appended) ---
"""Pipeline reference for scband-index-put-impl-index-with-none-module-72782515798847 (READ-ONLY COPY).

The authoritative reference and input builder live on the scoring server;
editing this copy changes nothing except your own understanding.
"""

import jax, jax.numpy as jnp
import numpy as np


def setup_inputs(seed: int = 0) -> dict:
    key = jax.random.key(seed)
    k1, k2, k3, k4 = jax.random.split(key, 4)
    inp = jax.random.normal(k1, (4, 8, 1024, 1024), dtype=jnp.float32)
    index1 = jax.random.randint(k2, (1024, 1), 0, 1024, dtype=jnp.int64)
    index2 = jax.random.randint(k3, (512,), 0, 1024, dtype=jnp.int64)
    value = jax.random.normal(k4, (4, 8, 1024, 512), dtype=jnp.float32)
    return {"input": inp, "index1": index1, "index2": index2, "value": value}


def reference(input, index1, index2, value):
    # torch.ops.aten._index_put_impl_(input, (None, None, index1, index2), value, accumulate=True)
    # Advanced indices at dims 2 and 3 broadcast: [1024,1] x [512] -> [1024,512].
    # accumulate=True -> scatter-add (duplicate indices sum).
    return input.at[:, :, index1, index2].add(value)

if __name__ == "__main__":
    import jax
    _d = setup_inputs()
    print(jax.jit(kernel)(*tuple(_d.values())))

</pallas_src>

<mosaic_0001>
#map = affine_map<(d0, d1) -> (0, 0, 0)>
#map1 = affine_map<(d0, d1) -> (0)>
module attributes {stable_mosaic.version = 14 : i64} {
  func.func @_body(%arg0: i32, %arg1: i32, %arg2: memref<32x1024x1024xf32, #tpu.memory_space<hbm>>, %arg3: memref<32x1024x512xf32, #tpu.memory_space<hbm>>, %arg4: memref<1024xi32, #tpu.memory_space<hbm>>, %arg5: memref<512xi32, #tpu.memory_space<hbm>>, %arg6: memref<32x1024x1024xf32, #tpu.memory_space<hbm>>, %arg7: memref<1024x512xf32, #tpu.memory_space<vmem_shared>>, %arg8: memref<1024x32xf32, #tpu.memory_space<vmem>>, %arg9: memref<1024x32xf32, #tpu.memory_space<vmem>>, %arg10: memref<16x1024xf32, #tpu.memory_space<vmem>>, %arg11: memref<16x512xf32, #tpu.memory_space<vmem>>, %arg12: memref<512xi32, #tpu.memory_space<vmem>>, %arg13: memref<1024xi32, #tpu.memory_space<vmem>>) attributes {dimension_semantics = [#tpu.dimension_semantics<core_parallel>, #tpu.dimension_semantics<subcore_parallel>], iteration_bounds = array<i64: 2, 16>, scalar_prefetch = 0 : i64, scratch_operands = 7 : i64, tpu.core_type = #tpu.core_type<sc_vector_subcore>, window_params = [{transform_indices = #map}, {transform_indices = #map}, {transform_indices = #map1}, {transform_indices = #map1}, {transform_indices = #map}]} {
    %mul3A = arith.constant 32 : i32
    %mul3A_0 = arith.muli %arg1, %mul3A : i32
    %mul3A_1 = arith.constant 64 : i32
    %mul3A_2 = arith.muli %arg1, %mul3A_1 : i32
    "tpu.region"() ({
      %run_scoped3A = tpu.sem_alloc : memref<!tpu.dma_semaphore, #tpu.memory_space<semaphore_mem>>
      tpu.enqueue_dma source(%arg5 : memref<512xi32, #tpu.memory_space<hbm>>) target(%arg12 : memref<512xi32, #tpu.memory_space<vmem>>) target_semaphore(%run_scoped3A : memref<!tpu.dma_semaphore, #tpu.memory_space<semaphore_mem>>)
      tpu.wait_dma2 semaphore(%run_scoped3A : memref<!tpu.dma_semaphore, #tpu.memory_space<semaphore_mem>>) src(%arg5 : memref<512xi32, #tpu.memory_space<hbm>>) dst(%arg12 : memref<512xi32, #tpu.memory_space<vmem>>)
      tpu.yield
    }) : () -> ()
    "tpu.region"() ({
      %run_scoped3A = tpu.sem_alloc : memref<!tpu.dma_semaphore, #tpu.memory_space<semaphore_mem>>
      tpu.enqueue_dma source(%arg4 : memref<1024xi32, #tpu.memory_space<hbm>>) target(%arg13 : memref<1024xi32, #tpu.memory_space<vmem>>) target_semaphore(%run_scoped3A : memref<!tpu.dma_semaphore, #tpu.memory_space<semaphore_mem>>)
      tpu.wait_dma2 semaphore(%run_scoped3A : memref<!tpu.dma_semaphore, #tpu.memory_space<semaphore_mem>>) src(%arg4 : memref<1024xi32, #tpu.memory_space<hbm>>) dst(%arg13 : memref<1024xi32, #tpu.memory_space<vmem>>)
      tpu.yield
    }) : () -> ()
    %iota3A = tpu.iota {dimensions = array<i32: 0>} : vector<16xi32>
    %add3A = arith.constant 16 : i32
    %add3A_3 = vector.broadcast %add3A : i32 to vector<16xi32>
    %add3A_4 = arith.addi %iota3A, %add3A_3 : vector<16xi32>
    %scan3A = arith.constant 0 : i32
    %scan3A_5 = arith.constant 0 : i32
    %scan3A_6 = arith.constant 16 : i32
    %scan3A_7 = arith.addi %scan3A_5, %scan3A_6 : i32
    %scan3A_8 = arith.constant 1 : i32
    scf.for %scan3A_10 = %scan3A_5 to %scan3A_7 step %scan3A_8  : i32 {
      %mul3A_11 = arith.constant 16 : i32
      %mul3A_12 = arith.muli %arg0, %mul3A_11 : i32
      %add3A_13 = arith.addi %mul3A_12, %scan3A_10 : i32
      %scan3A_14 = arith.constant 0 : i32
      %scan3A_15 = arith.constant 0 : i32
      %scan3A_16 = arith.constant 256 : i32
      %scan3A_17 = arith.addi %scan3A_15, %scan3A_16 : i32
      %scan3A_18 = arith.constant 1 : i32
      scf.for %scan3A_59 = %scan3A_15 to %scan3A_17 step %scan3A_18  : i32 {
        %broadcast_in_dim3A = arith.constant 0.000000e+00 : f32
        %broadcast_in_dim3A_60 = vector.broadcast %broadcast_in_dim3A : f32 to vector<16xf32>
        %mul3A_61 = arith.constant 4 : i32
        %mul3A_62 = arith.muli %scan3A_59, %mul3A_61 : i32
        %add3A_63 = arith.constant 0 : i32
        %add3A_64 = arith.addi %mul3A_62, %add3A_63 : i32
        %swap3A = arith.index_cast %add3A_64 : i32 to index
        %swap3A_65 = arith.constant 0 : index
        %swap3A_66 = tpu.vector_load %arg9[%swap3A, %swap3A_65] {strides = array<i32>} : memref<1024x32xf32, #tpu.memory_space<vmem>>, vector<16xf32>,
        tpu.vector_store %arg9[%swap3A, %swap3A_65], %broadcast_in_dim3A_60 {strides = array<i32>} : memref<1024x32xf32, #tpu.memory_space<vmem>>, vector<16xf32>,
        %broadcast_in_dim3A_67 = arith.constant 0.000000e+00 : f32
        %broadcast_in_dim3A_68 = vector.broadcast %broadcast_in_dim3A_67 : f32 to vector<16xf32>
        %mul3A_69 = arith.constant 4 : i32
        %mul3A_70 = arith.muli %scan3A_59, %mul3A_69 : i32
        %add3A_71 = arith.constant 0 : i32
        %add3A_72 = arith.addi %mul3A_70, %add3A_71 : i32
        %swap3A_73 = arith.index_cast %add3A_72 : i32 to index
        %swap3A_74 = arith.constant 16 : index
        %swap3A_75 = tpu.vector_load %arg9[%swap3A_73, %swap3A_74] {strides = array<i32>} : memref<1024x32xf32, #tpu.memory_space<vmem>>, vector<16xf32>,
        tpu.vector_store %arg9[%swap3A_73, %swap3A_74], %broadcast_in_dim3A_68 {strides = array<i32>} : memref<1024x32xf32, #tpu.memory_space<vmem>>, vector<16xf32>,
        %broadcast_in_dim3A_76 = arith.constant 0.000000e+00 : f32
        %broadcast_in_dim3A_77 = vector.broadcast %broadcast_in_dim3A_76 : f32 to vector<16xf32>
        %mul3A_78 = arith.constant 4 : i32
        %mul3A_79 = arith.muli %scan3A_59, %mul3A_78 : i32
        %add3A_80 = arith.constant 1 : i32
        %add3A_81 = arith.addi %mul3A_79, %add3A_80 : i32
        %swap3A_82 = arith.index_cast %add3A_81 : i32 to index
        %swap3A_83 = arith.constant 0 : index
        %swap3A_84 = tpu.vector_load %arg9[%swap3A_82, %swap3A_83] {strides = array<i32>} : memref<1024x32xf32, #tpu.memory_space<vmem>>, vector<16xf32>,
        tpu.vector_store %arg9[%swap3A_82, %swap3A_83], %broadcast_in_dim3A_77 {strides = array<i32>} : memref<1024x32xf32, #tpu.memory_space<vmem>>, vector<16xf32>,
        %broadcast_in_dim3A_85 = arith.constant 0.000000e+00 : f32
        %broadcast_in_dim3A_86 = vector.broadcast %broadcast_in_dim3A_85 : f32 to vector<16xf32>
        %mul3A_87 = arith.constant 4 : i32
        %mul3A_88 = arith.muli %scan3A_59, %mul3A_87 : i32
        %add3A_89 = arith.constant 1 : i32
        %add3A_90 = arith.addi %mul3A_88, %add3A_89 : i32
        %swap3A_91 = arith.index_cast %add3A_90 : i32 to index
        %swap3A_92 = arith.constant 16 : index
        %swap3A_93 = tpu.vector_load %arg9[%swap3A_91, %swap3A_92] {strides = array<i32>} : memref<1024x32xf32, #tpu.memory_space<vmem>>, vector<16xf32>,
        tpu.vector_store %arg9[%swap3A_91, %swap3A_92], %broadcast_in_dim3A_86 {strides = array<i32>} : memref<1024x32xf32, #tpu.memory_space<vmem>>, vector<16xf32>,
        %broadcast_in_dim3A_94 = arith.constant 0.000000e+00 : f32
        %broadcast_in_dim3A_95 = vector.broadcast %broadcast_in_dim3A_94 : f32 to vector<16xf32>
        %mul3A_96 = arith.constant 4 : i32
        %mul3A_97 = arith.muli %scan3A_59, %mul3A_96 : i32
        %add3A_98 = arith.constant 2 : i32
        %add3A_99 = arith.addi %mul3A_97, %add3A_98 : i32
        %swap3A_100 = arith.index_cast %add3A_99 : i32 to index
        %swap3A_101 = arith.constant 0 : index
        %swap3A_102 = tpu.vector_load %arg9[%swap3A_100, %swap3A_101] {strides = array<i32>} : memref<1024x32xf32, #tpu.memory_space<vmem>>, vector<16xf32>,
        tpu.vector_store %arg9[%swap3A_100, %swap3A_101], %broadcast_in_dim3A_95 {strides = array<i32>} : memref<1024x32xf32, #tpu.memory_space<vmem>>, vector<16xf32>,
        %broadcast_in_dim3A_103 = arith.constant 0.000000e+00 : f32
        %broadcast_in_dim3A_104 = vector.broadcast %broadcast_in_dim3A_103 : f32 to vector<16xf32>
        %mul3A_105 = arith.constant 4 : i32
        %mul3A_106 = arith.muli %scan3A_59, %mul3A_105 : i32
        %add3A_107 = arith.constant 2 : i32
        %add3A_108 = arith.addi %mul3A_106, %add3A_107 : i32
        %swap3A_109 = arith.index_cast %add3A_108 : i32 to index
        %swap3A_110 = arith.constant 16 : index
        %swap3A_111 = tpu.vector_load %arg9[%swap3A_109, %swap3A_110] {strides = array<i32>} : memref<1024x32xf32, #tpu.memory_space<vmem>>, vector<16xf32>,
        tpu.vector_store %arg9[%swap3A_109, %swap3A_110], %broadcast_in_dim3A_104 {strides = array<i32>} : memref<1024x32xf32, #tpu.memory_space<vmem>>, vector<16xf32>,
        %broadcast_in_dim3A_112 = arith.constant 0.000000e+00 : f32
        %broadcast_in_dim3A_113 = vector.broadcast %broadcast_in_dim3A_112 : f32 to vector<16xf32>
        %mul3A_114 = arith.constant 4 : i32
        %mul3A_115 = arith.muli %scan3A_59, %mul3A_114 : i32
        %add3A_116 = arith.constant 3 : i32
        %add3A_117 = arith.addi %mul3A_115, %add3A_116 : i32
        %swap3A_118 = arith.index_cast %add3A_117 : i32 to index
        %swap3A_119 = arith.constant 0 : index
        %swap3A_120 = tpu.vector_load %arg9[%swap3A_118, %swap3A_119] {strides = array<i32>} : memref<1024x32xf32, #tpu.memory_space<vmem>>, vector<16xf32>,
        tpu.vector_store %arg9[%swap3A_118, %swap3A_119], %broadcast_in_dim3A_113 {strides = array<i32>} : memref<1024x32xf32, #tpu.memory_space<vmem>>, vector<16xf32>,
        %broadcast_in_dim3A_121 = arith.constant 0.000000e+00 : f32
        %broadcast_in_dim3A_122 = vector.broadcast %broadcast_in_dim3A_121 : f32 to vector<16xf32>
        %mul3A_123 = arith.constant 4 : i32
        %mul3A_124 = arith.muli %scan3A_59, %mul3A_123 : i32
        %add3A_125 = arith.constant 3 : i32
        %add3A_126 = arith.addi %mul3A_124, %add3A_125 : i32
        %swap3A_127 = arith.index_cast %add3A_126 : i32 to index
        %swap3A_128 = arith.constant 16 : index
        %swap3A_129 = tpu.vector_load %arg9[%swap3A_127, %swap3A_128] {strides = array<i32>} : memref<1024x32xf32, #tpu.memory_space<vmem>>, vector<16xf32>,
        tpu.vector_store %arg9[%swap3A_127, %swap3A_128], %broadcast_in_dim3A_122 {strides = array<i32>} : memref<1024x32xf32, #tpu.memory_space<vmem>>, vector<16xf32>,
      }
      %scan3A_19 = arith.constant 256 : i32
      "tpu.region"() ({
        %run_scoped3A = tpu.sem_alloc : memref<!tpu.dma_semaphore, #tpu.memory_space<semaphore_mem>>
        %dma_start3A = arith.constant 0 : i32
        %dma_start3A_59 = tpu.memref_slice %arg3[%add3A_13, %dma_start3A, %mul3A_0] : memref<32x1024x512xf32, #tpu.memory_space<hbm>> -> memref<1x1024x32xf32, #tpu.memory_space<hbm>>
        %dma_start3A_60 = tpu.memref_squeeze %dma_start3A_59 : memref<1x1024x32xf32, #tpu.memory_space<hbm>> -> memref<1024x32xf32, #tpu.memory_space<hbm>>
        %dma_start3A_61 = arith.constant 0 : i32
        %dma_start3A_62 = tpu.memref_slice %arg3[%add3A_13, %dma_start3A_61, %mul3A_0] : memref<32x1024x512xf32, #tpu.memory_space<hbm>> -> memref<1x1024x32xf32, #tpu.memory_space<hbm>>
        %dma_start3A_63 = tpu.memref_squeeze %dma_start3A_62 : memref<1x1024x32xf32, #tpu.memory_space<hbm>> -> memref<1024x32xf32, #tpu.memory_space<hbm>>
        tpu.enqueue_dma source(%dma_start3A_63 : memref<1024x32xf32, #tpu.memory_space<hbm>>) target(%arg8 : memref<1024x32xf32, #tpu.memory_space<vmem>>) target_semaphore(%run_scoped3A : memref<!tpu.dma_semaphore, #tpu.memory_space<semaphore_mem>>)
        %dma_wait3A = arith.constant 0 : i32
        %dma_wait3A_64 = tpu.memref_slice %arg3[%add3A_13, %dma_wait3A, %mul3A_0] : memref<32x1024x512xf32, #tpu.memory_space<hbm>> -> memref<1x1024x32xf32, #tpu.memory_space<hbm>>
        %dma_wait3A_65 = tpu.memref_squeeze %dma_wait3A_64 : memref<1x1024x32xf32, #tpu.memory_space<hbm>> -> memref<1024x32xf32, #tpu.memory_space<hbm>>
        %dma_wait3A_66 = arith.constant 0 : i32
        %dma_wait3A_67 = tpu.memref_slice %arg3[%add3A_13, %dma_wait3A_66, %mul3A_0] : memref<32x1024x512xf32, #tpu.memory_space<hbm>> -> memref<1x1024x32xf32, #tpu.memory_space<hbm>>
        %dma_wait3A_68 = tpu.memref_squeeze %dma_wait3A_67 : memref<1x1024x32xf32, #tpu.memory_space<hbm>> -> memref<1024x32xf32, #tpu.memory_space<hbm>>
        tpu.wait_dma2 semaphore(%run_scoped3A : memref<!tpu.dma_semaphore, #tpu.memory_space<semaphore_mem>>) src(%dma_wait3A_68 : memref<1024x32xf32, #tpu.memory_space<hbm>>) dst(%arg8 : memref<1024x32xf32, #tpu.memory_space<vmem>>)
        tpu.yield
      }) : () -> ()
      %scan3A_20 = arith.constant 0 : i32
      %scan3A_21 = arith.constant 0 : i32
      %scan3A_22 = arith.constant 64 : i32
      %scan3A_23 = arith.addi %scan3A_21, %scan3A_22 : i32
      %scan3A_24 = arith.constant 1 : i32
      scf.for %scan3A_59 = %scan3A_21 to %scan3A_23 step %scan3A_24  : i32 {
        %mul3A_60 = arith.constant 16 : i32
        %mul3A_61 = arith.muli %scan3A_59, %mul3A_60 : i32
        %get3A = arith.index_cast %mul3A_61 : i32 to index
        %get3A_62 = tpu.vector_load %arg13[%get3A] {strides = array<i32>} : memref<1024xi32, #tpu.memory_space<vmem>>, vector<16xi32>,
        %mul3A_63 = arith.constant 16 : i32
        %mul3A_64 = arith.muli %scan3A_59, %mul3A_63 : i32
        %add3A_65 = arith.constant 0 : i32
        %add3A_66 = arith.addi %mul3A_64, %add3A_65 : i32
        %broadcast_in_dim3A = arith.constant 0 : i32
        %broadcast_in_dim3A_67 = vector.broadcast %broadcast_in_dim3A : i32 to vector<16x1xi32>
        %gather3A = vector.shape_cast %broadcast_in_dim3A_67 : vector<16x1xi32> to vector<16xi32>
        %gather3A_68 = tpu.dynamic_gather %get3A_62[%gather3A] in [0] : vector<16xi32>, vector<16xi32> -> vector<16xi32>
        %get3A_69 = arith.index_cast %add3A_66 : i32 to index
        %get3A_70 = arith.constant 0 : index
        %get3A_71 = tpu.vector_load %arg8[%get3A_69, %get3A_70] {strides = array<i32>} : memref<1024x32xf32, #tpu.memory_space<vmem>>, vector<16xf32>,
        tpu.vector_store_idx %arg9[%gather3A_68, %iota3A], %get3A_71 {add = true} : memref<1024x32xf32, #tpu.memory_space<vmem>>[vector<16xi32>, vector<16xi32>], vector<16xf32>,
        %get3A_72 = arith.index_cast %add3A_66 : i32 to index
        %get3A_73 = arith.constant 16 : index
        %get3A_74 = tpu.vector_load %arg8[%get3A_72, %get3A_73] {strides = array<i32>} : memref<1024x32xf32, #tpu.memory_space<vmem>>, vector<16xf32>,
        tpu.vector_store_idx %arg9[%gather3A_68, %add3A_4], %get3A_74 {add = true} : memref<1024x32xf32, #tpu.memory_space<vmem>>[vector<16xi32>, vector<16xi32>], vector<16xf32>,
        %mul3A_75 = arith.constant 16 : i32
        %mul3A_76 = arith.muli %scan3A_59, %mul3A_75 : i32
        %add3A_77 = arith.constant 1 : i32
        %add3A_78 = arith.addi %mul3A_76, %add3A_77 : i32
        %broadcast_in_dim3A_79 = arith.constant 1 : i32
        %broadcast_in_dim3A_80 = vector.broadcast %broadcast_in_dim3A_79 : i32 to vector<16x1xi32>
        %gather3A_81 = vector.shape_cast %broadcast_in_dim3A_80 : vector<16x1xi32> to vector<16xi32>
        %gather3A_82 = tpu.dynamic_gather %get3A_62[%gather3A_81] in [0] : vector<16xi32>, vector<16xi32> -> vector<16xi32>
        %get3A_83 = arith.index_cast %add3A_78 : i32 to index
        %get3A_84 = arith.constant 0 : index
        %get3A_85 = tpu.vector_load %arg8[%get3A_83, %get3A_84] {strides = array<i32>} : memref<1024x32xf32, #tpu.memory_space<vmem>>, vector<16xf32>,
        tpu.vector_store_idx %arg9[%gather3A_82, %iota3A], %get3A_85 {add = true} : memref<1024x32xf32, #tpu.memory_space<vmem>>[vector<16xi32>, vector<16xi32>], vector<16xf32>,
        %get3A_86 = arith.index_cast %add3A_78 : i32 to index
        %get3A_87 = arith.constant 16 : index
        %get3A_88 = tpu.vector_load %arg8[%get3A_86, %get3A_87] {strides = array<i32>} : memref<1024x32xf32, #tpu.memory_space<vmem>>, vector<16xf32>,
        tpu.vector_store_idx %arg9[%gather3A_82, %add3A_4], %get3A_88 {add = true} : memref<1024x32xf32, #tpu.memory_space<vmem>>[vector<16xi32>, vector<16xi32>], vector<16xf32>,
        %mul3A_89 = arith.constant 16 : i32
        %mul3A_90 = arith.muli %scan3A_59, %mul3A_89 : i32
        %add3A_91 = arith.constant 2 : i32
        %add3A_92 = arith.addi %mul3A_90, %add3A_91 : i32
        %broadcast_in_dim3A_93 = arith.constant 2 : i32
        %broadcast_in_dim3A_94 = vector.broadcast %broadcast_in_dim3A_93 : i32 to vector<16x1xi32>
        %gather3A_95 = vector.shape_cast %broadcast_in_dim3A_94 : vector<16x1xi32> to vector<16xi32>
        %gather3A_96 = tpu.dynamic_gather %get3A_62[%gather3A_95] in [0] : vector<16xi32>, vector<16xi32> -> vector<16xi32>
        %get3A_97 = arith.index_cast %add3A_92 : i32 to index
        %get3A_98 = arith.constant 0 : index
        %get3A_99 = tpu.vector_load %arg8[%get3A_97, %get3A_98] {strides = array<i32>} : memref<1024x32xf32, #tpu.memory_space<vmem>>, vector<16xf32>,
        tpu.vector_store_idx %arg9[%gather3A_96, %iota3A], %get3A_99 {add = true} : memref<1024x32xf32, #tpu.memory_space<vmem>>[vector<16xi32>, vector<16xi32>], vector<16xf32>,
        %get3A_100 = arith.index_cast %add3A_92 : i32 to index
        %get3A_101 = arith.constant 16 : index
        %get3A_102 = tpu.vector_load %arg8[%get3A_100, %get3A_101] {strides = array<i32>} : memref<1024x32xf32, #tpu.memory_space<vmem>>, vector<16xf32>,
        tpu.vector_store_idx %arg9[%gather3A_96, %add3A_4], %get3A_102 {add = true} : memref<1024x32xf32, #tpu.memory_space<vmem>>[vector<16xi32>, vector<16xi32>], vector<16xf32>,
        %mul3A_103 = arith.constant 16 : i32
        %mul3A_104 = arith.muli %scan3A_59, %mul3A_103 : i32
        %add3A_105 = arith.constant 3 : i32
        %add3A_106 = arith.addi %mul3A_104, %add3A_105 : i32
        %broadcast_in_dim3A_107 = arith.constant 3 : i32
        %broadcast_in_dim3A_108 = vector.broadcast %broadcast_in_dim3A_107 : i32 to vector<16x1xi32>
        %gather3A_109 = vector.shape_cast %broadcast_in_dim3A_108 : vector<16x1xi32> to vector<16xi32>
        %gather3A_110 = tpu.dynamic_gather %get3A_62[%gather3A_109] in [0] : vector<16xi32>, vector<16xi32> -> vector<16xi32>
        %get3A_111 = arith.index_cast %add3A_106 : i32 to index
        %get3A_112 = arith.constant 0 : index
        %get3A_113 = tpu.vector_load %arg8[%get3A_111, %get3A_112] {strides = array<i32>} : memref<1024x32xf32, #tpu.memory_space<vmem>>, vector<16xf32>,
        tpu.vector_store_idx %arg9[%gather3A_110, %iota3A], %get3A_113 {add = true} : memref<1024x32xf32, #tpu.memory_space<vmem>>[vector<16xi32>, vector<16xi32>], vector<16xf32>,
        %get3A_114 = arith.index_cast %add3A_106 : i32 to index
        %get3A_115 = arith.constant 16 : index
        %get3A_116 = tpu.vector_load %arg8[%get3A_114, %get3A_115] {strides = array<i32>} : memref<1024x32xf32, #tpu.memory_space<vmem>>, vector<16xf32>,
        tpu.vector_store_idx %arg9[%gather3A_110, %add3A_4], %get3A_116 {add = true} : memref<1024x32xf32, #tpu.memory_space<vmem>>[vector<16xi32>, vector<16xi32>], vector<16xf32>,
        %mul3A_117 = arith.constant 16 : i32
        %mul3A_118 = arith.muli %scan3A_59, %mul3A_117 : i32
        %add3A_119 = arith.constant 4 : i32
        %add3A_120 = arith.addi %mul3A_118, %add3A_119 : i32
        %broadcast_in_dim3A_121 = arith.constant 4 : i32
        %broadcast_in_dim3A_122 = vector.broadcast %broadcast_in_dim3A_121 : i32 to vector<16x1xi32>
        %gather3A_123 = vector.shape_cast %broadcast_in_dim3A_122 : vector<16x1xi32> to vector<16xi32>
        %gather3A_124 = tpu.dynamic_gather %get3A_62[%gather3A_123] in [0] : vector<16xi32>, vector<16xi32> -> vector<16xi32>
        %get3A_125 = arith.index_cast %add3A_120 : i32 to index
        %get3A_126 = arith.constant 0 : index
        %get3A_127 = tpu.vector_load %arg8[%get3A_125, %get3A_126] {strides = array<i32>} : memref<1024x32xf32, #tpu.memory_space<vmem>>, vector<16xf32>,
        tpu.vector_store_idx %arg9[%gather3A_124, %iota3A], %get3A_127 {add = true} : memref<1024x32xf32, #tpu.memory_space<vmem>>[vector<16xi32>, vector<16xi32>], vector<16xf32>,
        %get3A_128 = arith.index_cast %add3A_120 : i32 to index
        %get3A_129 = arith.constant 16 : index
        %get3A_130 = tpu.vector_load %arg8[%get3A_128, %get3A_129] {strides = array<i32>} : memref<1024x32xf32, #tpu.memory_space<vmem>>, vector<16xf32>,
        tpu.vector_store_idx %arg9[%gather3A_124, %add3A_4], %get3A_130 {add = true} : memref<1024x32xf32, #tpu.memory_space<vmem>>[vector<16xi32>, vector<16xi32>], vector<16xf32>,
        %mul3A_131 = arith.constant 16 : i32
        %mul3A_132 = arith.muli %scan3A_59, %mul3A_131 : i32
        %add3A_133 = arith.constant 5 : i32
        %add3A_134 = arith.addi %mul3A_132, %add3A_133 : i32
        %broadcast_in_dim3A_135 = arith.constant 5 : i32
        %broadcast_in_dim3A_136 = vector.broadcast %broadcast_in_dim3A_135 : i32 to vector<16x1xi32>
        %gather3A_137 = vector.shape_cast %broadcast_in_dim3A_136 : vector<16x1xi32> to vector<16xi32>
        %gather3A_138 = tpu.dynamic_gather %get3A_62[%gather3A_137] in [0] : vector<16xi32>, vector<16xi32> -> vector<16xi32>
        %get3A_139 = arith.index_cast %add3A_134 : i32 to index
        %get3A_140 = arith.constant 0 : index
        %get3A_141 = tpu.vector_load %arg8[%get3A_139, %get3A_140] {strides = array<i32>} : memref<1024x32xf32, #tpu.memory_space<vmem>>, vector<16xf32>,
        tpu.vector_store_idx %arg9[%gather3A_138, %iota3A], %get3A_141 {add = true} : memref<1024x32xf32, #tpu.memory_space<vmem>>[vector<16xi32>, vector<16xi32>], vector<16xf32>,
        %get3A_142 = arith.index_cast %add3A_134 : i32 to index
        %get3A_143 = arith.constant 16 : index
        %get3A_144 = tpu.vector_load %arg8[%get3A_142, %get3A_143] {strides = array<i32>} : memref<1024x32xf32, #tpu.memory_space<vmem>>, vector<16xf32>,
        tpu.vector_store_idx %arg9[%gather3A_138, %add3A_4], %get3A_144 {add = true} : memref<1024x32xf32, #tpu.memory_space<vmem>>[vector<16xi32>, vector<16xi32>], vector<16xf32>,
        %mul3A_145 = arith.constant 16 : i32
        %mul3A_146 = arith.muli %scan3A_59, %mul3A_145 : i32
        %add3A_147 = arith.constant 6 : i32
        %add3A_148 = arith.addi %mul3A_146, %add3A_147 : i32
        %broadcast_in_dim3A_149 = arith.constant 6 : i32
        %broadcast_in_dim3A_150 = vector.broadcast %broadcast_in_dim3A_149 : i32 to vector<16x1xi32>
        %gather3A_151 = vector.shape_cast %broadcast_in_dim3A_150 : vector<16x1xi32> to vector<16xi32>
        %gather3A_152 = tpu.dynamic_gather %get3A_62[%gather3A_151] in [0] : vector<16xi32>, vector<16xi32> -> vector<16xi32>
        %get3A_153 = arith.index_cast %add3A_148 : i32 to index
        %get3A_154 = arith.constant 0 : index
        %get3A_155 = tpu.vector_load %arg8[%get3A_153, %get3A_154] {strides = array<i32>} : memref<1024x32xf32, #tpu.memory_space<vmem>>, vector<16xf32>,
        tpu.vector_store_idx %arg9[%gather3A_152, %iota3A], %get3A_155 {add = true} : memref<1024x32xf32, #tpu.memory_space<vmem>>[vector<16xi32>, vector<16xi32>], vector<16xf32>,
        %get3A_156 = arith.index_cast %add3A_148 : i32 to index
        %get3A_157 = arith.constant 16 : index
        %get3A_158 = tpu.vector_load %arg8[%get3A_156, %get3A_157] {strides = array<i32>} : memref<1024x32xf32, #tpu.memory_space<vmem>>, vector<16xf32>,
        tpu.vector_store_idx %arg9[%gather3A_152, %add3A_4], %get3A_158 {add = true} : memref<1024x32xf32, #tpu.memory_space<vmem>>[vector<16xi32>, vector<16xi32>], vector<16xf32>,
        %mul3A_159 = arith.constant 16 : i32
        %mul3A_160 = arith.muli %scan3A_59, %mul3A_159 : i32
        %add3A_161 = arith.constant 7 : i32
        %add3A_162 = arith.addi %mul3A_160, %add3A_161 : i32
        %broadcast_in_dim3A_163 = arith.constant 7 : i32
        %broadcast_in_dim3A_164 = vector.broadcast %broadcast_in_dim3A_163 : i32 to vector<16x1xi32>
        %gather3A_165 = vector.shape_cast %broadcast_in_dim3A_164 : vector<16x1xi32> to vector<16xi32>
        %gather3A_166 = tpu.dynamic_gather %get3A_62[%gather3A_165] in [0] : vector<16xi32>, vector<16xi32> -> vector<16xi32>
        %get3A_167 = arith.index_cast %add3A_162 : i32 to index
        %get3A_168 = arith.constant 0 : index
        %get3A_169 = tpu.vector_load %arg8[%get3A_167, %get3A_168] {strides = array<i32>} : memref<1024x32xf32, #tpu.memory_space<vmem>>, vector<16xf32>,
        tpu.vector_store_idx %arg9[%gather3A_166, %iota3A], %get3A_169 {add = true} : memref<1024x32xf32, #tpu.memory_space<vmem>>[vector<16xi32>, vector<16xi32>], vector<16xf32>,
        %get3A_170 = arith.index_cast %add3A_162 : i32 to index
        %get3A_171 = arith.constant 16 : index
        %get3A_172 = tpu.vector_load %arg8[%get3A_170, %get3A_171] {strides = array<i32>} : memref<1024x32xf32, #tpu.memory_space<vmem>>, vector<16xf32>,
        tpu.vector_store_idx %arg9[%gather3A_166, %add3A_4], %get3A_172 {add = true} : memref<1024x32xf32, #tpu.memory_space<vmem>>[vector<16xi32>, vector<16xi32>], vector<16xf32>,
        %mul3A_173 = arith.constant 16 : i32
        %mul3A_174 = arith.muli %scan3A_59, %mul3A_173 : i32
        %add3A_175 = arith.constant 8 : i32
        %add3A_176 = arith.addi %mul3A_174, %add3A_175 : i32
        %broadcast_in_dim3A_177 = arith.constant 8 : i32
        %broadcast_in_dim3A_178 = vector.broadcast %broadcast_in_dim3A_177 : i32 to vector<16x1xi32>
        %gather3A_179 = vector.shape_cast %broadcast_in_dim3A_178 : vector<16x1xi32> to vector<16xi32>
        %gather3A_180 = tpu.dynamic_gather %get3A_62[%gather3A_179] in [0] : vector<16xi32>, vector<16xi32> -> vector<16xi32>
        %get3A_181 = arith.index_cast %add3A_176 : i32 to index
        %get3A_182 = arith.constant 0 : index
        %get3A_183 = tpu.vector_load %arg8[%get3A_181, %get3A_182] {strides = array<i32>} : memref<1024x32xf32, #tpu.memory_space<vmem>>, vector<16xf32>,
        tpu.vector_store_idx %arg9[%gather3A_180, %iota3A], %get3A_183 {add = true} : memref<1024x32xf32, #tpu.memory_space<vmem>>[vector<16xi32>, vector<16xi32>], vector<16xf32>,
        %get3A_184 = arith.index_cast %add3A_176 : i32 to index
        %get3A_185 = arith.constant 16 : index
        %get3A_186 = tpu.vector_load %arg8[%get3A_184, %get3A_185] {strides = array<i32>} : memref<1024x32xf32, #tpu.memory_space<vmem>>, vector<16xf32>,
        tpu.vector_store_idx %arg9[%gather3A_180, %add3A_4], %get3A_186 {add = true} : memref<1024x32xf32, #tpu.memory_space<vmem>>[vector<16xi32>, vector<16xi32>], vector<16xf32>,
        %mul3A_187 = arith.constant 16 : i32
        %mul3A_188 = arith.muli %scan3A_59, %mul3A_187 : i32
        %add3A_189 = arith.constant 9 : i32
        %add3A_190 = arith.addi %mul3A_188, %add3A_189 : i32
        %broadcast_in_dim3A_191 = arith.constant 9 : i32
        %broadcast_in_dim3A_192 = vector.broadcast %broadcast_in_dim3A_191 : i32 to vector<16x1xi32>
        %gather3A_193 = vector.shape_cast %broadcast_in_dim3A_192 : vector<16x1xi32> to vector<16xi32>
        %gather3A_194 = tpu.dynamic_gather %get3A_62[%gather3A_193] in [0] : vector<16xi32>, vector<16xi32> -> vector<16xi32>
        %get3A_195 = arith.index_cast %add3A_190 : i32 to index
        %get3A_196 = arith.constant 0 : index
        %get3A_197 = tpu.vector_load %arg8[%get3A_195, %get3A_196] {strides = array<i32>} : memref<1024x32xf32, #tpu.memory_space<vmem>>, vector<16xf32>,
        tpu.vector_store_idx %arg9[%gather3A_194, %iota3A], %get3A_197 {add = true} : memref<1024x32xf32, #tpu.memory_space<vmem>>[vector<16xi32>, vector<16xi32>], vector<16xf32>,
        %get3A_198 = arith.index_cast %add3A_190 : i32 to index
        %get3A_199 = arith.constant 16 : index
        %get3A_200 = tpu.vector_load %arg8[%get3A_198, %get3A_199] {strides = array<i32>} : memref<1024x32xf32, #tpu.memory_space<vmem>>, vector<16xf32>,
        tpu.vector_store_idx %arg9[%gather3A_194, %add3A_4], %get3A_200 {add = true} : memref<1024x32xf32, #tpu.memory_space<vmem>>[vector<16xi32>, vector<16xi32>], vector<16xf32>,
        %mul3A_201 = arith.constant 16 : i32
        %mul3A_202 = arith.muli %scan3A_59, %mul3A_201 : i32
        %add3A_203 = arith.constant 10 : i32
        %add3A_204 = arith.addi %mul3A_202, %add3A_203 : i32
        %broadcast_in_dim3A_205 = arith.constant 10 : i32
        %broadcast_in_dim3A_206 = vector.broadcast %broadcast_in_dim3A_205 : i32 to vector<16x1xi32>
        %gather3A_207 = vector.shape_cast %broadcast_in_dim3A_206 : vector<16x1xi32> to vector<16xi32>
        %gather3A_208 = tpu.dynamic_gather %get3A_62[%gather3A_207] in [0] : vector<16xi32>, vector<16xi32> -> vector<16xi32>
        %get3A_209 = arith.index_cast %add3A_204 : i32 to index
        %get3A_210 = arith.constant 0 : index
        %get3A_211 = tpu.vector_load %arg8[%get3A_209, %get3A_210] {strides = array<i32>} : memref<1024x32xf32, #tpu.memory_space<vmem>>, vector<16xf32>,
        tpu.vector_store_idx %arg9[%gather3A_208, %iota3A], %get3A_211 {add = true} : memref<1024x32xf32, #tpu.memory_space<vmem>>[vector<16xi32>, vector<16xi32>], vector<16xf32>,
        %get3A_212 = arith.index_cast %add3A_204 : i32 to index
        %get3A_213 = arith.constant 16 : index
        %get3A_214 = tpu.vector_load %arg8[%get3A_212, %get3A_213] {strides = array<i32>} : memref<1024x32xf32, #tpu.memory_space<vmem>>, vector<16xf32>,
        tpu.vector_store_idx %arg9[%gather3A_208, %add3A_4], %get3A_214 {add = true} : memref<1024x32xf32, #tpu.memory_space<vmem>>[vector<16xi32>, vector<16xi32>], vector<16xf32>,
        %mul3A_215 = arith.constant 16 : i32
        %mul3A_216 = arith.muli %scan3A_59, %mul3A_215 : i32
        %add3A_217 = arith.constant 11 : i32
        %add3A_218 = arith.addi %mul3A_216, %add3A_217 : i32
        %broadcast_in_dim3A_219 = arith.constant 11 : i32
        %broadcast_in_dim3A_220 = vector.broadcast %broadcast_in_dim3A_219 : i32 to vector<16x1xi32>
        %gather3A_221 = vector.shape_cast %broadcast_in_dim3A_220 : vector<16x1xi32> to vector<16xi32>
        %gather3A_222 = tpu.dynamic_gather %get3A_62[%gather3A_221] in [0] : vector<16xi32>, vector<16xi32> -> vector<16xi32>
        %get3A_223 = arith.index_cast %add3A_218 : i32 to index
        %get3A_224 = arith.constant 0 : index
        %get3A_225 = tpu.vector_load %arg8[%get3A_223, %get3A_224] {strides = array<i32>} : memref<1024x32xf32, #tpu.memory_space<vmem>>, vector<16xf32>,
        tpu.vector_store_idx %arg9[%gather3A_222, %iota3A], %get3A_225 {add = true} : memref<1024x32xf32, #tpu.memory_space<vmem>>[vector<16xi32>, vector<16xi32>], vector<16xf32>,
        %get3A_226 = arith.index_cast %add3A_218 : i32 to index
        %get3A_227 = arith.constant 16 : index
        %get3A_228 = tpu.vector_load %arg8[%get3A_226, %get3A_227] {strides = array<i32>} : memref<1024x32xf32, #tpu.memory_space<vmem>>, vector<16xf32>,
        tpu.vector_store_idx %arg9[%gather3A_222, %add3A_4], %get3A_228 {add = true} : memref<1024x32xf32, #tpu.memory_space<vmem>>[vector<16xi32>, vector<16xi32>], vector<16xf32>,
        %mul3A_229 = arith.constant 16 : i32
        %mul3A_230 = arith.muli %scan3A_59, %mul3A_229 : i32
        %add3A_231 = arith.constant 12 : i32
        %add3A_232 = arith.addi %mul3A_230, %add3A_231 : i32
        %broadcast_in_dim3A_233 = arith.constant 12 : i32
        %broadcast_in_dim3A_234 = vector.broadcast %broadcast_in_dim3A_233 : i32 to vector<16x1xi32>
        %gather3A_235 = vector.shape_cast %broadcast_in_dim3A_234 : vector<16x1xi32> to vector<16xi32>
        %gather3A_236 = tpu.dynamic_gather %get3A_62[%gather3A_235] in [0] : vector<16xi32>, vector<16xi32> -> vector<16xi32>
        %get3A_237 = arith.index_cast %add3A_232 : i32 to index
        %get3A_238 = arith.constant 0 : index
        %get3A_239 = tpu.vector_load %arg8[%get3A_237, %get3A_238] {strides = array<i32>} : memref<1024x32xf32, #tpu.memory_space<vmem>>, vector<16xf32>,
        tpu.vector_store_idx %arg9[%gather3A_236, %iota3A], %get3A_239 {add = true} : memref<1024x32xf32, #tpu.memory_space<vmem>>[vector<16xi32>, vector<16xi32>], vector<16xf32>,
        %get3A_240 = arith.index_cast %add3A_232 : i32 to index
        %get3A_241 = arith.constant 16 : index
        %get3A_242 = tpu.vector_load %arg8[%get3A_240, %get3A_241] {strides = array<i32>} : memref<1024x32xf32, #tpu.memory_space<vmem>>, vector<16xf32>,
        tpu.vector_store_idx %arg9[%gather3A_236, %add3A_4], %get3A_242 {add = true} : memref<1024x32xf32, #tpu.memory_space<vmem>>[vector<16xi32>, vector<16xi32>], vector<16xf32>,
        %mul3A_243 = arith.constant 16 : i32
        %mul3A_244 = arith.muli %scan3A_59, %mul3A_243 : i32
        %add3A_245 = arith.constant 13 : i32
        %add3A_246 = arith.addi %mul3A_244, %add3A_245 : i32
        %broadcast_in_dim3A_247 = arith.constant 13 : i32
        %broadcast_in_dim3A_248 = vector.broadcast %broadcast_in_dim3A_247 : i32 to vector<16x1xi32>
        %gather3A_249 = vector.shape_cast %broadcast_in_dim3A_248 : vector<16x1xi32> to vector<16xi32>
        %gather3A_250 = tpu.dynamic_gather %get3A_62[%gather3A_249] in [0] : vector<16xi32>, vector<16xi32> -> vector<16xi32>
        %get3A_251 = arith.index_cast %add3A_246 : i32 to index
        %get3A_252 = arith.constant 0 : index
        %get3A_253 = tpu.vector_load %arg8[%get3A_251, %get3A_252] {strides = array<i32>} : memref<1024x32xf32, #tpu.memory_space<vmem>>, vector<16xf32>,
        tpu.vector_store_idx %arg9[%gather3A_250, %iota3A], %get3A_253 {add = true} : memref<1024x32xf32, #tpu.memory_space<vmem>>[vector<16xi32>, vector<16xi32>], vector<16xf32>,
        %get3A_254 = arith.index_cast %add3A_246 : i32 to index
        %get3A_255 = arith.constant 16 : index
        %get3A_256 = tpu.vector_load %arg8[%get3A_254, %get3A_255] {strides = array<i32>} : memref<1024x32xf32, #tpu.memory_space<vmem>>, vector<16xf32>,
        tpu.vector_store_idx %arg9[%gather3A_250, %add3A_4], %get3A_256 {add = true} : memref<1024x32xf32, #tpu.memory_space<vmem>>[vector<16xi32>, vector<16xi32>], vector<16xf32>,
        %mul3A_257 = arith.constant 16 : i32
        %mul3A_258 = arith.muli %scan3A_59, %mul3A_257 : i32
        %add3A_259 = arith.constant 14 : i32
        %add3A_260 = arith.addi %mul3A_258, %add3A_259 : i32
        %broadcast_in_dim3A_261 = arith.constant 14 : i32
        %broadcast_in_dim3A_262 = vector.broadcast %broadcast_in_dim3A_261 : i32 to vector<16x1xi32>
        %gather3A_263 = vector.shape_cast %broadcast_in_dim3A_262 : vector<16x1xi32> to vector<16xi32>
        %gather3A_264 = tpu.dynamic_gather %get3A_62[%gather3A_263] in [0] : vector<16xi32>, vector<16xi32> -> vector<16xi32>
        %get3A_265 = arith.index_cast %add3A_260 : i32 to index
        %get3A_266 = arith.constant 0 : index
        %get3A_267 = tpu.vector_load %arg8[%get3A_265, %get3A_266] {strides = array<i32>} : memref<1024x32xf32, #tpu.memory_space<vmem>>, vector<16xf32>,
        tpu.vector_store_idx %arg9[%gather3A_264, %iota3A], %get3A_267 {add = true} : memref<1024x32xf32, #tpu.memory_space<vmem>>[vector<16xi32>, vector<16xi32>], vector<16xf32>,
        %get3A_268 = arith.index_cast %add3A_260 : i32 to index
        %get3A_269 = arith.constant 16 : index
        %get3A_270 = tpu.vector_load %arg8[%get3A_268, %get3A_269] {strides = array<i32>} : memref<1024x32xf32, #tpu.memory_space<vmem>>, vector<16xf32>,
        tpu.vector_store_idx %arg9[%gather3A_264, %add3A_4], %get3A_270 {add = true} : memref<1024x32xf32, #tpu.memory_space<vmem>>[vector<16xi32>, vector<16xi32>], vector<16xf32>,
        %mul3A_271 = arith.constant 16 : i32
        %mul3A_272 = arith.muli %scan3A_59, %mul3A_271 : i32
        %add3A_273 = arith.constant 15 : i32
        %add3A_274 = arith.addi %mul3A_272, %add3A_273 : i32
        %broadcast_in_dim3A_275 = arith.constant 15 : i32
        %broadcast_in_dim3A_276 = vector.broadcast %broadcast_in_dim3A_275 : i32 to vector<16x1xi32>
        %gather3A_277 = vector.shape_cast %broadcast_in_dim3A_276 : vector<16x1xi32> to vector<16xi32>
        %gather3A_278 = tpu.dynamic_gather %get3A_62[%gather3A_277] in [0] : vector<16xi32>, vector<16xi32> -> vector<16xi32>
        %get3A_279 = arith.index_cast %add3A_274 : i32 to index
        %get3A_280 = arith.constant 0 : index
        %get3A_281 = tpu.vector_load %arg8[%get3A_279, %get3A_280] {strides = array<i32>} : memref<1024x32xf32, #tpu.memory_space<vmem>>, vector<16xf32>,
        tpu.vector_store_idx %arg9[%gather3A_278, %iota3A], %get3A_281 {add = true} : memref<1024x32xf32, #tpu.memory_space<vmem>>[vector<16xi32>, vector<16xi32>], vector<16xf32>,
        %get3A_282 = arith.index_cast %add3A_274 : i32 to index
        %get3A_283 = arith.constant 16 : index
        %get3A_284 = tpu.vector_load %arg8[%get3A_282, %get3A_283] {strides = array<i32>} : memref<1024x32xf32, #tpu.memory_space<vmem>>, vector<16xf32>,
        tpu.vector_store_idx %arg9[%gather3A_278, %add3A_4], %get3A_284 {add = true} : memref<1024x32xf32, #tpu.memory_space<vmem>>[vector<16xi32>, vector<16xi32>], vector<16xf32>,
      }
      %scan3A_25 = arith.constant 64 : i32
      "tpu.region"() ({
        %run_scoped3A = tpu.sem_alloc : memref<!tpu.dma_semaphore, #tpu.memory_space<semaphore_mem>>
        %dma_start3A = arith.constant 0 : i32
        %dma_start3A_59 = tpu.memref_slice %arg7[%dma_start3A, %mul3A_0] : memref<1024x512xf32, #tpu.memory_space<vmem_shared>> -> memref<1024x32xf32, #tpu.memory_space<vmem_shared>>
        %dma_start3A_60 = arith.constant 0 : i32
        %dma_start3A_61 = tpu.memref_slice %arg7[%dma_start3A_60, %mul3A_0] : memref<1024x512xf32, #tpu.memory_space<vmem_shared>> -> memref<1024x32xf32, #tpu.memory_space<vmem_shared>>
        tpu.enqueue_dma source(%arg9 : memref<1024x32xf32, #tpu.memory_space<vmem>>) target(%dma_start3A_61 : memref<1024x32xf32, #tpu.memory_space<vmem_shared>>) target_semaphore(%run_scoped3A : memref<!tpu.dma_semaphore, #tpu.memory_space<semaphore_mem>>)
        %dma_wait3A = arith.constant 0 : i32
        %dma_wait3A_62 = tpu.memref_slice %arg7[%dma_wait3A, %mul3A_0] : memref<1024x512xf32, #tpu.memory_space<vmem_shared>> -> memref<1024x32xf32, #tpu.memory_space<vmem_shared>>
        %dma_wait3A_63 = arith.constant 0 : i32
        %dma_wait3A_64 = tpu.memref_slice %arg7[%dma_wait3A_63, %mul3A_0] : memref<1024x512xf32, #tpu.memory_space<vmem_shared>> -> memref<1024x32xf32, #tpu.memory_space<vmem_shared>>
        tpu.wait_dma2 semaphore(%run_scoped3A : memref<!tpu.dma_semaphore, #tpu.memory_space<semaphore_mem>>) src(%arg9 : memref<1024x32xf32, #tpu.memory_space<vmem>>) dst(%dma_wait3A_64 : memref<1024x32xf32, #tpu.memory_space<vmem_shared>>)
        tpu.yield
      }) : () -> ()
      %barrier3A = arith.constant 0 : index
      tpu.barrier barrier_id(%barrier3A)
      %add3A_26 = arith.constant 0 : i32
      %add3A_27 = arith.addi %mul3A_2, %add3A_26 : i32
      "tpu.region"() ({
        %run_scoped3A = tpu.sem_alloc : memref<!tpu.dma_semaphore, #tpu.memory_space<semaphore_mem>>
        %dma_start3A = arith.constant 0 : i32
        %dma_start3A_59 = tpu.memref_slice %arg7[%add3A_27, %dma_start3A] : memref<1024x512xf32, #tpu.memory_space<vmem_shared>> -> memref<16x512xf32, #tpu.memory_space<vmem_shared>>
        %dma_start3A_60 = arith.constant 0 : i32
        %dma_start3A_61 = tpu.memref_slice %arg7[%add3A_27, %dma_start3A_60] : memref<1024x512xf32, #tpu.memory_space<vmem_shared>> -> memref<16x512xf32, #tpu.memory_space<vmem_shared>>
        tpu.enqueue_dma source(%dma_start3A_61 : memref<16x512xf32, #tpu.memory_space<vmem_shared>>) target(%arg11 : memref<16x512xf32, #tpu.memory_space<vmem>>) target_semaphore(%run_scoped3A : memref<!tpu.dma_semaphore, #tpu.memory_space<semaphore_mem>>)
        %dma_wait3A = arith.constant 0 : i32
        %dma_wait3A_62 = tpu.memref_slice %arg7[%add3A_27, %dma_wait3A] : memref<1024x512xf32, #tpu.memory_space<vmem_shared>> -> memref<16x512xf32, #tpu.memory_space<vmem_shared>>
        %dma_wait3A_63 = arith.constant 0 : i32
        %dma_wait3A_64 = tpu.memref_slice %arg7[%add3A_27, %dma_wait3A_63] : memref<1024x512xf32, #tpu.memory_space<vmem_shared>> -> memref<16x512xf32, #tpu.memory_space<vmem_shared>>
        tpu.wait_dma2 semaphore(%run_scoped3A : memref<!tpu.dma_semaphore, #tpu.memory_space<semaphore_mem>>) src(%dma_wait3A_64 : memref<16x512xf32, #tpu.memory_space<vmem_shared>>) dst(%arg11 : memref<16x512xf32, #tpu.memory_space<vmem>>)
        tpu.yield
      }) : () -> ()
      "tpu.region"() ({
        %run_scoped3A = tpu.sem_alloc : memref<!tpu.dma_semaphore, #tpu.memory_space<semaphore_mem>>
        %dma_start3A = arith.constant 0 : i32
        %dma_start3A_59 = tpu.memref_slice %arg2[%add3A_13, %add3A_27, %dma_start3A] : memref<32x1024x1024xf32, #tpu.memory_space<hbm>> -> memref<1x16x1024xf32, #tpu.memory_space<hbm>>
        %dma_start3A_60 = tpu.memref_squeeze %dma_start3A_59 : memref<1x16x1024xf32, #tpu.memory_space<hbm>> -> memref<16x1024xf32, #tpu.memory_space<hbm>>
        %dma_start3A_61 = arith.constant 0 : i32
        %dma_start3A_62 = tpu.memref_slice %arg2[%add3A_13, %add3A_27, %dma_start3A_61] : memref<32x1024x1024xf32, #tpu.memory_space<hbm>> -> memref<1x16x1024xf32, #tpu.memory_space<hbm>>
        %dma_start3A_63 = tpu.memref_squeeze %dma_start3A_62 : memref<1x16x1024xf32, #tpu.memory_space<hbm>> -> memref<16x1024xf32, #tpu.memory_space<hbm>>
        tpu.enqueue_dma source(%dma_start3A_63 : memref<16x1024xf32, #tpu.memory_space<hbm>>) target(%arg10 : memref<16x1024xf32, #tpu.memory_space<vmem>>) target_semaphore(%run_scoped3A : memref<!tpu.dma_semaphore, #tpu.memory_space<semaphore_mem>>)
        %dma_wait3A = arith.constant 0 : i32
        %dma_wait3A_64 = tpu.memref_slice %arg2[%add3A_13, %add3A_27, %dma_wait3A] : memref<32x1024x1024xf32, #tpu.memory_space<hbm>> -> memref<1x16x1024xf32, #tpu.memory_space<hbm>>
        %dma_wait3A_65 = tpu.memref_squeeze %dma_wait3A_64 : memref<1x16x1024xf32, #tpu.memory_space<hbm>> -> memref<16x1024xf32, #tpu.memory_space<hbm>>
        %dma_wait3A_66 = arith.constant 0 : i32
        %dma_wait3A_67 = tpu.memref_slice %arg2[%add3A_13, %add3A_27, %dma_wait3A_66] : memref<32x1024x1024xf32, #tpu.memory_space<hbm>> -> memref<1x16x1024xf32, #tpu.memory_space<hbm>>
        %dma_wait3A_68 = tpu.memref_squeeze %dma_wait3A_67 : memref<1x16x1024xf32, #tpu.memory_space<hbm>> -> memref<16x1024xf32, #tpu.memory_space<hbm>>
        tpu.wait_dma2 semaphore(%run_scoped3A : memref<!tpu.dma_semaphore, #tpu.memory_space<semaphore_mem>>) src(%dma_wait3A_68 : memref<16x1024xf32, #tpu.memory_space<hbm>>) dst(%arg10 : memref<16x1024xf32, #tpu.memory_space<vmem>>)
        tpu.yield
      }) : () -> ()
      %scan3A_28 = arith.constant 0 : i32
      %scan3A_29 = arith.constant 0 : i32
      %scan3A_30 = arith.constant 32 : i32
      %scan3A_31 = arith.addi %scan3A_29, %scan3A_30 : i32
      %scan3A_32 = arith.constant 1 : i32
      scf.for %scan3A_59 = %scan3A_29 to %scan3A_31 step %scan3A_32  : i32 {
        %mul3A_60 = arith.constant 16 : i32
        %mul3A_61 = arith.muli %scan3A_59, %mul3A_60 : i32
        %get3A = arith.index_cast %mul3A_61 : i32 to index
        %get3A_62 = tpu.vector_load %arg12[%get3A] {strides = array<i32>} : memref<512xi32, #tpu.memory_space<vmem>>, vector<16xi32>,
        %mul3A_63 = arith.constant 16 : i32
        %mul3A_64 = arith.muli %scan3A_59, %mul3A_63 : i32
        %get3A_65 = arith.constant 0 : i32
        %get3A_66 = arith.index_cast %get3A_65 : i32 to index
        %get3A_67 = arith.index_cast %mul3A_64 : i32 to index
        %get3A_68 = tpu.vector_load %arg11[%get3A_66, %get3A_67] {strides = array<i32>} : memref<16x512xf32, #tpu.memory_space<vmem>>, vector<16xf32>,
        %broadcast_in_dim3A = arith.constant 0 : i32
        %broadcast_in_dim3A_69 = vector.broadcast %broadcast_in_dim3A : i32 to vector<16xi32>
        tpu.vector_store_idx %arg10[%broadcast_in_dim3A_69, %get3A_62], %get3A_68 {add = true} : memref<16x1024xf32, #tpu.memory_space<vmem>>[vector<16xi32>, vector<16xi32>], vector<16xf32>,
        %mul3A_70 = arith.constant 16 : i32
        %mul3A_71 = arith.muli %scan3A_59, %mul3A_70 : i32
        %get3A_72 = arith.constant 1 : i32
        %get3A_73 = arith.index_cast %get3A_72 : i32 to index
        %get3A_74 = arith.index_cast %mul3A_71 : i32 to index
        %get3A_75 = tpu.vector_load %arg11[%get3A_73, %get3A_74] {strides = array<i32>} : memref<16x512xf32, #tpu.memory_space<vmem>>, vector<16xf32>,
        %broadcast_in_dim3A_76 = arith.constant 1 : i32
        %broadcast_in_dim3A_77 = vector.broadcast %broadcast_in_dim3A_76 : i32 to vector<16xi32>
        tpu.vector_store_idx %arg10[%broadcast_in_dim3A_77, %get3A_62], %get3A_75 {add = true} : memref<16x1024xf32, #tpu.memory_space<vmem>>[vector<16xi32>, vector<16xi32>], vector<16xf32>,
        %mul3A_78 = arith.constant 16 : i32
        %mul3A_79 = arith.muli %scan3A_59, %mul3A_78 : i32
        %get3A_80 = arith.constant 2 : i32
        %get3A_81 = arith.index_cast %get3A_80 : i32 to index
        %get3A_82 = arith.index_cast %mul3A_79 : i32 to index
        %get3A_83 = tpu.vector_load %arg11[%get3A_81, %get3A_82] {strides = array<i32>} : memref<16x512xf32, #tpu.memory_space<vmem>>, vector<16xf32>,
        %broadcast_in_dim3A_84 = arith.constant 2 : i32
        %broadcast_in_dim3A_85 = vector.broadcast %broadcast_in_dim3A_84 : i32 to vector<16xi32>
        tpu.vector_store_idx %arg10[%broadcast_in_dim3A_85, %get3A_62], %get3A_83 {add = true} : memref<16x1024xf32, #tpu.memory_space<vmem>>[vector<16xi32>, vector<16xi32>], vector<16xf32>,
        %mul3A_86 = arith.constant 16 : i32
        %mul3A_87 = arith.muli %scan3A_59, %mul3A_86 : i32
        %get3A_88 = arith.constant 3 : i32
        %get3A_89 = arith.index_cast %get3A_88 : i32 to index
        %get3A_90 = arith.index_cast %mul3A_87 : i32 to index
        %get3A_91 = tpu.vector_load %arg11[%get3A_89, %get3A_90] {strides = array<i32>} : memref<16x512xf32, #tpu.memory_space<vmem>>, vector<16xf32>,
        %broadcast_in_dim3A_92 = arith.constant 3 : i32
        %broadcast_in_dim3A_93 = vector.broadcast %broadcast_in_dim3A_92 : i32 to vector<16xi32>
        tpu.vector_store_idx %arg10[%broadcast_in_dim3A_93, %get3A_62], %get3A_91 {add = true} : memref<16x1024xf32, #tpu.memory_space<vmem>>[vector<16xi32>, vector<16xi32>], vector<16xf32>,
        %mul3A_94 = arith.constant 16 : i32
        %mul3A_95 = arith.muli %scan3A_59, %mul3A_94 : i32
        %get3A_96 = arith.constant 4 : i32
        %get3A_97 = arith.index_cast %get3A_96 : i32 to index
        %get3A_98 = arith.index_cast %mul3A_95 : i32 to index
        %get3A_99 = tpu.vector_load %arg11[%get3A_97, %get3A_98] {strides = array<i32>} : memref<16x512xf32, #tpu.memory_space<vmem>>, vector<16xf32>,
        %broadcast_in_dim3A_100 = arith.constant 4 : i32
        %broadcast_in_dim3A_101 = vector.broadcast %broadcast_in_dim3A_100 : i32 to vector<16xi32>
        tpu.vector_store_idx %arg10[%broadcast_in_dim3A_101, %get3A_62], %get3A_99 {add = true} : memref<16x1024xf32, #tpu.memory_space<vmem>>[vector<16xi32>, vector<16xi32>], vector<16xf32>,
        %mul3A_102 = arith.constant 16 : i32
        %mul3A_103 = arith.muli %scan3A_59, %mul3A_102 : i32
        %get3A_104 = arith.constant 5 : i32
        %get3A_105 = arith.index_cast %get3A_104 : i32 to index
        %get3A_106 = arith.index_cast %mul3A_103 : i32 to index
        %get3A_107 = tpu.vector_load %arg11[%get3A_105, %get3A_106] {strides = array<i32>} : memref<16x512xf32, #tpu.memory_space<vmem>>, vector<16xf32>,
        %broadcast_in_dim3A_108 = arith.constant 5 : i32
        %broadcast_in_dim3A_109 = vector.broadcast %broadcast_in_dim3A_108 : i32 to vector<16xi32>
        tpu.vector_store_idx %arg10[%broadcast_in_dim3A_109, %get3A_62], %get3A_107 {add = true} : memref<16x1024xf32, #tpu.memory_space<vmem>>[vector<16xi32>, vector<16xi32>], vector<16xf32>,
        %mul3A_110 = arith.constant 16 : i32
        %mul3A_111 = arith.muli %scan3A_59, %mul3A_110 : i32
        %get3A_112 = arith.constant 6 : i32
        %get3A_113 = arith.index_cast %get3A_112 : i32 to index
        %get3A_114 = arith.index_cast %mul3A_111 : i32 to index
        %get3A_115 = tpu.vector_load %arg11[%get3A_113, %get3A_114] {strides = array<i32>} : memref<16x512xf32, #tpu.memory_space<vmem>>, vector<16xf32>,
        %broadcast_in_dim3A_116 = arith.constant 6 : i32
        %broadcast_in_dim3A_117 = vector.broadcast %broadcast_in_dim3A_116 : i32 to vector<16xi32>
        tpu.vector_store_idx %arg10[%broadcast_in_dim3A_117, %get3A_62], %get3A_115 {add = true} : memref<16x1024xf32, #tpu.memory_space<vmem>>[vector<16xi32>, vector<16xi32>], vector<16xf32>,
        %mul3A_118 = arith.constant 16 : i32
        %mul3A_119 = arith.muli %scan3A_59, %mul3A_118 : i32
        %get3A_120 = arith.constant 7 : i32
        %get3A_121 = arith.index_cast %get3A_120 : i32 to index
        %get3A_122 = arith.index_cast %mul3A_119 : i32 to index
        %get3A_123 = tpu.vector_load %arg11[%get3A_121, %get3A_122] {strides = array<i32>} : memref<16x512xf32, #tpu.memory_space<vmem>>, vector<16xf32>,
        %broadcast_in_dim3A_124 = arith.constant 7 : i32
        %broadcast_in_dim3A_125 = vector.broadcast %broadcast_in_dim3A_124 : i32 to vector<16xi32>
        tpu.vector_store_idx %arg10[%broadcast_in_dim3A_125, %get3A_62], %get3A_123 {add = true} : memref<16x1024xf32, #tpu.memory_space<vmem>>[vector<16xi32>, vector<16xi32>], vector<16xf32>,
        %mul3A_126 = arith.constant 16 : i32
        %mul3A_127 = arith.muli %scan3A_59, %mul3A_126 : i32
        %get3A_128 = arith.constant 8 : i32
        %get3A_129 = arith.index_cast %get3A_128 : i32 to index
        %get3A_130 = arith.index_cast %mul3A_127 : i32 to index
        %get3A_131 = tpu.vector_load %arg11[%get3A_129, %get3A_130] {strides = array<i32>} : memref<16x512xf32, #tpu.memory_space<vmem>>, vector<16xf32>,
        %broadcast_in_dim3A_132 = arith.constant 8 : i32
        %broadcast_in_dim3A_133 = vector.broadcast %broadcast_in_dim3A_132 : i32 to vector<16xi32>
        tpu.vector_store_idx %arg10[%broadcast_in_dim3A_133, %get3A_62], %get3A_131 {add = true} : memref<16x1024xf32, #tpu.memory_space<vmem>>[vector<16xi32>, vector<16xi32>], vector<16xf32>,
        %mul3A_134 = arith.constant 16 : i32
        %mul3A_135 = arith.muli %scan3A_59, %mul3A_134 : i32
        %get3A_136 = arith.constant 9 : i32
        %get3A_137 = arith.index_cast %get3A_136 : i32 to index
        %get3A_138 = arith.index_cast %mul3A_135 : i32 to index
        %get3A_139 = tpu.vector_load %arg11[%get3A_137, %get3A_138] {strides = array<i32>} : memref<16x512xf32, #tpu.memory_space<vmem>>, vector<16xf32>,
        %broadcast_in_dim3A_140 = arith.constant 9 : i32
        %broadcast_in_dim3A_141 = vector.broadcast %broadcast_in_dim3A_140 : i32 to vector<16xi32>
        tpu.vector_store_idx %arg10[%broadcast_in_dim3A_141, %get3A_62], %get3A_139 {add = true} : memref<16x1024xf32, #tpu.memory_space<vmem>>[vector<16xi32>, vector<16xi32>], vector<16xf32>,
        %mul3A_142 = arith.constant 16 : i32
        %mul3A_143 = arith.muli %scan3A_59, %mul3A_142 : i32
        %get3A_144 = arith.constant 10 : i32
        %get3A_145 = arith.index_cast %get3A_144 : i32 to index
        %get3A_146 = arith.index_cast %mul3A_143 : i32 to index
        %get3A_147 = tpu.vector_load %arg11[%get3A_145, %get3A_146] {strides = array<i32>} : memref<16x512xf32, #tpu.memory_space<vmem>>, vector<16xf32>,
        %broadcast_in_dim3A_148 = arith.constant 10 : i32
        %broadcast_in_dim3A_149 = vector.broadcast %broadcast_in_dim3A_148 : i32 to vector<16xi32>
        tpu.vector_store_idx %arg10[%broadcast_in_dim3A_149, %get3A_62], %get3A_147 {add = true} : memref<16x1024xf32, #tpu.memory_space<vmem>>[vector<16xi32>, vector<16xi32>], vector<16xf32>,
        %mul3A_150 = arith.constant 16 : i32
        %mul3A_151 = arith.muli %scan3A_59, %mul3A_150 : i32
        %get3A_152 = arith.constant 11 : i32
        %get3A_153 = arith.index_cast %get3A_152 : i32 to index
        %get3A_154 = arith.index_cast %mul3A_151 : i32 to index
        %get3A_155 = tpu.vector_load %arg11[%get3A_153, %get3A_154] {strides = array<i32>} : memref<16x512xf32, #tpu.memory_space<vmem>>, vector<16xf32>,
        %broadcast_in_dim3A_156 = arith.constant 11 : i32
        %broadcast_in_dim3A_157 = vector.broadcast %broadcast_in_dim3A_156 : i32 to vector<16xi32>
        tpu.vector_store_idx %arg10[%broadcast_in_dim3A_157, %get3A_62], %get3A_155 {add = true} : memref<16x1024xf32, #tpu.memory_space<vmem>>[vector<16xi32>, vector<16xi32>], vector<16xf32>,
        %mul3A_158 = arith.constant 16 : i32
        %mul3A_159 = arith.muli %scan3A_59, %mul3A_158 : i32
        %get3A_160 = arith.constant 12 : i32
        %get3A_161 = arith.index_cast %get3A_160 : i32 to index
        %get3A_162 = arith.index_cast %mul3A_159 : i32 to index
        %get3A_163 = tpu.vector_load %arg11[%get3A_161, %get3A_162] {strides = array<i32>} : memref<16x512xf32, #tpu.memory_space<vmem>>, vector<16xf32>,
        %broadcast_in_dim3A_164 = arith.constant 12 : i32
        %broadcast_in_dim3A_165 = vector.broadcast %broadcast_in_dim3A_164 : i32 to vector<16xi32>
        tpu.vector_store_idx %arg10[%broadcast_in_dim3A_165, %get3A_62], %get3A_163 {add = true} : memref<16x1024xf32, #tpu.memory_space<vmem>>[vector<16xi32>, vector<16xi32>], vector<16xf32>,
        %mul3A_166 = arith.constant 16 : i32
        %mul3A_167 = arith.muli %scan3A_59, %mul3A_166 : i32
        %get3A_168 = arith.constant 13 : i32
        %get3A_169 = arith.index_cast %get3A_168 : i32 to index
        %get3A_170 = arith.index_cast %mul3A_167 : i32 to index
        %get3A_171 = tpu.vector_load %arg11[%get3A_169, %get3A_170] {strides = array<i32>} : memref<16x512xf32, #tpu.memory_space<vmem>>, vector<16xf32>,
        %broadcast_in_dim3A_172 = arith.constant 13 : i32
        %broadcast_in_dim3A_173 = vector.broadcast %broadcast_in_dim3A_172 : i32 to vector<16xi32>
        tpu.vector_store_idx %arg10[%broadcast_in_dim3A_173, %get3A_62], %get3A_171 {add = true} : memref<16x1024xf32, #tpu.memory_space<vmem>>[vector<16xi32>, vector<16xi32>], vector<16xf32>,
        %mul3A_174 = arith.constant 16 : i32
        %mul3A_175 = arith.muli %scan3A_59, %mul3A_174 : i32
        %get3A_176 = arith.constant 14 : i32
        %get3A_177 = arith.index_cast %get3A_176 : i32 to index
        %get3A_178 = arith.index_cast %mul3A_175 : i32 to index
        %get3A_179 = tpu.vector_load %arg11[%get3A_177, %get3A_178] {strides = array<i32>} : memref<16x512xf32, #tpu.memory_space<vmem>>, vector<16xf32>,
        %broadcast_in_dim3A_180 = arith.constant 14 : i32
        %broadcast_in_dim3A_181 = vector.broadcast %broadcast_in_dim3A_180 : i32 to vector<16xi32>
        tpu.vector_store_idx %arg10[%broadcast_in_dim3A_181, %get3A_62], %get3A_179 {add = true} : memref<16x1024xf32, #tpu.memory_space<vmem>>[vector<16xi32>, vector<16xi32>], vector<16xf32>,
        %mul3A_182 = arith.constant 16 : i32
        %mul3A_183 = arith.muli %scan3A_59, %mul3A_182 : i32
        %get3A_184 = arith.constant 15 : i32
        %get3A_185 = arith.index_cast %get3A_184 : i32 to index
        %get3A_186 = arith.index_cast %mul3A_183 : i32 to index
        %get3A_187 = tpu.vector_load %arg11[%get3A_185, %get3A_186] {strides = array<i32>} : memref<16x512xf32, #tpu.memory_space<vmem>>, vector<16xf32>,
        %broadcast_in_dim3A_188 = arith.constant 15 : i32
        %broadcast_in_dim3A_189 = vector.broadcast %broadcast_in_dim3A_188 : i32 to vector<16xi32>
        tpu.vector_store_idx %arg10[%broadcast_in_dim3A_189, %get3A_62], %get3A_187 {add = true} : memref<16x1024xf32, #tpu.memory_space<vmem>>[vector<16xi32>, vector<16xi32>], vector<16xf32>,
      }
      %scan3A_33 = arith.constant 32 : i32
      "tpu.region"() ({
        %run_scoped3A = tpu.sem_alloc : memref<!tpu.dma_semaphore, #tpu.memory_space<semaphore_mem>>
        %dma_start3A = arith.constant 0 : i32
        %dma_start3A_59 = tpu.memref_slice %arg6[%add3A_13, %add3A_27, %dma_start3A] : memref<32x1024x1024xf32, #tpu.memory_space<hbm>> -> memref<1x16x1024xf32, #tpu.memory_space<hbm>>
        %dma_start3A_60 = tpu.memref_squeeze %dma_start3A_59 : memref<1x16x1024xf32, #tpu.memory_space<hbm>> -> memref<16x1024xf32, #tpu.memory_space<hbm>>
        %dma_start3A_61 = arith.constant 0 : i32
        %dma_start3A_62 = tpu.memref_slice %arg6[%add3A_13, %add3A_27, %dma_start3A_61] : memref<32x1024x1024xf32, #tpu.memory_space<hbm>> -> memref<1x16x1024xf32, #tpu.memory_space<hbm>>
        %dma_start3A_63 = tpu.memref_squeeze %dma_start3A_62 : memref<1x16x1024xf32, #tpu.memory_space<hbm>> -> memref<16x1024xf32, #tpu.memory_space<hbm>>
        tpu.enqueue_dma source(%arg10 : memref<16x1024xf32, #tpu.memory_space<vmem>>) target(%dma_start3A_63 : memref<16x1024xf32, #tpu.memory_space<hbm>>) target_semaphore(%run_scoped3A : memref<!tpu.dma_semaphore, #tpu.memory_space<semaphore_mem>>)
        %dma_wait3A = arith.constant 0 : i32
        %dma_wait3A_64 = tpu.memref_slice %arg6[%add3A_13, %add3A_27, %dma_wait3A] : memref<32x1024x1024xf32, #tpu.memory_space<hbm>> -> memref<1x16x1024xf32, #tpu.memory_space<hbm>>
        %dma_wait3A_65 = tpu.memref_squeeze %dma_wait3A_64 : memref<1x16x1024xf32, #tpu.memory_space<hbm>> -> memref<16x1024xf32, #tpu.memory_space<hbm>>
        %dma_wait3A_66 = arith.constant 0 : i32
        %dma_wait3A_67 = tpu.memref_slice %arg6[%add3A_13, %add3A_27, %dma_wait3A_66] : memref<32x1024x1024xf32, #tpu.memory_space<hbm>> -> memref<1x16x1024xf32, #tpu.memory_space<hbm>>
        %dma_wait3A_68 = tpu.memref_squeeze %dma_wait3A_67 : memref<1x16x1024xf32, #tpu.memory_space<hbm>> -> memref<16x1024xf32, #tpu.memory_space<hbm>>
        tpu.wait_dma2 semaphore(%run_scoped3A : memref<!tpu.dma_semaphore, #tpu.memory_space<semaphore_mem>>) src(%arg10 : memref<16x1024xf32, #tpu.memory_space<vmem>>) dst(%dma_wait3A_68 : memref<16x1024xf32, #tpu.memory_space<hbm>>)
        tpu.yield
      }) : () -> ()
      %add3A_34 = arith.constant 16 : i32
      %add3A_35 = arith.addi %mul3A_2, %add3A_34 : i32
      "tpu.region"() ({
        %run_scoped3A = tpu.sem_alloc : memref<!tpu.dma_semaphore, #tpu.memory_space<semaphore_mem>>
        %dma_start3A = arith.constant 0 : i32
        %dma_start3A_59 = tpu.memref_slice %arg7[%add3A_35, %dma_start3A] : memref<1024x512xf32, #tpu.memory_space<vmem_shared>> -> memref<16x512xf32, #tpu.memory_space<vmem_shared>>
        %dma_start3A_60 = arith.constant 0 : i32
        %dma_start3A_61 = tpu.memref_slice %arg7[%add3A_35, %dma_start3A_60] : memref<1024x512xf32, #tpu.memory_space<vmem_shared>> -> memref<16x512xf32, #tpu.memory_space<vmem_shared>>
        tpu.enqueue_dma source(%dma_start3A_61 : memref<16x512xf32, #tpu.memory_space<vmem_shared>>) target(%arg11 : memref<16x512xf32, #tpu.memory_space<vmem>>) target_semaphore(%run_scoped3A : memref<!tpu.dma_semaphore, #tpu.memory_space<semaphore_mem>>)
        %dma_wait3A = arith.constant 0 : i32
        %dma_wait3A_62 = tpu.memref_slice %arg7[%add3A_35, %dma_wait3A] : memref<1024x512xf32, #tpu.memory_space<vmem_shared>> -> memref<16x512xf32, #tpu.memory_space<vmem_shared>>
        %dma_wait3A_63 = arith.constant 0 : i32
        %dma_wait3A_64 = tpu.memref_slice %arg7[%add3A_35, %dma_wait3A_63] : memref<1024x512xf32, #tpu.memory_space<vmem_shared>> -> memref<16x512xf32, #tpu.memory_space<vmem_shared>>
        tpu.wait_dma2 semaphore(%run_scoped3A : memref<!tpu.dma_semaphore, #tpu.memory_space<semaphore_mem>>) src(%dma_wait3A_64 : memref<16x512xf32, #tpu.memory_space<vmem_shared>>) dst(%arg11 : memref<16x512xf32, #tpu.memory_space<vmem>>)
        tpu.yield
      }) : () -> ()
      "tpu.region"() ({
        %run_scoped3A = tpu.sem_alloc : memref<!tpu.dma_semaphore, #tpu.memory_space<semaphore_mem>>
        %dma_start3A = arith.constant 0 : i32
        %dma_start3A_59 = tpu.memref_slice %arg2[%add3A_13, %add3A_35, %dma_start3A] : memref<32x1024x1024xf32, #tpu.memory_space<hbm>> -> memref<1x16x1024xf32, #tpu.memory_space<hbm>>
        %dma_start3A_60 = tpu.memref_squeeze %dma_start3A_59 : memref<1x16x1024xf32, #tpu.memory_space<hbm>> -> memref<16x1024xf32, #tpu.memory_space<hbm>>
        %dma_start3A_61 = arith.constant 0 : i32
        %dma_start3A_62 = tpu.memref_slice %arg2[%add3A_13, %add3A_35, %dma_start3A_61] : memref<32x1024x1024xf32, #tpu.memory_space<hbm>> -> memref<1x16x1024xf32, #tpu.memory_space<hbm>>
        %dma_start3A_63 = tpu.memref_squeeze %dma_start3A_62 : memref<1x16x1024xf32, #tpu.memory_space<hbm>> -> memref<16x1024xf32, #tpu.memory_space<hbm>>
        tpu.enqueue_dma source(%dma_start3A_63 : memref<16x1024xf32, #tpu.memory_space<hbm>>) target(%arg10 : memref<16x1024xf32, #tpu.memory_space<vmem>>) target_semaphore(%run_scoped3A : memref<!tpu.dma_semaphore, #tpu.memory_space<semaphore_mem>>)
        %dma_wait3A = arith.constant 0 : i32
        %dma_wait3A_64 = tpu.memref_slice %arg2[%add3A_13, %add3A_35, %dma_wait3A] : memref<32x1024x1024xf32, #tpu.memory_space<hbm>> -> memref<1x16x1024xf32, #tpu.memory_space<hbm>>
        %dma_wait3A_65 = tpu.memref_squeeze %dma_wait3A_64 : memref<1x16x1024xf32, #tpu.memory_space<hbm>> -> memref<16x1024xf32, #tpu.memory_space<hbm>>
        %dma_wait3A_66 = arith.constant 0 : i32
        %dma_wait3A_67 = tpu.memref_slice %arg2[%add3A_13, %add3A_35, %dma_wait3A_66] : memref<32x1024x1024xf32, #tpu.memory_space<hbm>> -> memref<1x16x1024xf32, #tpu.memory_space<hbm>>
        %dma_wait3A_68 = tpu.memref_squeeze %dma_wait3A_67 : memref<1x16x1024xf32, #tpu.memory_space<hbm>> -> memref<16x1024xf32, #tpu.memory_space<hbm>>
        tpu.wait_dma2 semaphore(%run_scoped3A : memref<!tpu.dma_semaphore, #tpu.memory_space<semaphore_mem>>) src(%dma_wait3A_68 : memref<16x1024xf32, #tpu.memory_space<hbm>>) dst(%arg10 : memref<16x1024xf32, #tpu.memory_space<vmem>>)
        tpu.yield
      }) : () -> ()
      %scan3A_36 = arith.constant 0 : i32
      %scan3A_37 = arith.constant 0 : i32
      %scan3A_38 = arith.constant 32 : i32
      %scan3A_39 = arith.addi %scan3A_37, %scan3A_38 : i32
      %scan3A_40 = arith.constant 1 : i32
      scf.for %scan3A_59 = %scan3A_37 to %scan3A_39 step %scan3A_40  : i32 {
        %mul3A_60 = arith.constant 16 : i32
        %mul3A_61 = arith.muli %scan3A_59, %mul3A_60 : i32
        %get3A = arith.index_cast %mul3A_61 : i32 to index
        %get3A_62 = tpu.vector_load %arg12[%get3A] {strides = array<i32>} : memref<512xi32, #tpu.memory_space<vmem>>, vector<16xi32>,
        %mul3A_63 = arith.constant 16 : i32
        %mul3A_64 = arith.muli %scan3A_59, %mul3A_63 : i32
        %get3A_65 = arith.constant 0 : i32
        %get3A_66 = arith.index_cast %get3A_65 : i32 to index
        %get3A_67 = arith.index_cast %mul3A_64 : i32 to index
        %get3A_68 = tpu.vector_load %arg11[%get3A_66, %get3A_67] {strides = array<i32>} : memref<16x512xf32, #tpu.memory_space<vmem>>, vector<16xf32>,
        %broadcast_in_dim3A = arith.constant 0 : i32
        %broadcast_in_dim3A_69 = vector.broadcast %broadcast_in_dim3A : i32 to vector<16xi32>
        tpu.vector_store_idx %arg10[%broadcast_in_dim3A_69, %get3A_62], %get3A_68 {add = true} : memref<16x1024xf32, #tpu.memory_space<vmem>>[vector<16xi32>, vector<16xi32>], vector<16xf32>,
        %mul3A_70 = arith.constant 16 : i32
        %mul3A_71 = arith.muli %scan3A_59, %mul3A_70 : i32
        %get3A_72 = arith.constant 1 : i32
        %get3A_73 = arith.index_cast %get3A_72 : i32 to index
        %get3A_74 = arith.index_cast %mul3A_71 : i32 to index
        %get3A_75 = tpu.vector_load %arg11[%get3A_73, %get3A_74] {strides = array<i32>} : memref<16x512xf32, #tpu.memory_space<vmem>>, vector<16xf32>,
        %broadcast_in_dim3A_76 = arith.constant 1 : i32
        %broadcast_in_dim3A_77 = vector.broadcast %broadcast_in_dim3A_76 : i32 to vector<16xi32>
        tpu.vector_store_idx %arg10[%broadcast_in_dim3A_77, %get3A_62], %get3A_75 {add = true} : memref<16x1024xf32, #tpu.memory_space<vmem>>[vector<16xi32>, vector<16xi32>], vector<16xf32>,
        %mul3A_78 = arith.constant 16 : i32
        %mul3A_79 = arith.muli %scan3A_59, %mul3A_78 : i32
        %get3A_80 = arith.constant 2 : i32
        %get3A_81 = arith.index_cast %get3A_80 : i32 to index
        %get3A_82 = arith.index_cast %mul3A_79 : i32 to index
        %get3A_83 = tpu.vector_load %arg11[%get3A_81, %get3A_82] {strides = array<i32>} : memref<16x512xf32, #tpu.memory_space<vmem>>, vector<16xf32>,
        %broadcast_in_dim3A_84 = arith.constant 2 : i32
        %broadcast_in_dim3A_85 = vector.broadcast %broadcast_in_dim3A_84 : i32 to vector<16xi32>
        tpu.vector_store_idx %arg10[%broadcast_in_dim3A_85, %get3A_62], %get3A_83 {add = true} : memref<16x1024xf32, #tpu.memory_space<vmem>>[vector<16xi32>, vector<16xi32>], vector<16xf32>,
        %mul3A_86 = arith.constant 16 : i32
        %mul3A_87 = arith.muli %scan3A_59, %mul3A_86 : i32
        %get3A_88 = arith.constant 3 : i32
        %get3A_89 = arith.index_cast %get3A_88 : i32 to index
        %get3A_90 = arith.index_cast %mul3A_87 : i32 to index
        %get3A_91 = tpu.vector_load %arg11[%get3A_89, %get3A_90] {strides = array<i32>} : memref<16x512xf32, #tpu.memory_space<vmem>>, vector<16xf32>,
        %broadcast_in_dim3A_92 = arith.constant 3 : i32
        %broadcast_in_dim3A_93 = vector.broadcast %broadcast_in_dim3A_92 : i32 to vector<16xi32>
        tpu.vector_store_idx %arg10[%broadcast_in_dim3A_93, %get3A_62], %get3A_91 {add = true} : memref<16x1024xf32, #tpu.memory_space<vmem>>[vector<16xi32>, vector<16xi32>], vector<16xf32>,
        %mul3A_94 = arith.constant 16 : i32
        %mul3A_95 = arith.muli %scan3A_59, %mul3A_94 : i32
        %get3A_96 = arith.constant 4 : i32
        %get3A_97 = arith.index_cast %get3A_96 : i32 to index
        %get3A_98 = arith.index_cast %mul3A_95 : i32 to index
        %get3A_99 = tpu.vector_load %arg11[%get3A_97, %get3A_98] {strides = array<i32>} : memref<16x512xf32, #tpu.memory_space<vmem>>, vector<16xf32>,
        %broadcast_in_dim3A_100 = arith.constant 4 : i32
        %broadcast_in_dim3A_101 = vector.broadcast %broadcast_in_dim3A_100 : i32 to vector<16xi32>
        tpu.vector_store_idx %arg10[%broadcast_in_dim3A_101, %get3A_62], %get3A_99 {add = true} : memref<16x1024xf32, #tpu.memory_space<vmem>>[vector<16xi32>, vector<16xi32>], vector<16xf32>,
        %mul3A_102 = arith.constant 16 : i32
        %mul3A_103 = arith.muli %scan3A_59, %mul3A_102 : i32
        %get3A_104 = arith.constant 5 : i32
        %get3A_105 = arith.index_cast %get3A_104 : i32 to index
        %get3A_106 = arith.index_cast %mul3A_103 : i32 to index
        %get3A_107 = tpu.vector_load %arg11[%get3A_105, %get3A_106] {strides = array<i32>} : memref<16x512xf32, #tpu.memory_space<vmem>>, vector<16xf32>,
        %broadcast_in_dim3A_108 = arith.constant 5 : i32
        %broadcast_in_dim3A_109 = vector.broadcast %broadcast_in_dim3A_108 : i32 to vector<16xi32>
        tpu.vector_store_idx %arg10[%broadcast_in_dim3A_109, %get3A_62], %get3A_107 {add = true} : memref<16x1024xf32, #tpu.memory_space<vmem>>[vector<16xi32>, vector<16xi32>], vector<16xf32>,
        %mul3A_110 = arith.constant 16 : i32
        %mul3A_111 = arith.muli %scan3A_59, %mul3A_110 : i32
        %get3A_112 = arith.constant 6 : i32
        %get3A_113 = arith.index_cast %get3A_112 : i32 to index
        %get3A_114 = arith.index_cast %mul3A_111 : i32 to index
        %get3A_115 = tpu.vector_load %arg11[%get3A_113, %get3A_114] {strides = array<i32>} : memref<16x512xf32, #tpu.memory_space<vmem>>, vector<16xf32>,
        %broadcast_in_dim3A_116 = arith.constant 6 : i32
        %broadcast_in_dim3A_117 = vector.broadcast %broadcast_in_dim3A_116 : i32 to vector<16xi32>
        tpu.vector_store_idx %arg10[%broadcast_in_dim3A_117, %get3A_62], %get3A_115 {add = true} : memref<16x1024xf32, #tpu.memory_space<vmem>>[vector<16xi32>, vector<16xi32>], vector<16xf32>,
        %mul3A_118 = arith.constant 16 : i32
        %mul3A_119 = arith.muli %scan3A_59, %mul3A_118 : i32
        %get3A_120 = arith.constant 7 : i32
        %get3A_121 = arith.index_cast %get3A_120 : i32 to index
        %get3A_122 = arith.index_cast %mul3A_119 : i32 to index
        %get3A_123 = tpu.vector_load %arg11[%get3A_121, %get3A_122] {strides = array<i32>} : memref<16x512xf32, #tpu.memory_space<vmem>>, vector<16xf32>,
        %broadcast_in_dim3A_124 = arith.constant 7 : i32
        %broadcast_in_dim3A_125 = vector.broadcast %broadcast_in_dim3A_124 : i32 to vector<16xi32>
        tpu.vector_store_idx %arg10[%broadcast_in_dim3A_125, %get3A_62], %get3A_123 {add = true} : memref<16x1024xf32, #tpu.memory_space<vmem>>[vector<16xi32>, vector<16xi32>], vector<16xf32>,
        %mul3A_126 = arith.constant 16 : i32
        %mul3A_127 = arith.muli %scan3A_59, %mul3A_126 : i32
        %get3A_128 = arith.constant 8 : i32
        %get3A_129 = arith.index_cast %get3A_128 : i32 to index
        %get3A_130 = arith.index_cast %mul3A_127 : i32 to index
        %get3A_131 = tpu.vector_load %arg11[%get3A_129, %get3A_130] {strides = array<i32>} : memref<16x512xf32, #tpu.memory_space<vmem>>, vector<16xf32>,
        %broadcast_in_dim3A_132 = arith.constant 8 : i32
        %broadcast_in_dim3A_133 = vector.broadcast %broadcast_in_dim3A_132 : i32 to vector<16xi32>
        tpu.vector_store_idx %arg10[%broadcast_in_dim3A_133, %get3A_62], %get3A_131 {add = true} : memref<16x1024xf32, #tpu.memory_space<vmem>>[vector<16xi32>, vector<16xi32>], vector<16xf32>,
        %mul3A_134 = arith.constant 16 : i32
        %mul3A_135 = arith.muli %scan3A_59, %mul3A_134 : i32
        %get3A_136 = arith.constant 9 : i32
        %get3A_137 = arith.index_cast %get3A_136 : i32 to index
        %get3A_138 = arith.index_cast %mul3A_135 : i32 to index
        %get3A_139 = tpu.vector_load %arg11[%get3A_137, %get3A_138] {strides = array<i32>} : memref<16x512xf32, #tpu.memory_space<vmem>>, vector<16xf32>,
        %broadcast_in_dim3A_140 = arith.constant 9 : i32
        %broadcast_in_dim3A_141 = vector.broadcast %broadcast_in_dim3A_140 : i32 to vector<16xi32>
        tpu.vector_store_idx %arg10[%broadcast_in_dim3A_141, %get3A_62], %get3A_139 {add = true} : memref<16x1024xf32, #tpu.memory_space<vmem>>[vector<16xi32>, vector<16xi32>], vector<16xf32>,
        %mul3A_142 = arith.constant 16 : i32
        %mul3A_143 = arith.muli %scan3A_59, %mul3A_142 : i32
        %get3A_144 = arith.constant 10 : i32
        %get3A_145 = arith.index_cast %get3A_144 : i32 to index
        %get3A_146 = arith.index_cast %mul3A_143 : i32 to index
        %get3A_147 = tpu.vector_load %arg11[%get3A_145, %get3A_146] {strides = array<i32>} : memref<16x512xf32, #tpu.memory_space<vmem>>, vector<16xf32>,
        %broadcast_in_dim3A_148 = arith.constant 10 : i32
        %broadcast_in_dim3A_149 = vector.broadcast %broadcast_in_dim3A_148 : i32 to vector<16xi32>
        tpu.vector_store_idx %arg10[%broadcast_in_dim3A_149, %get3A_62], %get3A_147 {add = true} : memref<16x1024xf32, #tpu.memory_space<vmem>>[vector<16xi32>, vector<16xi32>], vector<16xf32>,
        %mul3A_150 = arith.constant 16 : i32
        %mul3A_151 = arith.muli %scan3A_59, %mul3A_150 : i32
        %get3A_152 = arith.constant 11 : i32
        %get3A_153 = arith.index_cast %get3A_152 : i32 to index
        %get3A_154 = arith.index_cast %mul3A_151 : i32 to index
        %get3A_155 = tpu.vector_load %arg11[%get3A_153, %get3A_154] {strides = array<i32>} : memref<16x512xf32, #tpu.memory_space<vmem>>, vector<16xf32>,
        %broadcast_in_dim3A_156 = arith.constant 11 : i32
        %broadcast_in_dim3A_157 = vector.broadcast %broadcast_in_dim3A_156 : i32 to vector<16xi32>
        tpu.vector_store_idx %arg10[%broadcast_in_dim3A_157, %get3A_62], %get3A_155 {add = true} : memref<16x1024xf32, #tpu.memory_space<vmem>>[vector<16xi32>, vector<16xi32>], vector<16xf32>,
        %mul3A_158 = arith.constant 16 : i32
        %mul3A_159 = arith.muli %scan3A_59, %mul3A_158 : i32
        %get3A_160 = arith.constant 12 : i32
        %get3A_161 = arith.index_cast %get3A_160 : i32 to index
        %get3A_162 = arith.index_cast %mul3A_159 : i32 to index
        %get3A_163 = tpu.vector_load %arg11[%get3A_161, %get3A_162] {strides = array<i32>} : memref<16x512xf32, #tpu.memory_space<vmem>>, vector<16xf32>,
        %broadcast_in_dim3A_164 = arith.constant 12 : i32
        %broadcast_in_dim3A_165 = vector.broadcast %broadcast_in_dim3A_164 : i32 to vector<16xi32>
        tpu.vector_store_idx %arg10[%broadcast_in_dim3A_165, %get3A_62], %get3A_163 {add = true} : memref<16x1024xf32, #tpu.memory_space<vmem>>[vector<16xi32>, vector<16xi32>], vector<16xf32>,
        %mul3A_166 = arith.constant 16 : i32
        %mul3A_167 = arith.muli %scan3A_59, %mul3A_166 : i32
        %get3A_168 = arith.constant 13 : i32
        %get3A_169 = arith.index_cast %get3A_168 : i32 to index
        %get3A_170 = arith.index_cast %mul3A_167 : i32 to index
        %get3A_171 = tpu.vector_load %arg11[%get3A_169, %get3A_170] {strides = array<i32>} : memref<16x512xf32, #tpu.memory_space<vmem>>, vector<16xf32>,
        %broadcast_in_dim3A_172 = arith.constant 13 : i32
        %broadcast_in_dim3A_173 = vector.broadcast %broadcast_in_dim3A_172 : i32 to vector<16xi32>
        tpu.vector_store_idx %arg10[%broadcast_in_dim3A_173, %get3A_62], %get3A_171 {add = true} : memref<16x1024xf32, #tpu.memory_space<vmem>>[vector<16xi32>, vector<16xi32>], vector<16xf32>,
        %mul3A_174 = arith.constant 16 : i32
        %mul3A_175 = arith.muli %scan3A_59, %mul3A_174 : i32
        %get3A_176 = arith.constant 14 : i32
        %get3A_177 = arith.index_cast %get3A_176 : i32 to index
        %get3A_178 = arith.index_cast %mul3A_175 : i32 to index
        %get3A_179 = tpu.vector_load %arg11[%get3A_177, %get3A_178] {strides = array<i32>} : memref<16x512xf32, #tpu.memory_space<vmem>>, vector<16xf32>,
        %broadcast_in_dim3A_180 = arith.constant 14 : i32
        %broadcast_in_dim3A_181 = vector.broadcast %broadcast_in_dim3A_180 : i32 to vector<16xi32>
        tpu.vector_store_idx %arg10[%broadcast_in_dim3A_181, %get3A_62], %get3A_179 {add = true} : memref<16x1024xf32, #tpu.memory_space<vmem>>[vector<16xi32>, vector<16xi32>], vector<16xf32>,
        %mul3A_182 = arith.constant 16 : i32
        %mul3A_183 = arith.muli %scan3A_59, %mul3A_182 : i32
        %get3A_184 = arith.constant 15 : i32
        %get3A_185 = arith.index_cast %get3A_184 : i32 to index
        %get3A_186 = arith.index_cast %mul3A_183 : i32 to index
        %get3A_187 = tpu.vector_load %arg11[%get3A_185, %get3A_186] {strides = array<i32>} : memref<16x512xf32, #tpu.memory_space<vmem>>, vector<16xf32>,
        %broadcast_in_dim3A_188 = arith.constant 15 : i32
        %broadcast_in_dim3A_189 = vector.broadcast %broadcast_in_dim3A_188 : i32 to vector<16xi32>
        tpu.vector_store_idx %arg10[%broadcast_in_dim3A_189, %get3A_62], %get3A_187 {add = true} : memref<16x1024xf32, #tpu.memory_space<vmem>>[vector<16xi32>, vector<16xi32>], vector<16xf32>,
      }
      %scan3A_41 = arith.constant 32 : i32
      "tpu.region"() ({
        %run_scoped3A = tpu.sem_alloc : memref<!tpu.dma_semaphore, #tpu.memory_space<semaphore_mem>>
        %dma_start3A = arith.constant 0 : i32
        %dma_start3A_59 = tpu.memref_slice %arg6[%add3A_13, %add3A_35, %dma_start3A] : memref<32x1024x1024xf32, #tpu.memory_space<hbm>> -> memref<1x16x1024xf32, #tpu.memory_space<hbm>>
        %dma_start3A_60 = tpu.memref_squeeze %dma_start3A_59 : memref<1x16x1024xf32, #tpu.memory_space<hbm>> -> memref<16x1024xf32, #tpu.memory_space<hbm>>
        %dma_start3A_61 = arith.constant 0 : i32
        %dma_start3A_62 = tpu.memref_slice %arg6[%add3A_13, %add3A_35, %dma_start3A_61] : memref<32x1024x1024xf32, #tpu.memory_space<hbm>> -> memref<1x16x1024xf32, #tpu.memory_space<hbm>>
        %dma_start3A_63 = tpu.memref_squeeze %dma_start3A_62 : memref<1x16x1024xf32, #tpu.memory_space<hbm>> -> memref<16x1024xf32, #tpu.memory_space<hbm>>
        tpu.enqueue_dma source(%arg10 : memref<16x1024xf32, #tpu.memory_space<vmem>>) target(%dma_start3A_63 : memref<16x1024xf32, #tpu.memory_space<hbm>>) target_semaphore(%run_scoped3A : memref<!tpu.dma_semaphore, #tpu.memory_space<semaphore_mem>>)
        %dma_wait3A = arith.constant 0 : i32
        %dma_wait3A_64 = tpu.memref_slice %arg6[%add3A_13, %add3A_35, %dma_wait3A] : memref<32x1024x1024xf32, #tpu.memory_space<hbm>> -> memref<1x16x1024xf32, #tpu.memory_space<hbm>>
        %dma_wait3A_65 = tpu.memref_squeeze %dma_wait3A_64 : memref<1x16x1024xf32, #tpu.memory_space<hbm>> -> memref<16x1024xf32, #tpu.memory_space<hbm>>
        %dma_wait3A_66 = arith.constant 0 : i32
        %dma_wait3A_67 = tpu.memref_slice %arg6[%add3A_13, %add3A_35, %dma_wait3A_66] : memref<32x1024x1024xf32, #tpu.memory_space<hbm>> -> memref<1x16x1024xf32, #tpu.memory_space<hbm>>
        %dma_wait3A_68 = tpu.memref_squeeze %dma_wait3A_67 : memref<1x16x1024xf32, #tpu.memory_space<hbm>> -> memref<16x1024xf32, #tpu.memory_space<hbm>>
        tpu.wait_dma2 semaphore(%run_scoped3A : memref<!tpu.dma_semaphore, #tpu.memory_space<semaphore_mem>>) src(%arg10 : memref<16x1024xf32, #tpu.memory_space<vmem>>) dst(%dma_wait3A_68 : memref<16x1024xf32, #tpu.memory_space<hbm>>)
        tpu.yield
      }) : () -> ()
      %add3A_42 = arith.constant 32 : i32
      %add3A_43 = arith.addi %mul3A_2, %add3A_42 : i32
      "tpu.region"() ({
        %run_scoped3A = tpu.sem_alloc : memref<!tpu.dma_semaphore, #tpu.memory_space<semaphore_mem>>
        %dma_start3A = arith.constant 0 : i32
        %dma_start3A_59 = tpu.memref_slice %arg7[%add3A_43, %dma_start3A] : memref<1024x512xf32, #tpu.memory_space<vmem_shared>> -> memref<16x512xf32, #tpu.memory_space<vmem_shared>>
        %dma_start3A_60 = arith.constant 0 : i32
        %dma_start3A_61 = tpu.memref_slice %arg7[%add3A_43, %dma_start3A_60] : memref<1024x512xf32, #tpu.memory_space<vmem_shared>> -> memref<16x512xf32, #tpu.memory_space<vmem_shared>>
        tpu.enqueue_dma source(%dma_start3A_61 : memref<16x512xf32, #tpu.memory_space<vmem_shared>>) target(%arg11 : memref<16x512xf32, #tpu.memory_space<vmem>>) target_semaphore(%run_scoped3A : memref<!tpu.dma_semaphore, #tpu.memory_space<semaphore_mem>>)
        %dma_wait3A = arith.constant 0 : i32
        %dma_wait3A_62 = tpu.memref_slice %arg7[%add3A_43, %dma_wait3A] : memref<1024x512xf32, #tpu.memory_space<vmem_shared>> -> memref<16x512xf32, #tpu.memory_space<vmem_shared>>
        %dma_wait3A_63 = arith.constant 0 : i32
        %dma_wait3A_64 = tpu.memref_slice %arg7[%add3A_43, %dma_wait3A_63] : memref<1024x512xf32, #tpu.memory_space<vmem_shared>> -> memref<16x512xf32, #tpu.memory_space<vmem_shared>>
        tpu.wait_dma2 semaphore(%run_scoped3A : memref<!tpu.dma_semaphore, #tpu.memory_space<semaphore_mem>>) src(%dma_wait3A_64 : memref<16x512xf32, #tpu.memory_space<vmem_shared>>) dst(%arg11 : memref<16x512xf32, #tpu.memory_space<vmem>>)
        tpu.yield
      }) : () -> ()
      "tpu.region"() ({
        %run_scoped3A = tpu.sem_alloc : memref<!tpu.dma_semaphore, #tpu.memory_space<semaphore_mem>>
        %dma_start3A = arith.constant 0 : i32
        %dma_start3A_59 = tpu.memref_slice %arg2[%add3A_13, %add3A_43, %dma_start3A] : memref<32x1024x1024xf32, #tpu.memory_space<hbm>> -> memref<1x16x1024xf32, #tpu.memory_space<hbm>>
        %dma_start3A_60 = tpu.memref_squeeze %dma_start3A_59 : memref<1x16x1024xf32, #tpu.memory_space<hbm>> -> memref<16x1024xf32, #tpu.memory_space<hbm>>
        %dma_start3A_61 = arith.constant 0 : i32
        %dma_start3A_62 = tpu.memref_slice %arg2[%add3A_13, %add3A_43, %dma_start3A_61] : memref<32x1024x1024xf32, #tpu.memory_space<hbm>> -> memref<1x16x1024xf32, #tpu.memory_space<hbm>>
        %dma_start3A_63 = tpu.memref_squeeze %dma_start3A_62 : memref<1x16x1024xf32, #tpu.memory_space<hbm>> -> memref<16x1024xf32, #tpu.memory_space<hbm>>
        tpu.enqueue_dma source(%dma_start3A_63 : memref<16x1024xf32, #tpu.memory_space<hbm>>) target(%arg10 : memref<16x1024xf32, #tpu.memory_space<vmem>>) target_semaphore(%run_scoped3A : memref<!tpu.dma_semaphore, #tpu.memory_space<semaphore_mem>>)
        %dma_wait3A = arith.constant 0 : i32
        %dma_wait3A_64 = tpu.memref_slice %arg2[%add3A_13, %add3A_43, %dma_wait3A] : memref<32x1024x1024xf32, #tpu.memory_space<hbm>> -> memref<1x16x1024xf32, #tpu.memory_space<hbm>>
        %dma_wait3A_65 = tpu.memref_squeeze %dma_wait3A_64 : memref<1x16x1024xf32, #tpu.memory_space<hbm>> -> memref<16x1024xf32, #tpu.memory_space<hbm>>
        %dma_wait3A_66 = arith.constant 0 : i32
        %dma_wait3A_67 = tpu.memref_slice %arg2[%add3A_13, %add3A_43, %dma_wait3A_66] : memref<32x1024x1024xf32, #tpu.memory_space<hbm>> -> memref<1x16x1024xf32, #tpu.memory_space<hbm>>
        %dma_wait3A_68 = tpu.memref_squeeze %dma_wait3A_67 : memref<1x16x1024xf32, #tpu.memory_space<hbm>> -> memref<16x1024xf32, #tpu.memory_space<hbm>>
        tpu.wait_dma2 semaphore(%run_scoped3A : memref<!tpu.dma_semaphore, #tpu.memory_space<semaphore_mem>>) src(%dma_wait3A_68 : memref<16x1024xf32, #tpu.memory_space<hbm>>) dst(%arg10 : memref<16x1024xf32, #tpu.memory_space<vmem>>)
        tpu.yield
      }) : () -> ()
      %scan3A_44 = arith.constant 0 : i32
      %scan3A_45 = arith.constant 0 : i32
      %scan3A_46 = arith.constant 32 : i32
      %scan3A_47 = arith.addi %scan3A_45, %scan3A_46 : i32
      %scan3A_48 = arith.constant 1 : i32
      scf.for %scan3A_59 = %scan3A_45 to %scan3A_47 step %scan3A_48  : i32 {
        %mul3A_60 = arith.constant 16 : i32
        %mul3A_61 = arith.muli %scan3A_59, %mul3A_60 : i32
        %get3A = arith.index_cast %mul3A_61 : i32 to index
        %get3A_62 = tpu.vector_load %arg12[%get3A] {strides = array<i32>} : memref<512xi32, #tpu.memory_space<vmem>>, vector<16xi32>,
        %mul3A_63 = arith.constant 16 : i32
        %mul3A_64 = arith.muli %scan3A_59, %mul3A_63 : i32
        %get3A_65 = arith.constant 0 : i32
        %get3A_66 = arith.index_cast %get3A_65 : i32 to index
        %get3A_67 = arith.index_cast %mul3A_64 : i32 to index
        %get3A_68 = tpu.vector_load %arg11[%get3A_66, %get3A_67] {strides = array<i32>} : memref<16x512xf32, #tpu.memory_space<vmem>>, vector<16xf32>,
        %broadcast_in_dim3A = arith.constant 0 : i32
        %broadcast_in_dim3A_69 = vector.broadcast %broadcast_in_dim3A : i32 to vector<16xi32>
        tpu.vector_store_idx %arg10[%broadcast_in_dim3A_69, %get3A_62], %get3A_68 {add = true} : memref<16x1024xf32, #tpu.memory_space<vmem>>[vector<16xi32>, vector<16xi32>], vector<16xf32>,
        %mul3A_70 = arith.constant 16 : i32
        %mul3A_71 = arith.muli %scan3A_59, %mul3A_70 : i32
        %get3A_72 = arith.constant 1 : i32
        %get3A_73 = arith.index_cast %get3A_72 : i32 to index
        %get3A_74 = arith.index_cast %mul3A_71 : i32 to index
        %get3A_75 = tpu.vector_load %arg11[%get3A_73, %get3A_74] {strides = array<i32>} : memref<16x512xf32, #tpu.memory_space<vmem>>, vector<16xf32>,
        %broadcast_in_dim3A_76 = arith.constant 1 : i32
        %broadcast_in_dim3A_77 = vector.broadcast %broadcast_in_dim3A_76 : i32 to vector<16xi32>
        tpu.vector_store_idx %arg10[%broadcast_in_dim3A_77, %get3A_62], %get3A_75 {add = true} : memref<16x1024xf32, #tpu.memory_space<vmem>>[vector<16xi32>, vector<16xi32>], vector<16xf32>,
        %mul3A_78 = arith.constant 16 : i32
        %mul3A_79 = arith.muli %scan3A_59, %mul3A_78 : i32
        %get3A_80 = arith.constant 2 : i32
        %get3A_81 = arith.index_cast %get3A_80 : i32 to index
        %get3A_82 = arith.index_cast %mul3A_79 : i32 to index
        %get3A_83 = tpu.vector_load %arg11[%get3A_81, %get3A_82] {strides = array<i32>} : memref<16x512xf32, #tpu.memory_space<vmem>>, vector<16xf32>,
        %broadcast_in_dim3A_84 = arith.constant 2 : i32
        %broadcast_in_dim3A_85 = vector.broadcast %broadcast_in_dim3A_84 : i32 to vector<16xi32>
        tpu.vector_store_idx %arg10[%broadcast_in_dim3A_85, %get3A_62], %get3A_83 {add = true} : memref<16x1024xf32, #tpu.memory_space<vmem>>[vector<16xi32>, vector<16xi32>], vector<16xf32>,
        %mul3A_86 = arith.constant 16 : i32
        %mul3A_87 = arith.muli %scan3A_59, %mul3A_86 : i32
        %get3A_88 = arith.constant 3 : i32
        %get3A_89 = arith.index_cast %get3A_88 : i32 to index
        %get3A_90 = arith.index_cast %mul3A_87 : i32 to index
        %get3A_91 = tpu.vector_load %arg11[%get3A_89, %get3A_90] {strides = array<i32>} : memref<16x512xf32, #tpu.memory_space<vmem>>, vector<16xf32>,
        %broadcast_in_dim3A_92 = arith.constant 3 : i32
        %broadcast_in_dim3A_93 = vector.broadcast %broadcast_in_dim3A_92 : i32 to vector<16xi32>
        tpu.vector_store_idx %arg10[%broadcast_in_dim3A_93, %get3A_62], %get3A_91 {add = true} : memref<16x1024xf32, #tpu.memory_space<vmem>>[vector<16xi32>, vector<16xi32>], vector<16xf32>,
        %mul3A_94 = arith.constant 16 : i32
        %mul3A_95 = arith.muli %scan3A_59, %mul3A_94 : i32
        %get3A_96 = arith.constant 4 : i32
        %get3A_97 = arith.index_cast %get3A_96 : i32 to index
        %get3A_98 = arith.index_cast %mul3A_95 : i32 to index
        %get3A_99 = tpu.vector_load %arg11[%get3A_97, %get3A_98] {strides = array<i32>} : memref<16x512xf32, #tpu.memory_space<vmem>>, vector<16xf32>,
        %broadcast_in_dim3A_100 = arith.constant 4 : i32
        %broadcast_in_dim3A_101 = vector.broadcast %broadcast_in_dim3A_100 : i32 to vector<16xi32>
        tpu.vector_store_idx %arg10[%broadcast_in_dim3A_101, %get3A_62], %get3A_99 {add = true} : memref<16x1024xf32, #tpu.memory_space<vmem>>[vector<16xi32>, vector<16xi32>], vector<16xf32>,
        %mul3A_102 = arith.constant 16 : i32
        %mul3A_103 = arith.muli %scan3A_59, %mul3A_102 : i32
        %get3A_104 = arith.constant 5 : i32
        %get3A_105 = arith.index_cast %get3A_104 : i32 to index
        %get3A_106 = arith.index_cast %mul3A_103 : i32 to index
        %get3A_107 = tpu.vector_load %arg11[%get3A_105, %get3A_106] {strides = array<i32>} : memref<16x512xf32, #tpu.memory_space<vmem>>, vector<16xf32>,
        %broadcast_in_dim3A_108 = arith.constant 5 : i32
        %broadcast_in_dim3A_109 = vector.broadcast %broadcast_in_dim3A_108 : i32 to vector<16xi32>
        tpu.vector_store_idx %arg10[%broadcast_in_dim3A_109, %get3A_62], %get3A_107 {add = true} : memref<16x1024xf32, #tpu.memory_space<vmem>>[vector<16xi32>, vector<16xi32>], vector<16xf32>,
        %mul3A_110 = arith.constant 16 : i32
        %mul3A_111 = arith.muli %scan3A_59, %mul3A_110 : i32
        %get3A_112 = arith.constant 6 : i32
        %get3A_113 = arith.index_cast %get3A_112 : i32 to index
        %get3A_114 = arith.index_cast %mul3A_111 : i32 to index
        %get3A_115 = tpu.vector_load %arg11[%get3A_113, %get3A_114] {strides = array<i32>} : memref<16x512xf32, #tpu.memory_space<vmem>>, vector<16xf32>,
        %broadcast_in_dim3A_116 = arith.constant 6 : i32
        %broadcast_in_dim3A_117 = vector.broadcast %broadcast_in_dim3A_116 : i32 to vector<16xi32>
        tpu.vector_store_idx %arg10[%broadcast_in_dim3A_117, %get3A_62], %get3A_115 {add = true} : memref<16x1024xf32, #tpu.memory_space<vmem>>[vector<16xi32>, vector<16xi32>], vector<16xf32>,
        %mul3A_118 = arith.constant 16 : i32
        %mul3A_119 = arith.muli %scan3A_59, %mul3A_118 : i32
        %get3A_120 = arith.constant 7 : i32
        %get3A_121 = arith.index_cast %get3A_120 : i32 to index
        %get3A_122 = arith.index_cast %mul3A_119 : i32 to index
        %get3A_123 = tpu.vector_load %arg11[%get3A_121, %get3A_122] {strides = array<i32>} : memref<16x512xf32, #tpu.memory_space<vmem>>, vector<16xf32>,
        %broadcast_in_dim3A_124 = arith.constant 7 : i32
        %broadcast_in_dim3A_125 = vector.broadcast %broadcast_in_dim3A_124 : i32 to vector<16xi32>
        tpu.vector_store_idx %arg10[%broadcast_in_dim3A_125, %get3A_62], %get3A_123 {add = true} : memref<16x1024xf32, #tpu.memory_space<vmem>>[vector<16xi32>, vector<16xi32>], vector<16xf32>,
        %mul3A_126 = arith.constant 16 : i32
        %mul3A_127 = arith.muli %scan3A_59, %mul3A_126 : i32
        %get3A_128 = arith.constant 8 : i32
        %get3A_129 = arith.index_cast %get3A_128 : i32 to index
        %get3A_130 = arith.index_cast %mul3A_127 : i32 to index
        %get3A_131 = tpu.vector_load %arg11[%get3A_129, %get3A_130] {strides = array<i32>} : memref<16x512xf32, #tpu.memory_space<vmem>>, vector<16xf32>,
        %broadcast_in_dim3A_132 = arith.constant 8 : i32
        %broadcast_in_dim3A_133 = vector.broadcast %broadcast_in_dim3A_132 : i32 to vector<16xi32>
        tpu.vector_store_idx %arg10[%broadcast_in_dim3A_133, %get3A_62], %get3A_131 {add = true} : memref<16x1024xf32, #tpu.memory_space<vmem>>[vector<16xi32>, vector<16xi32>], vector<16xf32>,
        %mul3A_134 = arith.constant 16 : i32
        %mul3A_135 = arith.muli %scan3A_59, %mul3A_134 : i32
        %get3A_136 = arith.constant 9 : i32
        %get3A_137 = arith.index_cast %get3A_136 : i32 to index
        %get3A_138 = arith.index_cast %mul3A_135 : i32 to index
        %get3A_139 = tpu.vector_load %arg11[%get3A_137, %get3A_138] {strides = array<i32>} : memref<16x512xf32, #tpu.memory_space<vmem>>, vector<16xf32>,
        %broadcast_in_dim3A_140 = arith.constant 9 : i32
        %broadcast_in_dim3A_141 = vector.broadcast %broadcast_in_dim3A_140 : i32 to vector<16xi32>
        tpu.vector_store_idx %arg10[%broadcast_in_dim3A_141, %get3A_62], %get3A_139 {add = true} : memref<16x1024xf32, #tpu.memory_space<vmem>>[vector<16xi32>, vector<16xi32>], vector<16xf32>,
        %mul3A_142 = arith.constant 16 : i32
        %mul3A_143 = arith.muli %scan3A_59, %mul3A_142 : i32
        %get3A_144 = arith.constant 10 : i32
        %get3A_145 = arith.index_cast %get3A_144 : i32 to index
        %get3A_146 = arith.index_cast %mul3A_143 : i32 to index
        %get3A_147 = tpu.vector_load %arg11[%get3A_145, %get3A_146] {strides = array<i32>} : memref<16x512xf32, #tpu.memory_space<vmem>>, vector<16xf32>,
        %broadcast_in_dim3A_148 = arith.constant 10 : i32
        %broadcast_in_dim3A_149 = vector.broadcast %broadcast_in_dim3A_148 : i32 to vector<16xi32>
        tpu.vector_store_idx %arg10[%broadcast_in_dim3A_149, %get3A_62], %get3A_147 {add = true} : memref<16x1024xf32, #tpu.memory_space<vmem>>[vector<16xi32>, vector<16xi32>], vector<16xf32>,
        %mul3A_150 = arith.constant 16 : i32
        %mul3A_151 = arith.muli %scan3A_59, %mul3A_150 : i32
        %get3A_152 = arith.constant 11 : i32
        %get3A_153 = arith.index_cast %get3A_152 : i32 to index
        %get3A_154 = arith.index_cast %mul3A_151 : i32 to index
        %get3A_155 = tpu.vector_load %arg11[%get3A_153, %get3A_154] {strides = array<i32>} : memref<16x512xf32, #tpu.memory_space<vmem>>, vector<16xf32>,
        %broadcast_in_dim3A_156 = arith.constant 11 : i32
        %broadcast_in_dim3A_157 = vector.broadcast %broadcast_in_dim3A_156 : i32 to vector<16xi32>
        tpu.vector_store_idx %arg10[%broadcast_in_dim3A_157, %get3A_62], %get3A_155 {add = true} : memref<16x1024xf32, #tpu.memory_space<vmem>>[vector<16xi32>, vector<16xi32>], vector<16xf32>,
        %mul3A_158 = arith.constant 16 : i32
        %mul3A_159 = arith.muli %scan3A_59, %mul3A_158 : i32
        %get3A_160 = arith.constant 12 : i32
        %get3A_161 = arith.index_cast %get3A_160 : i32 to index
        %get3A_162 = arith.index_cast %mul3A_159 : i32 to index
        %get3A_163 = tpu.vector_load %arg11[%get3A_161, %get3A_162] {strides = array<i32>} : memref<16x512xf32, #tpu.memory_space<vmem>>, vector<16xf32>,
        %broadcast_in_dim3A_164 = arith.constant 12 : i32
        %broadcast_in_dim3A_165 = vector.broadcast %broadcast_in_dim3A_164 : i32 to vector<16xi32>
        tpu.vector_store_idx %arg10[%broadcast_in_dim3A_165, %get3A_62], %get3A_163 {add = true} : memref<16x1024xf32, #tpu.memory_space<vmem>>[vector<16xi32>, vector<16xi32>], vector<16xf32>,
        %mul3A_166 = arith.constant 16 : i32
        %mul3A_167 = arith.muli %scan3A_59, %mul3A_166 : i32
        %get3A_168 = arith.constant 13 : i32
        %get3A_169 = arith.index_cast %get3A_168 : i32 to index
        %get3A_170 = arith.index_cast %mul3A_167 : i32 to index
        %get3A_171 = tpu.vector_load %arg11[%get3A_169, %get3A_170] {strides = array<i32>} : memref<16x512xf32, #tpu.memory_space<vmem>>, vector<16xf32>,
        %broadcast_in_dim3A_172 = arith.constant 13 : i32
        %broadcast_in_dim3A_173 = vector.broadcast %broadcast_in_dim3A_172 : i32 to vector<16xi32>
        tpu.vector_store_idx %arg10[%broadcast_in_dim3A_173, %get3A_62], %get3A_171 {add = true} : memref<16x1024xf32, #tpu.memory_space<vmem>>[vector<16xi32>, vector<16xi32>], vector<16xf32>,
        %mul3A_174 = arith.constant 16 : i32
        %mul3A_175 = arith.muli %scan3A_59, %mul3A_174 : i32
        %get3A_176 = arith.constant 14 : i32
        %get3A_177 = arith.index_cast %get3A_176 : i32 to index
        %get3A_178 = arith.index_cast %mul3A_175 : i32 to index
        %get3A_179 = tpu.vector_load %arg11[%get3A_177, %get3A_178] {strides = array<i32>} : memref<16x512xf32, #tpu.memory_space<vmem>>, vector<16xf32>,
        %broadcast_in_dim3A_180 = arith.constant 14 : i32
        %broadcast_in_dim3A_181 = vector.broadcast %broadcast_in_dim3A_180 : i32 to vector<16xi32>
        tpu.vector_store_idx %arg10[%broadcast_in_dim3A_181, %get3A_62], %get3A_179 {add = true} : memref<16x1024xf32, #tpu.memory_space<vmem>>[vector<16xi32>, vector<16xi32>], vector<16xf32>,
        %mul3A_182 = arith.constant 16 : i32
        %mul3A_183 = arith.muli %scan3A_59, %mul3A_182 : i32
        %get3A_184 = arith.constant 15 : i32
        %get3A_185 = arith.index_cast %get3A_184 : i32 to index
        %get3A_186 = arith.index_cast %mul3A_183 : i32 to index
        %get3A_187 = tpu.vector_load %arg11[%get3A_185, %get3A_186] {strides = array<i32>} : memref<16x512xf32, #tpu.memory_space<vmem>>, vector<16xf32>,
        %broadcast_in_dim3A_188 = arith.constant 15 : i32
        %broadcast_in_dim3A_189 = vector.broadcast %broadcast_in_dim3A_188 : i32 to vector<16xi32>
        tpu.vector_store_idx %arg10[%broadcast_in_dim3A_189, %get3A_62], %get3A_187 {add = true} : memref<16x1024xf32, #tpu.memory_space<vmem>>[vector<16xi32>, vector<16xi32>], vector<16xf32>,
      }
      %scan3A_49 = arith.constant 32 : i32
      "tpu.region"() ({
        %run_scoped3A = tpu.sem_alloc : memref<!tpu.dma_semaphore, #tpu.memory_space<semaphore_mem>>
        %dma_start3A = arith.constant 0 : i32
        %dma_start3A_59 = tpu.memref_slice %arg6[%add3A_13, %add3A_43, %dma_start3A] : memref<32x1024x1024xf32, #tpu.memory_space<hbm>> -> memref<1x16x1024xf32, #tpu.memory_space<hbm>>
        %dma_start3A_60 = tpu.memref_squeeze %dma_start3A_59 : memref<1x16x1024xf32, #tpu.memory_space<hbm>> -> memref<16x1024xf32, #tpu.memory_space<hbm>>
        %dma_start3A_61 = arith.constant 0 : i32
        %dma_start3A_62 = tpu.memref_slice %arg6[%add3A_13, %add3A_43, %dma_start3A_61] : memref<32x1024x1024xf32, #tpu.memory_space<hbm>> -> memref<1x16x1024xf32, #tpu.memory_space<hbm>>
        %dma_start3A_63 = tpu.memref_squeeze %dma_start3A_62 : memref<1x16x1024xf32, #tpu.memory_space<hbm>> -> memref<16x1024xf32, #tpu.memory_space<hbm>>
        tpu.enqueue_dma source(%arg10 : memref<16x1024xf32, #tpu.memory_space<vmem>>) target(%dma_start3A_63 : memref<16x1024xf32, #tpu.memory_space<hbm>>) target_semaphore(%run_scoped3A : memref<!tpu.dma_semaphore, #tpu.memory_space<semaphore_mem>>)
        %dma_wait3A = arith.constant 0 : i32
        %dma_wait3A_64 = tpu.memref_slice %arg6[%add3A_13, %add3A_43, %dma_wait3A] : memref<32x1024x1024xf32, #tpu.memory_space<hbm>> -> memref<1x16x1024xf32, #tpu.memory_space<hbm>>
        %dma_wait3A_65 = tpu.memref_squeeze %dma_wait3A_64 : memref<1x16x1024xf32, #tpu.memory_space<hbm>> -> memref<16x1024xf32, #tpu.memory_space<hbm>>
        %dma_wait3A_66 = arith.constant 0 : i32
        %dma_wait3A_67 = tpu.memref_slice %arg6[%add3A_13, %add3A_43, %dma_wait3A_66] : memref<32x1024x1024xf32, #tpu.memory_space<hbm>> -> memref<1x16x1024xf32, #tpu.memory_space<hbm>>
        %dma_wait3A_68 = tpu.memref_squeeze %dma_wait3A_67 : memref<1x16x1024xf32, #tpu.memory_space<hbm>> -> memref<16x1024xf32, #tpu.memory_space<hbm>>
        tpu.wait_dma2 semaphore(%run_scoped3A : memref<!tpu.dma_semaphore, #tpu.memory_space<semaphore_mem>>) src(%arg10 : memref<16x1024xf32, #tpu.memory_space<vmem>>) dst(%dma_wait3A_68 : memref<16x1024xf32, #tpu.memory_space<hbm>>)
        tpu.yield
      }) : () -> ()
      %add3A_50 = arith.constant 48 : i32
      %add3A_51 = arith.addi %mul3A_2, %add3A_50 : i32
      "tpu.region"() ({
        %run_scoped3A = tpu.sem_alloc : memref<!tpu.dma_semaphore, #tpu.memory_space<semaphore_mem>>
        %dma_start3A = arith.constant 0 : i32
        %dma_start3A_59 = tpu.memref_slice %arg7[%add3A_51, %dma_start3A] : memref<1024x512xf32, #tpu.memory_space<vmem_shared>> -> memref<16x512xf32, #tpu.memory_space<vmem_shared>>
        %dma_start3A_60 = arith.constant 0 : i32
        %dma_start3A_61 = tpu.memref_slice %arg7[%add3A_51, %dma_start3A_60] : memref<1024x512xf32, #tpu.memory_space<vmem_shared>> -> memref<16x512xf32, #tpu.memory_space<vmem_shared>>
        tpu.enqueue_dma source(%dma_start3A_61 : memref<16x512xf32, #tpu.memory_space<vmem_shared>>) target(%arg11 : memref<16x512xf32, #tpu.memory_space<vmem>>) target_semaphore(%run_scoped3A : memref<!tpu.dma_semaphore, #tpu.memory_space<semaphore_mem>>)
        %dma_wait3A = arith.constant 0 : i32
        %dma_wait3A_62 = tpu.memref_slice %arg7[%add3A_51, %dma_wait3A] : memref<1024x512xf32, #tpu.memory_space<vmem_shared>> -> memref<16x512xf32, #tpu.memory_space<vmem_shared>>
        %dma_wait3A_63 = arith.constant 0 : i32
        %dma_wait3A_64 = tpu.memref_slice %arg7[%add3A_51, %dma_wait3A_63] : memref<1024x512xf32, #tpu.memory_space<vmem_shared>> -> memref<16x512xf32, #tpu.memory_space<vmem_shared>>
        tpu.wait_dma2 semaphore(%run_scoped3A : memref<!tpu.dma_semaphore, #tpu.memory_space<semaphore_mem>>) src(%dma_wait3A_64 : memref<16x512xf32, #tpu.memory_space<vmem_shared>>) dst(%arg11 : memref<16x512xf32, #tpu.memory_space<vmem>>)
        tpu.yield
      }) : () -> ()
      %barrier3A_52 = arith.constant 0 : index
      tpu.barrier barrier_id(%barrier3A_52)
      "tpu.region"() ({
        %run_scoped3A = tpu.sem_alloc : memref<!tpu.dma_semaphore, #tpu.memory_space<semaphore_mem>>
        %dma_start3A = arith.constant 0 : i32
        %dma_start3A_59 = tpu.memref_slice %arg2[%add3A_13, %add3A_51, %dma_start3A] : memref<32x1024x1024xf32, #tpu.memory_space<hbm>> -> memref<1x16x1024xf32, #tpu.memory_space<hbm>>
        %dma_start3A_60 = tpu.memref_squeeze %dma_start3A_59 : memref<1x16x1024xf32, #tpu.memory_space<hbm>> -> memref<16x1024xf32, #tpu.memory_space<hbm>>
        %dma_start3A_61 = arith.constant 0 : i32
        %dma_start3A_62 = tpu.memref_slice %arg2[%add3A_13, %add3A_51, %dma_start3A_61] : memref<32x1024x1024xf32, #tpu.memory_space<hbm>> -> memref<1x16x1024xf32, #tpu.memory_space<hbm>>
        %dma_start3A_63 = tpu.memref_squeeze %dma_start3A_62 : memref<1x16x1024xf32, #tpu.memory_space<hbm>> -> memref<16x1024xf32, #tpu.memory_space<hbm>>
        tpu.enqueue_dma source(%dma_start3A_63 : memref<16x1024xf32, #tpu.memory_space<hbm>>) target(%arg10 : memref<16x1024xf32, #tpu.memory_space<vmem>>) target_semaphore(%run_scoped3A : memref<!tpu.dma_semaphore, #tpu.memory_space<semaphore_mem>>)
        %dma_wait3A = arith.constant 0 : i32
        %dma_wait3A_64 = tpu.memref_slice %arg2[%add3A_13, %add3A_51, %dma_wait3A] : memref<32x1024x1024xf32, #tpu.memory_space<hbm>> -> memref<1x16x1024xf32, #tpu.memory_space<hbm>>
        %dma_wait3A_65 = tpu.memref_squeeze %dma_wait3A_64 : memref<1x16x1024xf32, #tpu.memory_space<hbm>> -> memref<16x1024xf32, #tpu.memory_space<hbm>>
        %dma_wait3A_66 = arith.constant 0 : i32
        %dma_wait3A_67 = tpu.memref_slice %arg2[%add3A_13, %add3A_51, %dma_wait3A_66] : memref<32x1024x1024xf32, #tpu.memory_space<hbm>> -> memref<1x16x1024xf32, #tpu.memory_space<hbm>>
        %dma_wait3A_68 = tpu.memref_squeeze %dma_wait3A_67 : memref<1x16x1024xf32, #tpu.memory_space<hbm>> -> memref<16x1024xf32, #tpu.memory_space<hbm>>
        tpu.wait_dma2 semaphore(%run_scoped3A : memref<!tpu.dma_semaphore, #tpu.memory_space<semaphore_mem>>) src(%dma_wait3A_68 : memref<16x1024xf32, #tpu.memory_space<hbm>>) dst(%arg10 : memref<16x1024xf32, #tpu.memory_space<vmem>>)
        tpu.yield
      }) : () -> ()
      %scan3A_53 = arith.constant 0 : i32
      %scan3A_54 = arith.constant 0 : i32
      %scan3A_55 = arith.constant 32 : i32
      %scan3A_56 = arith.addi %scan3A_54, %scan3A_55 : i32
      %scan3A_57 = arith.constant 1 : i32
      scf.for %scan3A_59 = %scan3A_54 to %scan3A_56 step %scan3A_57  : i32 {
        %mul3A_60 = arith.constant 16 : i32
        %mul3A_61 = arith.muli %scan3A_59, %mul3A_60 : i32
        %get3A = arith.index_cast %mul3A_61 : i32 to index
        %get3A_62 = tpu.vector_load %arg12[%get3A] {strides = array<i32>} : memref<512xi32, #tpu.memory_space<vmem>>, vector<16xi32>,
        %mul3A_63 = arith.constant 16 : i32
        %mul3A_64 = arith.muli %scan3A_59, %mul3A_63 : i32
        %get3A_65 = arith.constant 0 : i32
        %get3A_66 = arith.index_cast %get3A_65 : i32 to index
        %get3A_67 = arith.index_cast %mul3A_64 : i32 to index
        %get3A_68 = tpu.vector_load %arg11[%get3A_66, %get3A_67] {strides = array<i32>} : memref<16x512xf32, #tpu.memory_space<vmem>>, vector<16xf32>,
        %broadcast_in_dim3A = arith.constant 0 : i32
        %broadcast_in_dim3A_69 = vector.broadcast %broadcast_in_dim3A : i32 to vector<16xi32>
        tpu.vector_store_idx %arg10[%broadcast_in_dim3A_69, %get3A_62], %get3A_68 {add = true} : memref<16x1024xf32, #tpu.memory_space<vmem>>[vector<16xi32>, vector<16xi32>], vector<16xf32>,
        %mul3A_70 = arith.constant 16 : i32
        %mul3A_71 = arith.muli %scan3A_59, %mul3A_70 : i32
        %get3A_72 = arith.constant 1 : i32
        %get3A_73 = arith.index_cast %get3A_72 : i32 to index
        %get3A_74 = arith.index_cast %mul3A_71 : i32 to index
        %get3A_75 = tpu.vector_load %arg11[%get3A_73, %get3A_74] {strides = array<i32>} : memref<16x512xf32, #tpu.memory_space<vmem>>, vector<16xf32>,
        %broadcast_in_dim3A_76 = arith.constant 1 : i32
        %broadcast_in_dim3A_77 = vector.broadcast %broadcast_in_dim3A_76 : i32 to vector<16xi32>
        tpu.vector_store_idx %arg10[%broadcast_in_dim3A_77, %get3A_62], %get3A_75 {add = true} : memref<16x1024xf32, #tpu.memory_space<vmem>>[vector<16xi32>, vector<16xi32>], vector<16xf32>,
        %mul3A_78 = arith.constant 16 : i32
        %mul3A_79 = arith.muli %scan3A_59, %mul3A_78 : i32
        %get3A_80 = arith.constant 2 : i32
        %get3A_81 = arith.index_cast %get3A_80 : i32 to index
        %get3A_82 = arith.index_cast %mul3A_79 : i32 to index
        %get3A_83 = tpu.vector_load %arg11[%get3A_81, %get3A_82] {strides = array<i32>} : memref<16x512xf32, #tpu.memory_space<vmem>>, vector<16xf32>,
        %broadcast_in_dim3A_84 = arith.constant 2 : i32
        %broadcast_in_dim3A_85 = vector.broadcast %broadcast_in_dim3A_84 : i32 to vector<16xi32>
        tpu.vector_store_idx %arg10[%broadcast_in_dim3A_85, %get3A_62], %get3A_83 {add = true} : memref<16x1024xf32, #tpu.memory_space<vmem>>[vector<16xi32>, vector<16xi32>], vector<16xf32>,
        %mul3A_86 = arith.constant 16 : i32
        %mul3A_87 = arith.muli %scan3A_59, %mul3A_86 : i32
        %get3A_88 = arith.constant 3 : i32
        %get3A_89 = arith.index_cast %get3A_88 : i32 to index
        %get3A_90 = arith.index_cast %mul3A_87 : i32 to index
        %get3A_91 = tpu.vector_load %arg11[%get3A_89, %get3A_90] {strides = array<i32>} : memref<16x512xf32, #tpu.memory_space<vmem>>, vector<16xf32>,
        %broadcast_in_dim3A_92 = arith.constant 3 : i32
        %broadcast_in_dim3A_93 = vector.broadcast %broadcast_in_dim3A_92 : i32 to vector<16xi32>
        tpu.vector_store_idx %arg10[%broadcast_in_dim3A_93, %get3A_62], %get3A_91 {add = true} : memref<16x1024xf32, #tpu.memory_space<vmem>>[vector<16xi32>, vector<16xi32>], vector<16xf32>,
        %mul3A_94 = arith.constant 16 : i32
        %mul3A_95 = arith.muli %scan3A_59, %mul3A_94 : i32
        %get3A_96 = arith.constant 4 : i32
        %get3A_97 = arith.index_cast %get3A_96 : i32 to index
        %get3A_98 = arith.index_cast %mul3A_95 : i32 to index
        %get3A_99 = tpu.vector_load %arg11[%get3A_97, %get3A_98] {strides = array<i32>} : memref<16x512xf32, #tpu.memory_space<vmem>>, vector<16xf32>,
        %broadcast_in_dim3A_100 = arith.constant 4 : i32
        %broadcast_in_dim3A_101 = vector.broadcast %broadcast_in_dim3A_100 : i32 to vector<16xi32>
        tpu.vector_store_idx %arg10[%broadcast_in_dim3A_101, %get3A_62], %get3A_99 {add = true} : memref<16x1024xf32, #tpu.memory_space<vmem>>[vector<16xi32>, vector<16xi32>], vector<16xf32>,
        %mul3A_102 = arith.constant 16 : i32
        %mul3A_103 = arith.muli %scan3A_59, %mul3A_102 : i32
        %get3A_104 = arith.constant 5 : i32
        %get3A_105 = arith.index_cast %get3A_104 : i32 to index
        %get3A_106 = arith.index_cast %mul3A_103 : i32 to index
        %get3A_107 = tpu.vector_load %arg11[%get3A_105, %get3A_106] {strides = array<i32>} : memref<16x512xf32, #tpu.memory_space<vmem>>, vector<16xf32>,
        %broadcast_in_dim3A_108 = arith.constant 5 : i32
        %broadcast_in_dim3A_109 = vector.broadcast %broadcast_in_dim3A_108 : i32 to vector<16xi32>
        tpu.vector_store_idx %arg10[%broadcast_in_dim3A_109, %get3A_62], %get3A_107 {add = true} : memref<16x1024xf32, #tpu.memory_space<vmem>>[vector<16xi32>, vector<16xi32>], vector<16xf32>,
        %mul3A_110 = arith.constant 16 : i32
        %mul3A_111 = arith.muli %scan3A_59, %mul3A_110 : i32
        %get3A_112 = arith.constant 6 : i32
        %get3A_113 = arith.index_cast %get3A_112 : i32 to index
        %get3A_114 = arith.index_cast %mul3A_111 : i32 to index
        %get3A_115 = tpu.vector_load %arg11[%get3A_113, %get3A_114] {strides = array<i32>} : memref<16x512xf32, #tpu.memory_space<vmem>>, vector<16xf32>,
        %broadcast_in_dim3A_116 = arith.constant 6 : i32
        %broadcast_in_dim3A_117 = vector.broadcast %broadcast_in_dim3A_116 : i32 to vector<16xi32>
        tpu.vector_store_idx %arg10[%broadcast_in_dim3A_117, %get3A_62], %get3A_115 {add = true} : memref<16x1024xf32, #tpu.memory_space<vmem>>[vector<16xi32>, vector<16xi32>], vector<16xf32>,
        %mul3A_118 = arith.constant 16 : i32
        %mul3A_119 = arith.muli %scan3A_59, %mul3A_118 : i32
        %get3A_120 = arith.constant 7 : i32
        %get3A_121 = arith.index_cast %get3A_120 : i32 to index
        %get3A_122 = arith.index_cast %mul3A_119 : i32 to index
        %get3A_123 = tpu.vector_load %arg11[%get3A_121, %get3A_122] {strides = array<i32>} : memref<16x512xf32, #tpu.memory_space<vmem>>, vector<16xf32>,
        %broadcast_in_dim3A_124 = arith.constant 7 : i32
        %broadcast_in_dim3A_125 = vector.broadcast %broadcast_in_dim3A_124 : i32 to vector<16xi32>
        tpu.vector_store_idx %arg10[%broadcast_in_dim3A_125, %get3A_62], %get3A_123 {add = true} : memref<16x1024xf32, #tpu.memory_space<vmem>>[vector<16xi32>, vector<16xi32>], vector<16xf32>,
        %mul3A_126 = arith.constant 16 : i32
        %mul3A_127 = arith.muli %scan3A_59, %mul3A_126 : i32
        %get3A_128 = arith.constant 8 : i32
        %get3A_129 = arith.index_cast %get3A_128 : i32 to index
        %get3A_130 = arith.index_cast %mul3A_127 : i32 to index
        %get3A_131 = tpu.vector_load %arg11[%get3A_129, %get3A_130] {strides = array<i32>} : memref<16x512xf32, #tpu.memory_space<vmem>>, vector<16xf32>,
        %broadcast_in_dim3A_132 = arith.constant 8 : i32
        %broadcast_in_dim3A_133 = vector.broadcast %broadcast_in_dim3A_132 : i32 to vector<16xi32>
        tpu.vector_store_idx %arg10[%broadcast_in_dim3A_133, %get3A_62], %get3A_131 {add = true} : memref<16x1024xf32, #tpu.memory_space<vmem>>[vector<16xi32>, vector<16xi32>], vector<16xf32>,
        %mul3A_134 = arith.constant 16 : i32
        %mul3A_135 = arith.muli %scan3A_59, %mul3A_134 : i32
        %get3A_136 = arith.constant 9 : i32
        %get3A_137 = arith.index_cast %get3A_136 : i32 to index
        %get3A_138 = arith.index_cast %mul3A_135 : i32 to index
        %get3A_139 = tpu.vector_load %arg11[%get3A_137, %get3A_138] {strides = array<i32>} : memref<16x512xf32, #tpu.memory_space<vmem>>, vector<16xf32>,
        %broadcast_in_dim3A_140 = arith.constant 9 : i32
        %broadcast_in_dim3A_141 = vector.broadcast %broadcast_in_dim3A_140 : i32 to vector<16xi32>
        tpu.vector_store_idx %arg10[%broadcast_in_dim3A_141, %get3A_62], %get3A_139 {add = true} : memref<16x1024xf32, #tpu.memory_space<vmem>>[vector<16xi32>, vector<16xi32>], vector<16xf32>,
        %mul3A_142 = arith.constant 16 : i32
        %mul3A_143 = arith.muli %scan3A_59, %mul3A_142 : i32
        %get3A_144 = arith.constant 10 : i32
        %get3A_145 = arith.index_cast %get3A_144 : i32 to index
        %get3A_146 = arith.index_cast %mul3A_143 : i32 to index
        %get3A_147 = tpu.vector_load %arg11[%get3A_145, %get3A_146] {strides = array<i32>} : memref<16x512xf32, #tpu.memory_space<vmem>>, vector<16xf32>,
        %broadcast_in_dim3A_148 = arith.constant 10 : i32
        %broadcast_in_dim3A_149 = vector.broadcast %broadcast_in_dim3A_148 : i32 to vector<16xi32>
        tpu.vector_store_idx %arg10[%broadcast_in_dim3A_149, %get3A_62], %get3A_147 {add = true} : memref<16x1024xf32, #tpu.memory_space<vmem>>[vector<16xi32>, vector<16xi32>], vector<16xf32>,
        %mul3A_150 = arith.constant 16 : i32
        %mul3A_151 = arith.muli %scan3A_59, %mul3A_150 : i32
        %get3A_152 = arith.constant 11 : i32
        %get3A_153 = arith.index_cast %get3A_152 : i32 to index
        %get3A_154 = arith.index_cast %mul3A_151 : i32 to index
        %get3A_155 = tpu.vector_load %arg11[%get3A_153, %get3A_154] {strides = array<i32>} : memref<16x512xf32, #tpu.memory_space<vmem>>, vector<16xf32>,
        %broadcast_in_dim3A_156 = arith.constant 11 : i32
        %broadcast_in_dim3A_157 = vector.broadcast %broadcast_in_dim3A_156 : i32 to vector<16xi32>
        tpu.vector_store_idx %arg10[%broadcast_in_dim3A_157, %get3A_62], %get3A_155 {add = true} : memref<16x1024xf32, #tpu.memory_space<vmem>>[vector<16xi32>, vector<16xi32>], vector<16xf32>,
        %mul3A_158 = arith.constant 16 : i32
        %mul3A_159 = arith.muli %scan3A_59, %mul3A_158 : i32
        %get3A_160 = arith.constant 12 : i32
        %get3A_161 = arith.index_cast %get3A_160 : i32 to index
        %get3A_162 = arith.index_cast %mul3A_159 : i32 to index
        %get3A_163 = tpu.vector_load %arg11[%get3A_161, %get3A_162] {strides = array<i32>} : memref<16x512xf32, #tpu.memory_space<vmem>>, vector<16xf32>,
        %broadcast_in_dim3A_164 = arith.constant 12 : i32
        %broadcast_in_dim3A_165 = vector.broadcast %broadcast_in_dim3A_164 : i32 to vector<16xi32>
        tpu.vector_store_idx %arg10[%broadcast_in_dim3A_165, %get3A_62], %get3A_163 {add = true} : memref<16x1024xf32, #tpu.memory_space<vmem>>[vector<16xi32>, vector<16xi32>], vector<16xf32>,
        %mul3A_166 = arith.constant 16 : i32
        %mul3A_167 = arith.muli %scan3A_59, %mul3A_166 : i32
        %get3A_168 = arith.constant 13 : i32
        %get3A_169 = arith.index_cast %get3A_168 : i32 to index
        %get3A_170 = arith.index_cast %mul3A_167 : i32 to index
        %get3A_171 = tpu.vector_load %arg11[%get3A_169, %get3A_170] {strides = array<i32>} : memref<16x512xf32, #tpu.memory_space<vmem>>, vector<16xf32>,
        %broadcast_in_dim3A_172 = arith.constant 13 : i32
        %broadcast_in_dim3A_173 = vector.broadcast %broadcast_in_dim3A_172 : i32 to vector<16xi32>
        tpu.vector_store_idx %arg10[%broadcast_in_dim3A_173, %get3A_62], %get3A_171 {add = true} : memref<16x1024xf32, #tpu.memory_space<vmem>>[vector<16xi32>, vector<16xi32>], vector<16xf32>,
        %mul3A_174 = arith.constant 16 : i32
        %mul3A_175 = arith.muli %scan3A_59, %mul3A_174 : i32
        %get3A_176 = arith.constant 14 : i32
        %get3A_177 = arith.index_cast %get3A_176 : i32 to index
        %get3A_178 = arith.index_cast %mul3A_175 : i32 to index
        %get3A_179 = tpu.vector_load %arg11[%get3A_177, %get3A_178] {strides = array<i32>} : memref<16x512xf32, #tpu.memory_space<vmem>>, vector<16xf32>,
        %broadcast_in_dim3A_180 = arith.constant 14 : i32
        %broadcast_in_dim3A_181 = vector.broadcast %broadcast_in_dim3A_180 : i32 to vector<16xi32>
        tpu.vector_store_idx %arg10[%broadcast_in_dim3A_181, %get3A_62], %get3A_179 {add = true} : memref<16x1024xf32, #tpu.memory_space<vmem>>[vector<16xi32>, vector<16xi32>], vector<16xf32>,
        %mul3A_182 = arith.constant 16 : i32
        %mul3A_183 = arith.muli %scan3A_59, %mul3A_182 : i32
        %get3A_184 = arith.constant 15 : i32
        %get3A_185 = arith.index_cast %get3A_184 : i32 to index
        %get3A_186 = arith.index_cast %mul3A_183 : i32 to index
        %get3A_187 = tpu.vector_load %arg11[%get3A_185, %get3A_186] {strides = array<i32>} : memref<16x512xf32, #tpu.memory_space<vmem>>, vector<16xf32>,
        %broadcast_in_dim3A_188 = arith.constant 15 : i32
        %broadcast_in_dim3A_189 = vector.broadcast %broadcast_in_dim3A_188 : i32 to vector<16xi32>
        tpu.vector_store_idx %arg10[%broadcast_in_dim3A_189, %get3A_62], %get3A_187 {add = true} : memref<16x1024xf32, #tpu.memory_space<vmem>>[vector<16xi32>, vector<16xi32>], vector<16xf32>,
      }
      %scan3A_58 = arith.constant 32 : i32
      "tpu.region"() ({
        %run_scoped3A = tpu.sem_alloc : memref<!tpu.dma_semaphore, #tpu.memory_space<semaphore_mem>>
        %dma_start3A = arith.constant 0 : i32
        %dma_start3A_59 = tpu.memref_slice %arg6[%add3A_13, %add3A_51, %dma_start3A] : memref<32x1024x1024xf32, #tpu.memory_space<hbm>> -> memref<1x16x1024xf32, #tpu.memory_space<hbm>>
        %dma_start3A_60 = tpu.memref_squeeze %dma_start3A_59 : memref<1x16x1024xf32, #tpu.memory_space<hbm>> -> memref<16x1024xf32, #tpu.memory_space<hbm>>
        %dma_start3A_61 = arith.constant 0 : i32
        %dma_start3A_62 = tpu.memref_slice %arg6[%add3A_13, %add3A_51, %dma_start3A_61] : memref<32x1024x1024xf32, #tpu.memory_space<hbm>> -> memref<1x16x1024xf32, #tpu.memory_space<hbm>>
        %dma_start3A_63 = tpu.memref_squeeze %dma_start3A_62 : memref<1x16x1024xf32, #tpu.memory_space<hbm>> -> memref<16x1024xf32, #tpu.memory_space<hbm>>
        tpu.enqueue_dma source(%arg10 : memref<16x1024xf32, #tpu.memory_space<vmem>>) target(%dma_start3A_63 : memref<16x1024xf32, #tpu.memory_space<hbm>>) target_semaphore(%run_scoped3A : memref<!tpu.dma_semaphore, #tpu.memory_space<semaphore_mem>>)
        %dma_wait3A = arith.constant 0 : i32
        %dma_wait3A_64 = tpu.memref_slice %arg6[%add3A_13, %add3A_51, %dma_wait3A] : memref<32x1024x1024xf32, #tpu.memory_space<hbm>> -> memref<1x16x1024xf32, #tpu.memory_space<hbm>>
        %dma_wait3A_65 = tpu.memref_squeeze %dma_wait3A_64 : memref<1x16x1024xf32, #tpu.memory_space<hbm>> -> memref<16x1024xf32, #tpu.memory_space<hbm>>
        %dma_wait3A_66 = arith.constant 0 : i32
        %dma_wait3A_67 = tpu.memref_slice %arg6[%add3A_13, %add3A_51, %dma_wait3A_66] : memref<32x1024x1024xf32, #tpu.memory_space<hbm>> -> memref<1x16x1024xf32, #tpu.memory_space<hbm>>
        %dma_wait3A_68 = tpu.memref_squeeze %dma_wait3A_67 : memref<1x16x1024xf32, #tpu.memory_space<hbm>> -> memref<16x1024xf32, #tpu.memory_space<hbm>>
        tpu.wait_dma2 semaphore(%run_scoped3A : memref<!tpu.dma_semaphore, #tpu.memory_space<semaphore_mem>>) src(%arg10 : memref<16x1024xf32, #tpu.memory_space<vmem>>) dst(%dma_wait3A_68 : memref<16x1024xf32, #tpu.memory_space<hbm>>)
        tpu.yield
      }) : () -> ()
    }
    %scan3A_9 = arith.constant 16 : i32
    return
  }
}

</mosaic_0001>

<sc_bundles>
// kernel: _scatter_add.3.cloned.1.call-start
scs
__scs_entry_jumppad:
0x0: {  	(pc) =	sbr.rel $0x88, $3  }
0x1: {  	(tag) =	ssettag $0x0;
	lr =	simm.s32 $0x1  }
0x2: {  	[smem:$0x3F9D] =	sst lr;
	_ =	strace $0xD0000000  }
0x3: {  	_ = 	snop  }
0x4: {  	_ = 	snop  }
0x5: {  	_ = 	snop  }
0x6: {  	_ = 	snop  }
0x7: {  	_ = 	snop  }
__scs_overlays_trampoline_lowered:
0x8: {  	[smem:$0x3FAC] =	sst s0  }
0x9: {  	[smem:$0x3FAD] =	sst s1  }
0xa: {  	[smem:$0x3FAE] =	sst s2  }
0xb: {  	[smem:$0x3FAF] =	sst s3  }
0xc: {  	[smem:$0x3FB0] =	sst s4  }
0xd: {  	[smem:$0x3FB1] =	sst s5  }
0xe: {  	[smem:$0x3FB2] =	sst s6  }
0xf: {  	[smem:$0x3FB3] =	sst s7  }
0x10: {  	[smem:$0x3FB4] =	sst s8  }
0x11: {  	[smem:$0x3FB5] =	sst s9;
	s0 =	simm.s32 @!p0 $0x0  }
0x12: {  	s1 =	sld [smem:$0x3F9B];
	s0 =	simm.s32 @p0 $0x1  }
0x13: {  	[smem:$0x3FB6] =	sst s0;
	s0 =	simm.s32 @!p1 $0x0  }
0x14: {  	s2 =	sld [smem:$0x3F9A];
	s0 =	simm.s32 @p1 $0x1  }
0x15: {  	[smem:$0x3FB7] =	sst s0;
	s0 =	simm.s32 @!p2 $0x0  }
0x16: {  	s3 =	sld [smem:$0x3FDB];
	s0 =	simm.s32 @p2 $0x1  }
0x17: {  	s4 =	simm.s32 $0x1BF5;
	[smem:$0x3FB9] =	sst s0  }
0x18: {  	s0 =	sld [smem:$0x3F9C];
	_ =	swait.ge [sflag:s4], $0x0  }
0x19: {  	s7 =	sld [smem:$0x3F9D]  }
0x1a: {  	s8 =	sadd.s32 $0xFFFFE003, lr  }
0x1b: {  	s9 =	sadd.s32 $0xFFFFFEF7, lr;
	s5 =	simm.s32 $0xFFFFFFFF;
	p2 =	slt.u32 s8, $0xFFFFF086  }
0x1c: {  	p1 =	slt.u32 s9, $0xF7A;
	s5 =	simm.s32 @!p2 $0x0  }
0x1d: {  	s5 =	simm.s32 @p1 $0x1;
	p0 =	seq.s32 s7, s2  }
0x1e: {  	s7 =	smul.u32 @!p0 $0xF7A, s2;
	p2 =	seq.s32 @!p0 s5, $0x0  }
0x1f: {  	s9 =	smul.u32 $0xF7A, s1;
	s8 =	simm.s32 @!p0 $0x1BF5;
	p2 =	por !p2, p0  }
0x20: {  	[sflag:s8] =	ssyncset.s32 @!p0 $0xFFFFF086;
	s6 =	sadd.s32 @!p0 s3, s7;
	s7 =	simm.s32 @!p0 $0x108  }
0x21: {  	s3 =	sadd.s32 s3, s9;
	s6 =	sadd.s32 @!p0 $0x88, s6;
	s7 =	simm.s32 @p2 $0x1082  }
0x22: {  	[simem:s7], [sflag:s8] =	dma.local @!p0 [hbm:s6], $0xF7A  }
0x23: {  	s9 =	sor.u32 $0xD0000000, s2;
	s6 =	simm.s32 $0x108;
	_ =	swait.ge @!p0 [sflag:s8], $0x0  }
0x24: {  	s3 =	sadd.s32 $0x88, s3;
	s6 =	simm.s32 @!p1 $0x1082;
	[sflag:s4] =	ssyncset.s32 $0xFFFFF086  }
0x25: {  	[simem:s6], [sflag:s4] =	dma.local [hbm:s3], $0xF7A  }
0x26: {  	[smem:$0x3F9D] =	sst s1;
	(tag) =	ssettag s2;
	_ =	strace s9  }
0x27: {  	s1 =	sld [smem:$0x3FAD]  }
0x28: {  	s2 =	sld [smem:$0x3FAE]  }
0x29: {  	s4 =	sld [smem:$0x3FB0]  }
0x2a: {  	p0 =	seq.s32 s5, $0x0;
	s5 =	sld [smem:$0x3FB1]  }
0x2b: {  	s6 =	sld [smem:$0x3FB2]  }
0x2c: {  	s7 =	sld [smem:$0x3FB3]  }
0x2d: {  	s3 =	simm.s32 $0x108;
	s8 =	sld [smem:$0x3FB4]  }
0x2e: {  	s3 =	simm.s32 @!p0 $0x1082;
	s9 =	sld [smem:$0x3FB5]  }
0x2f: {  	lr =	sadd.s32 s0, s3;
	s0 =	sld [smem:$0x3FAC]  }
0x30: {  	s3 =	sld [smem:$0x3FAF]  }
0x31: {  	[smem:$0x3FB8] =	sst s10  }
0x32: {  	s10 =	sld [smem:$0x3FB6];
	_ =	sdelay $0x3  }
0x33: {  	p0 =	seq.s32 s10, $0x1;
	s10 =	sld [smem:$0x3FB8];
	_ =	sdelay $0x3  }
0x34: {  	[smem:$0x3FB8] =	sst s10  }
0x35: {  	s10 =	sld [smem:$0x3FB7];
	_ =	sdelay $0x3  }
0x36: {  	p1 =	seq.s32 s10, $0x1;
	s10 =	sld [smem:$0x3FB8];
	_ =	sdelay $0x3  }
0x37: {  	[smem:$0x3FB8] =	sst s10  }
0x38: {  	s10 =	sld [smem:$0x3FB9]  }
0x39: {  	_ = 	snop;
	(pc) =	sbr.ind lr, $3  }
0x3a: {  	_ = 	snop  }
0x3b: {  	_ = 	snop  }
0x3c: {  	p2 =	seq.s32 s10, $0x1;
	s10 =	sld [smem:$0x3FB8]  }
0x3d: {  	_ =	shalt  }
0x3e: {  	_ =	shalt  }
0x3f: {  	_ =	shalt  }
0x40: {  	_ =	shalt  }
0x41: {  	_ =	shalt  }
0x42: {  	_ =	shalt  }
0x43: {  	_ =	shalt  }
0x44: {  	_ =	shalt  }
0x45: {  	_ =	shalt  }
0x46: {  	_ =	shalt  }
0x47: {  	_ =	shalt  }
0x48: {  	_ =	shalt  }
0x49: {  	_ =	shalt  }
0x4a: {  	_ =	shalt  }
0x4b: {  	_ =	shalt  }
0x4c: {  	_ =	shalt  }
0x4d: {  	_ =	shalt  }
0x4e: {  	_ =	shalt  }
0x4f: {  	_ =	shalt  }
0x50: {  	_ =	shalt  }
0x51: {  	_ =	shalt  }
0x52: {  	_ =	shalt  }
0x53: {  	_ =	shalt  }
0x54: {  	_ =	shalt  }
0x55: {  	_ =	shalt  }
0x56: {  	_ =	shalt  }
0x57: {  	_ =	shalt  }
0x58: {  	_ =	shalt  }
0x59: {  	_ =	shalt  }
0x5a: {  	_ =	shalt  }
0x5b: {  	_ =	shalt  }
0x5c: {  	_ =	shalt  }
0x5d: {  	_ =	shalt  }
0x5e: {  	_ =	shalt  }
0x5f: {  	_ =	shalt  }
0x60: {  	_ =	shalt  }
0x61: {  	_ =	shalt  }
0x62: {  	_ =	shalt  }
0x63: {  	_ =	shalt  }
0x64: {  	_ =	shalt  }
0x65: {  	_ =	shalt  }
0x66: {  	_ =	shalt  }
0x67: {  	_ =	shalt  }
0x68: {  	_ =	shalt  }
0x69: {  	_ =	shalt  }
0x6a: {  	_ =	shalt  }
0x6b: {  	_ =	shalt  }
0x6c: {  	_ =	shalt  }
0x6d: {  	_ =	shalt  }
0x6e: {  	_ =	shalt  }
0x6f: {  	_ =	shalt  }
0x70: {  	_ =	shalt  }
0x71: {  	_ =	shalt  }
0x72: {  	_ =	shalt  }
0x73: {  	_ =	shalt  }
0x74: {  	_ =	shalt  }
0x75: {  	_ =	shalt  }
0x76: {  	_ =	shalt  }
0x77: {  	_ =	shalt  }
0x78: {  	_ =	shalt  }
0x79: {  	_ =	shalt  }
0x7a: {  	_ =	shalt  }
0x7b: {  	_ =	shalt  }
0x7c: {  	_ =	shalt  }
0x7d: {  	_ =	shalt  }
0x7e: {  	_ =	shalt  }
0x7f: {  	_ =	shalt  }
0x80: {  	_ =	shalt  }
0x81: {  	_ =	shalt  }
0x82: {  	_ =	shalt  }
0x83: {  	_ =	shalt  }
0x84: {  	_ =	shalt  }
0x85: {  	_ =	shalt  }
0x86: {  	_ =	shalt  }
0x87: {  	_ =	shalt  }
.Lfunc_end0:
.L_simem_size_0:
called_computation.2_lowered:
.L_overlay_start_0:
0x88: {  	s2 =	sld [smem:$0x3FD9]  }
0x89: {  	s3 =	sld [smem:$0x3FFE];
	_ =	sdelay $0x1  }
0x8a: {  	s1 =	srdreg.scid  }
0x8b: {  	s0 =	sand.u32 $0x1, s1  }
0x8c: {  	s17 =	sshll.u32 s0, $0xA;
	s2 =	sadd.s32 s3, s2  }
0x8d: {  	s2 =	sadd.s32 s2, s17  }
0x8e: {  	[smem:$0x3FC4] =	sst s2  }
0x8f: {  	_ = 	snop  }
0x90: {  	s2 =	sld [smem:$0x3FC7]  }
0x91: {  	s18 =	sld [smem:$0x3FC6]  }
0x92: {  	s4 =	sld [smem:$0x3FD0];
	(tm) =	ssettm $0x1  }
0x93: {  	s5 =	sld [smem:$0x3FFB];
	_ =	sdelay $0x3  }
0x94: {  	_ =	strace s5  }
0x95: {  	s5 =	sld [smem:$0x3FFC];
	_ =	sdelay $0x3  }
0x96: {  	_ =	strace s5  }
0x97: {  	s5 =	sld [smem:$0x3FFD];
	_ =	sdelay $0x3  }
0x98: {  	_ =	strace s5  }
0x99: {  	_ =	strace $0x8FFFFFFF  }
0x9a: {  	s19 =	sld [smem:$0x3FDB];
	_ =	sdelay $0x1  }
0x9b: {  	s6 =	simm.s32 $_scs_section_size  }
0x9c: {  	s7 =	simm.s32 $_size__tile_overlayer_lowered;
	s8 =	simm.s32 $_tile_overlayer_lowered  }
0x9d: {  	s22 =	simm.s32 $0x1BFF;
	s21 =	sshll.u32 s8, $0x1;
	s5 =	sadd.s32 s6, s19  }
0x9e: {  	s9 =	simm.s32 $0x0;
	s20 =	sshll.u32 s7, $0x1;
	s7 =	sadd.s32 s21, s5  }
0x9f: {  	[timem:s9], [sflag:s22] =	dma.local [hbm:s7], s20  }
0xa0: {  	_ =	swait.ge [sflag:s22], s20  }
0xa1: {  	s6 =	ssub.s32 $0x0, s20;
	[sflag:s22] =	ssyncset.done $0x0  }
0xa2: {  	[sflag:s22] =	ssyncadd.s32 s6;
	_ =	sdelay $0x1  }
0xa3: {  	s23 =	simm.s32 $0x1B8B  }
0xa4: {  	_ =	swait.ge [sflag:s23], $0x1  }
0xa5: {  	[sflag:s23] =	ssyncset.done $0x0  }
0xa6: {  	s25 =	simm.s32 $0x1B8E;
	s24 =	sld [smem:$0x3FFE];
	[sflag:s23] =	ssyncadd.s32 $0xFFFFFFFF  }
0xa7: {  	s26 =	simm.s32 $execute0_lowered;
	[smem:$0x3FD2] =	sst s25  }
0xa8: {  	s7 =	sshll.u32 s26, $0x1;
	_ =	strace $0x8000004C;
	[dreg:$0x1] =	wrdreg $0xFFFFFFFF  }
0xa9: {  	s28 =	simm.s32 $_size_execute0_lowered;
	s5 =	sadd.s32 s5, s7;
	[dreg:$0x0] =	wrdreg $0x0  }
0xaa: {  	s7 =	sshll.u32 s28, $0x1;
	[dreg:$0x2] =	wrdreg s5  }
0xab: {  	[dreg:$0x3] =	wrdreg s7  }
0xac: {  	[dreg:$0x4] =	wrdreg $0xC0  }
0xad: {  	_ =	task [dreg:s9], $0x5FFFF  }
0xae: {  	[dreg:$0x1] =	wrdreg $0xFFFFFFFF  }
0xaf: {  	[dreg:$0x0] =	wrdreg $0x60  }
0xb0: {  	[dreg:$0x2] =	wrdreg s4  }
0xb1: {  	[dreg:$0x3] =	wrdreg s24  }
0xb2: {  	[dreg:$0x4] =	wrdreg s2  }
0xb3: {  	[dreg:$0x5] =	wrdreg s18  }
0xb4: {  	[dreg:$0x6] =	wrdreg $0x0  }
0xb5: {  	[dreg:$0x7] =	wrdreg $0x9  }
0xb6: {  	_ =	task.clear_ibuf [dreg:s9], $0x8FFFF;
	_ =	strace $0x9000004C  }
0xb7: {  	s29 =	simm.s32 $0x9;
	_ =	strace $0x8000004E  }
0xb8: {  	_ =	swait.ge [sflag:s29], $0x1  }
0xb9: {  	[sflag:s29] =	ssyncadd.s32 $0xFFFFFFFF  }
0xba: {  	_ =	strace $0x9000004E  }
0xbb: {  	_ =	sfence  }
0xbc: {  	s30 =	sld [smem:$0x0];
	_ =	sdelay $0x2  }
0xbd: {  	s31 =	sshll.u32 s1, $0xD;
	s1 =	sshrl.u32 s1, $0x2  }
0xbe: {  	s3 =	sand.u32 $0x4000, s31;
	s1 =	sadd.s32 s1, s30  }
0xbf: {  	s0 =	sor.u32 s3, s0;
	s1 =	sshll.u32 s1, $0x11  }
0xc0: {  	s0 =	sor.u32 s1, s0  }
0xc1: {  	s0 =	sadd.s32 $0x8F2B, s0  }
0xc2: {  	[sflag:s0] =	ssyncadd.remote.s32 $0x1  }
0xc3: {  	_ =	sfence.sel $0xFFFF  }
0xc4: {  	[dreg:$0x0] =	wrdreg $0xFFFFFFFF;
	(pc) =	sbr.abs _section_cstart, $3  }
0xc5: {  	[dreg:$0x1] =	wrdreg $0xFFFFFFFF  }
0xc6: {  	_ =	task.clear_ibuf [dreg:s9], $0x2FFFF;
	_ =	strace $0x9FFFFFFF  }
0xc7: {  	(tm) =	ssettm $0x7FFFFFFF  }
tec
execute0_lowered:
.L_overlay_start_1:
0x0: {  	(tag) =	ssettag $0x1  }
0x1: {  	s1 =	rddreg [dreg:$0x0]  }
0x2: {  	s0 =	rddreg [dreg:$0x1]  }
0x3: {  	s2 =	rddreg [dreg:$0x4]  }
0x4: {  	s3 =	srdreg.scid;
	s4 =	simm.s32 $0x0;
	s12 =	stileid.u32  }
0x5: {  	s21 =	simm.s32 $0x1;
	s28 =	simm.s32 $0x1C000;
	s29 =	simm.s32 $0x18000  }
0x6: {  	s30 =	simm.s32 $0x0;
	s3 =	sand.u32 $0x1, s3;
	[smem:$0x7FF] =	sst s4  }
0x7: {  	s6 =	sadd.s32 $0xC00, s0;
	s7 =	sadd.s32 $0x200C00, s0;
	s24 =	sshll.u32 s12, $0x6  }
0x8: {  	s9 =	sshll.u32 s12, $0x5;
	s25 =	sshll.u32 s12, $0xF;
	s12 =	sshll.u32 s12, $0x10  }
0x9: {  	s5 =	ssub.s32 $0x2, s3;
	_ =	strace $0x8000004D;
	s10 =	sadd.s32 s9, s2  }
0xa: {  	v0 =	vimm.f32 $0.0e+00;
	s14 =	sor.u32 $0x10, s24;
	s11 =	sadd.s32 s25, s2;
	s31 =	sor.u32 $0x20, s24  }
0xb: {  	v1 =	vimm.s32 $0x0;
	v2 =	vimm.s32 $0x5;
	v3 =	vlaneseq.u32;
	s25 =	simm.s32 $0x8000;
	s8 =	sshrl.u32 s5, $0x1;
	s26 =	sshll.u32 s14, $0x9  }
0xc: {  	v5 =	vimm.s32 $0x1;
	v6 =	vimm.s32 $0x2;
	v7 =	vimm.s32 $0x3;
	s14 =	sshll.u32 s14, $0xA;
	s15 =	sshll.u32 s31, $0x9;
	s16 =	sshll.u32 s31, $0xA  }
0xd: {  	v8 =	vimm.s32 $0x4;
	v9 =	vimm.s32 $0x6;
	v10 =	vimm.s32 $0x7;
	s23 =	ssub.s32 s5, s8;
	s8 =	sshll.u32 s3, $0x4;
	s13 =	sadd.s32 s26, s2  }
0xe: {  	v11 =	vimm.s32 $0x8;
	v12 =	vimm.s32 $0x9;
	v13 =	vimm.s32 $0xA;
	s5 =	sor.u32 $0x30, s24;
	s15 =	sadd.s32 s15, s2;
	s24 =	simm.s32 $0x200  }
0xf: {  	v14 =	vimm.s32 $0xB;
	v15 =	vimm.s32 $0xC;
	v16 =	vimm.s32 $0xD;
	s26 =	simm.s32 $0x10000;
	s17 =	sshll.u32 s5, $0x9;
	s18 =	sshll.u32 s5, $0xA  }
0x10: {  	v17 =	vimm.s32 $0xE;
	v18 =	vimm.s32 $0xF;
	v4 =	vor.u32 $0x10, v3;
	s19 =	smax.u32 s23, $0x1;
	s23 =	simm.s32 $0x20;
	s17 =	sadd.s32 s17, s2  }
.LBB2_1:
0x11: {  	s0 =	rddreg [dreg:$0x3];
	s2 =	simm.s32 $0x1E000  }
0x12: {  	[tilespmem:s2], [sflag:$0x1] =	stream.linear.gather [hbm4b:s0+s4], $0x200, $0x38;
	[tilespmem:$0x1E600] =	vst v63  }
0x13: {  	_ =	swait.ge [sflag:s21], $0x200  }
0x14: {  	[sflag:s21] =	ssyncset.done $0x0  }
0x15: {  	[sflag:s21] =	ssyncadd.s32 $0xFFFFFE00  }
0x16: {  	s22 =	simm.s32 $0x1E200;
	s20 =	rddreg [dreg:$0x2]  }
0x17: {  	[tilespmem:s22], [sflag:$0x1] =	stream.linear.gather [hbm4b:s20+s4], $0x400, $0x38;
	[tilespmem:$0x1E600] =	vst v63  }
0x18: {  	_ =	swait.ge [sflag:s21], $0x400  }
0x19: {  	[sflag:s21] =	ssyncset.done $0x0  }
0x1a: {  	s31 =	simm.s32 $0x0;
	[sflag:s21] =	ssyncadd.s32 $0xFFFFFC00  }
.LBB2_2:
0x1b: {  	s2 =	simm.s32 $0x0;
	s0 =	simm.s32 $0x200  }
.LBB2_3:
0x1c: {  	p0 =	sne.s32 s0, $0x1FE00;
	[tilespmem:s2+$0x10070] =	vst v0  }
0x1d: {  	[tilespmem:s2+$0x10000] =	vst v0  }
0x1e: {  	[tilespmem:s2+$0x10010] =	vst v0  }
.Ltmp0:
0x1f: {  	[tilespmem:s2+$0x10020] =	vst v0;
	(pc) =	sbr.rel @p0 .LBB2_3-.Ltmp0, $4  }
0x20: {  	[tilespmem:s2+$0x10030] =	vst v0  }
0x21: {  	[tilespmem:s2+$0x10040] =	vst v0  }
0x22: {  	[tilespmem:s2+$0x10050] =	vst v0  }
0x23: {  	[tilespmem:s2+$0x10060] =	vst v0;
	s2 =	sshra.s32 s0, $0x2;
	s0 =	sadd.s32 $0x200, s0  }
0x24: {  	[tilespmem:s2+$0x10070] =	vst v0  }
0x25: {  	[tilespmem:s2+$0x10000] =	vst v0  }
0x26: {  	[tilespmem:s2+$0x10010] =	vst v0  }
0x27: {  	[tilespmem:s2+$0x10020] =	vst v0;
	s0 =	sadd.s32 s8, s31  }
0x28: {  	[tilespmem:s2+$0x10030] =	vst v0;
	s3 =	sshll.u32 s0, $0x13  }
0x29: {  	[tilespmem:s2+$0x10040] =	vst v0;
	s3 =	sor.u32 s9, s3  }
0x2a: {  	[tilespmem:s2+$0x10050] =	vst v0;
	s3 =	sshrl.u32 s3, $0x3  }
0x2b: {  	[tilespmem:s2+$0x10060] =	vst v0;
	s20 =	sadd.s32 s6, s3  }
0x2c: {  	[tilespmem:s25], [sflag:$0x1] =	stream.strided.gather [hbm4b:s20+s23], $0x8000, s24, s23, $0x38;
	[tilespmem:$0x1E600] =	vst v63  }
0x2d: {  	_ =	swait.ge [sflag:s21], $0x8000  }
0x2e: {  	[sflag:s21] =	ssyncset.done $0x0  }
0x2f: {  	s22 =	simm.s32 $0x0;
	[sflag:s21] =	ssyncadd.s32 $0xFFFF8000  }
0x30: {  	v19 =	vld [tilespmem:s22+$0x1E200];
	_ =	sdelay $0x4  }
0x31: {  	v20 =	vperm.xlane v19, v1;
	_ =	sdelay $0x1  }
0x32: {  	s5 =	simm.s32 $0x8100;
	v20 =	vshll.u32 v20, $0x5  }
0x33: {  	v21 =	vld [tilespmem:s5+$0xFFFFFF00];
	v22 =	vor.u32 v3, v20;
	_ =	sdelay $0x4  }
0x34: {  	[tilespmem:v22+s26+$0x0] =	vst.idx.add.f32.msk $0xffff, v21  }
0x35: {  	v20 =	vor.u32 v4, v20;
	v21 =	vld [tilespmem:s5+$0xFFFFFF10];
	_ =	sdelay $0x2  }
0x36: {  	v22 =	vperm.xlane v19, v5;
	_ =	sdelay $0x1  }
0x37: {  	v22 =	vshll.u32 v22, $0x5;
	[tilespmem:v20+s26+$0x0] =	vst.idx.add.f32.msk $0xffff, v21  }
0x38: {  	v21 =	vor.u32 v3, v22;
	v20 =	vld [tilespmem:s5+$0xFFFFFF20];
	_ =	sdelay $0x4  }
0x39: {  	[tilespmem:v21+s26+$0x0] =	vst.idx.add.f32.msk $0xffff, v20  }
0x3a: {  	v21 =	vor.u32 v4, v22;
	v20 =	vld [tilespmem:s5+$0xFFFFFF30];
	_ =	sdelay $0x2  }
0x3b: {  	v22 =	vperm.xlane v19, v6;
	_ =	sdelay $0x1  }
0x3c: {  	v22 =	vshll.u32 v22, $0x5;
	[tilespmem:v21+s26+$0x0] =	vst.idx.add.f32.msk $0xffff, v20  }
0x3d: {  	v21 =	vor.u32 v3, v22;
	v20 =	vld [tilespmem:s5+$0xFFFFFF40];
	_ =	sdelay $0x4  }
0x3e: {  	[tilespmem:v21+s26+$0x0] =	vst.idx.add.f32.msk $0xffff, v20  }
0x3f: {  	v21 =	vor.u32 v4, v22;
	v20 =	vld [tilespmem:s5+$0xFFFFFF50];
	_ =	sdelay $0x2  }
0x40: {  	v22 =	vperm.xlane v19, v7;
	_ =	sdelay $0x1  }
0x41: {  	v22 =	vshll.u32 v22, $0x5;
	[tilespmem:v21+s26+$0x0] =	vst.idx.add.f32.msk $0xffff, v20  }
0x42: {  	v21 =	vor.u32 v3, v22;
	v20 =	vld [tilespmem:s5+$0xFFFFFF60];
	_ =	sdelay $0x4  }
0x43: {  	[tilespmem:v21+s26+$0x0] =	vst.idx.add.f32.msk $0xffff, v20  }
0x44: {  	v21 =	vor.u32 v4, v22;
	v20 =	vld [tilespmem:s5+$0xFFFFFF70];
	_ =	sdelay $0x2  }
0x45: {  	v22 =	vperm.xlane v19, v8;
	_ =	sdelay $0x1  }
0x46: {  	v22 =	vshll.u32 v22, $0x5;
	[tilespmem:v21+s26+$0x0] =	vst.idx.add.f32.msk $0xffff, v20  }
0x47: {  	v21 =	vor.u32 v3, v22;
	v20 =	vld [tilespmem:s5+$0xFFFFFF80];
	_ =	sdelay $0x4  }
0x48: {  	[tilespmem:v21+s26+$0x0] =	vst.idx.add.f32.msk $0xffff, v20  }
0x49: {  	v21 =	vor.u32 v4, v22;
	v20 =	vld [tilespmem:s5+$0xFFFFFF90];
	_ =	sdelay $0x2  }
0x4a: {  	v22 =	vperm.xlane v19, v2;
	_ =	sdelay $0x1  }
0x4b: {  	v22 =	vshll.u32 v22, $0x5;
	[tilespmem:v21+s26+$0x0] =	vst.idx.add.f32.msk $0xffff, v20  }
0x4c: {  	v21 =	vor.u32 v3, v22;
	v20 =	vld [tilespmem:s5+$0xFFFFFFA0];
	_ =	sdelay $0x4  }
0x4d: {  	[tilespmem:v21+s26+$0x0] =	vst.idx.add.f32.msk $0xffff, v20  }
0x4e: {  	v21 =	vor.u32 v4, v22;
	v20 =	vld [tilespmem:s5+$0xFFFFFFB0];
	_ =	sdelay $0x2  }
0x4f: {  	v22 =	vperm.xlane v19, v9;
	_ =	sdelay $0x1  }
0x50: {  	v22 =	vshll.u32 v22, $0x5;
	[tilespmem:v21+s26+$0x0] =	vst.idx.add.f32.msk $0xffff, v20  }
0x51: {  	v21 =	vor.u32 v3, v22;
	v20 =	vld [tilespmem:s5+$0xFFFFFFC0];
	_ =	sdelay $0x4  }
0x52: {  	[tilespmem:v21+s26+$0x0] =	vst.idx.add.f32.msk $0xffff, v20  }
0x53: {  	v21 =	vor.u32 v4, v22;
	v20 =	vld [tilespmem:s5+$0xFFFFFFD0];
	_ =	sdelay $0x2  }
0x54: {  	v22 =	vperm.xlane v19, v10;
	_ =	sdelay $0x1  }
0x55: {  	v22 =	vshll.u32 v22, $0x5;
	[tilespmem:v21+s26+$0x0] =	vst.idx.add.f32.msk $0xffff, v20  }
0x56: {  	v21 =	vor.u32 v3, v22;
	v20 =	vld [tilespmem:s5+$0xFFFFFFE0];
	_ =	sdelay $0x4  }
0x57: {  	[tilespmem:v21+s26+$0x0] =	vst.idx.add.f32.msk $0xffff, v20  }
0x58: {  	v21 =	vor.u32 v4, v22;
	v20 =	vld [tilespmem:s5+$0xFFFFFFF0];
	_ =	sdelay $0x2  }
0x59: {  	v22 =	vperm.xlane v19, v11;
	_ =	sdelay $0x1  }
0x5a: {  	v22 =	vshll.u32 v22, $0x5;
	[tilespmem:v21+s26+$0x0] =	vst.idx.add.f32.msk $0xffff, v20  }
0x5b: {  	v21 =	vor.u32 v3, v22;
	v20 =	vld [tilespmem:s5+$0x0];
	_ =	sdelay $0x4  }
0x5c: {  	[tilespmem:v21+s26+$0x0] =	vst.idx.add.f32.msk $0xffff, v20  }
0x5d: {  	v21 =	vor.u32 v4, v22;
	v20 =	vld [tilespmem:s5+$0x10];
	_ =	sdelay $0x2  }
0x5e: {  	v22 =	vperm.xlane v19, v12;
	_ =	sdelay $0x1  }
0x5f: {  	v22 =	vshll.u32 v22, $0x5;
	[tilespmem:v21+s26+$0x0] =	vst.idx.add.f32.msk $0xffff, v20  }
0x60: {  	v21 =	vor.u32 v3, v22;
	v20 =	vld [tilespmem:s5+$0x20];
	_ =	sdelay $0x4  }
0x61: {  	[tilespmem:v21+s26+$0x0] =	vst.idx.add.f32.msk $0xffff, v20  }
0x62: {  	v21 =	vor.u32 v4, v22;
	v20 =	vld [tilespmem:s5+$0x30];
	_ =	sdelay $0x2  }
0x63: {  	v22 =	vperm.xlane v19, v13;
	_ =	sdelay $0x1  }
0x64: {  	v22 =	vshll.u32 v22, $0x5;
	[tilespmem:v21+s26+$0x0] =	vst.idx.add.f32.msk $0xffff, v20  }
0x65: {  	v21 =	vor.u32 v3, v22;
	v20 =	vld [tilespmem:s5+$0x40];
	_ =	sdelay $0x4  }
0x66: {  	[tilespmem:v21+s26+$0x0] =	vst.idx.add.f32.msk $0xffff, v20  }
0x67: {  	v21 =	vor.u32 v4, v22;
	v20 =	vld [tilespmem:s5+$0x50];
	_ =	sdelay $0x2  }
0x68: {  	v22 =	vperm.xlane v19, v14;
	_ =	sdelay $0x1  }
0x69: {  	v22 =	vshll.u32 v22, $0x5;
	[tilespmem:v21+s26+$0x0] =	vst.idx.add.f32.msk $0xffff, v20  }
0x6a: {  	v21 =	vor.u32 v3, v22;
	v20 =	vld [tilespmem:s5+$0x60];
	_ =	sdelay $0x4  }
0x6b: {  	[tilespmem:v21+s26+$0x0] =	vst.idx.add.f32.msk $0xffff, v20  }
0x6c: {  	v21 =	vor.u32 v4, v22;
	v20 =	vld [tilespmem:s5+$0x70];
	_ =	sdelay $0x2  }
0x6d: {  	v22 =	vperm.xlane v19, v15;
	_ =	sdelay $0x1  }
0x6e: {  	v22 =	vshll.u32 v22, $0x5;
	[tilespmem:v21+s26+$0x0] =	vst.idx.add.f32.msk $0xffff, v20  }
0x6f: {  	v21 =	vor.u32 v3, v22;
	v20 =	vld [tilespmem:s5+$0x80];
	_ =	sdelay $0x4  }
0x70: {  	[tilespmem:v21+s26+$0x0] =	vst.idx.add.f32.msk $0xffff, v20  }
0x71: {  	v21 =	vor.u32 v4, v22;
	v20 =	vld [tilespmem:s5+$0x90];
	_ =	sdelay $0x2  }
0x72: {  	v22 =	vperm.xlane v19, v16;
	_ =	sdelay $0x1  }
0x73: {  	v22 =	vshll.u32 v22, $0x5;
	[tilespmem:v21+s26+$0x0] =	vst.idx.add.f32.msk $0xffff, v20  }
0x74: {  	v21 =	vor.u32 v3, v22;
	v20 =	vld [tilespmem:s5+$0xA0];
	_ =	sdelay $0x4  }
0x75: {  	[tilespmem:v21+s26+$0x0] =	vst.idx.add.f32.msk $0xffff, v20  }
0x76: {  	v21 =	vor.u32 v4, v22;
	v20 =	vld [tilespmem:s5+$0xB0];
	_ =	sdelay $0x2  }
0x77: {  	v22 =	vperm.xlane v19, v17;
	_ =	sdelay $0x1  }
0x78: {  	v22 =	vshll.u32 v22, $0x5;
	[tilespmem:v21+s26+$0x0] =	vst.idx.add.f32.msk $0xffff, v20  }
0x79: {  	v21 =	vor.u32 v3, v22;
	v20 =	vld [tilespmem:s5+$0xC0];
	_ =	sdelay $0x4  }
0x7a: {  	[tilespmem:v21+s26+$0x0] =	vst.idx.add.f32.msk $0xffff, v20  }
0x7b: {  	v21 =	vor.u32 v4, v22;
	v20 =	vld [tilespmem:s5+$0xD0];
	_ =	sdelay $0x2  }
0x7c: {  	v19 =	vperm.xlane v19, v18;
	_ =	sdelay $0x1  }
0x7d: {  	v19 =	vshll.u32 v19, $0x5;
	[tilespmem:v21+s26+$0x0] =	vst.idx.add.f32.msk $0xffff, v20  }
0x7e: {  	v21 =	vor.u32 v3, v19;
	v20 =	vld [tilespmem:s5+$0xE0];
	_ =	sdelay $0x4  }
0x7f: {  	[tilespmem:v21+s26+$0x0] =	vst.idx.add.f32.msk $0xffff, v20  }
0x80: {  	s2 =	simm.s32 $0x40;
	s20 =	simm.s32 $0x80;
	v19 =	vor.u32 v4, v19;
	v20 =	vld [tilespmem:s5+$0xF0]  }
.LBB2_5:
0x81: {  	_ =	sdelay $0x2  }
0x82: {  	s22 =	sshra.s32 s2, $0x2  }
0x83: {  	s5 =	sadd.s32 $0x200, s5;
	s2 =	smov.u32 s20;
	s3 =	sadd.s32 $0x40, s20;
	[tilespmem:v19+s26+$0x0] =	vst.idx.add.f32.msk $0xffff, v20  }
0x84: {  	p0 =	sne.s32 s20, $0xFC0;
	v19 =	vld [tilespmem:s22+$0x1E200];
	_ =	sdelay $0x4  }
0x85: {  	v20 =	vperm.xlane v19, v1;
	v21 =	vperm.xlane v19, v5  }
0x86: {  	v22 =	vperm.xlane v19, v6;
	v23 =	vperm.xlane v19, v7  }
0x87: {  	v20 =	vshll.u32 v20, $0x5;
	v29 =	vshll.u32 v21, $0x5;
	v21 =	vperm.xlane v19, v8  }
0x88: {  	v30 =	vshll.u32 v22, $0x5;
	v31 =	vshll.u32 v23, $0x5;
	v24 =	vld [tilespmem:s5+$0xFFFFFF00];
	v25 =	vor.u32 v3, v20  }
0x89: {  	v22 =	vperm.xlane v19, v9;
	v32 =	vshll.u32 v21, $0x5;
	v21 =	vperm.xlane v19, v2  }
0x8a: {  	v26 =	vperm.xlane v19, v11;
	v23 =	vperm.xlane v19, v10  }
0x8b: {  	v28 =	vshll.u32 v22, $0x5;
	v33 =	vshll.u32 v21, $0x5;
	v21 =	vperm.xlane v19, v12  }
0x8c: {  	v26 =	vshll.u32 v26, $0x5;
	v27 =	vshll.u32 v23, $0x5;
	v22 =	vperm.xlane v19, v13  }
0x8d: {  	v34 =	vperm.xlane v19, v15;
	[tilespmem:v25+s26+$0x0] =	vst.idx.add.f32.msk $0xffff, v24;
	v25 =	vshll.u32 v21, $0x5;
	v21 =	vperm.xlane v19, v14  }
0x8e: {  	v36 =	vor.u32 v4, v20;
	v20 =	vperm.xlane v19, v16;
	v24 =	vshll.u32 v22, $0x5;
	v35 =	vld [tilespmem:s5+$0xFFFFFF10]  }
0x8f: {  	v22 =	vshll.u32 v34, $0x5;
	v34 =	vperm.xlane v19, v17;
	v23 =	vshll.u32 v21, $0x5  }
0x90: {  	v19 =	vperm.xlane v19, v18;
	v21 =	vshll.u32 v20, $0x5  }
0x91: {  	v20 =	vshll.u32 v34, $0x5  }
0x92: {  	v19 =	vshll.u32 v19, $0x5  }
0x93: {  	[tilespmem:v36+s26+$0x0] =	vst.idx.add.f32.msk $0xffff, v35  }
0x94: {  	v35 =	vor.u32 v3, v29;
	v34 =	vld [tilespmem:s5+$0xFFFFFF20];
	_ =	sdelay $0x4  }
0x95: {  	[tilespmem:v35+s26+$0x0] =	vst.idx.add.f32.msk $0xffff, v34  }
0x96: {  	v29 =	vor.u32 v4, v29;
	v34 =	vld [tilespmem:s5+$0xFFFFFF30];
	_ =	sdelay $0x4  }
0x97: {  	[tilespmem:v29+s26+$0x0] =	vst.idx.add.f32.msk $0xffff, v34  }
0x98: {  	v34 =	vor.u32 v3, v30;
	v29 =	vld [tilespmem:s5+$0xFFFFFF40];
	_ =	sdelay $0x4  }
0x99: {  	[tilespmem:v34+s26+$0x0] =	vst.idx.add.f32.msk $0xffff, v29  }
0x9a: {  	v30 =	vor.u32 v4, v30;
	v29 =	vld [tilespmem:s5+$0xFFFFFF50];
	_ =	sdelay $0x4  }
0x9b: {  	[tilespmem:v30+s26+$0x0] =	vst.idx.add.f32.msk $0xffff, v29  }
0x9c: {  	v30 =	vor.u32 v3, v31;
	v29 =	vld [tilespmem:s5+$0xFFFFFF60];
	_ =	sdelay $0x4  }
0x9d: {  	[tilespmem:v30+s26+$0x0] =	vst.idx.add.f32.msk $0xffff, v29  }
0x9e: {  	v30 =	vor.u32 v4, v31;
	v29 =	vld [tilespmem:s5+$0xFFFFFF70];
	_ =	sdelay $0x4  }
0x9f: {  	[tilespmem:v30+s26+$0x0] =	vst.idx.add.f32.msk $0xffff, v29  }
0xa0: {  	v30 =	vor.u32 v3, v32;
	v29 =	vld [tilespmem:s5+$0xFFFFFF80];
	_ =	sdelay $0x4  }
0xa1: {  	[tilespmem:v30+s26+$0x0] =	vst.idx.add.f32.msk $0xffff, v29  }
0xa2: {  	v30 =	vor.u32 v4, v32;
	v29 =	vld [tilespmem:s5+$0xFFFFFF90];
	_ =	sdelay $0x4  }
0xa3: {  	[tilespmem:v30+s26+$0x0] =	vst.idx.add.f32.msk $0xffff, v29  }
0xa4: {  	v30 =	vor.u32 v3, v33;
	v29 =	vld [tilespmem:s5+$0xFFFFFFA0];
	_ =	sdelay $0x4  }
0xa5: {  	[tilespmem:v30+s26+$0x0] =	vst.idx.add.f32.msk $0xffff, v29  }
0xa6: {  	v30 =	vor.u32 v4, v33;
	v29 =	vld [tilespmem:s5+$0xFFFFFFB0];
	_ =	sdelay $0x4  }
0xa7: {  	[tilespmem:v30+s26+$0x0] =	vst.idx.add.f32.msk $0xffff, v29  }
0xa8: {  	v30 =	vor.u32 v3, v28;
	v29 =	vld [tilespmem:s5+$0xFFFFFFC0];
	_ =	sdelay $0x4  }
0xa9: {  	[tilespmem:v30+s26+$0x0] =	vst.idx.add.f32.msk $0xffff, v29  }
0xaa: {  	v28 =	vor.u32 v4, v28;
	v29 =	vld [tilespmem:s5+$0xFFFFFFD0];
	_ =	sdelay $0x4  }
0xab: {  	[tilespmem:v28+s26+$0x0] =	vst.idx.add.f32.msk $0xffff, v29  }
0xac: {  	v29 =	vor.u32 v3, v27;
	v28 =	vld [tilespmem:s5+$0xFFFFFFE0];
	_ =	sdelay $0x4  }
0xad: {  	[tilespmem:v29+s26+$0x0] =	vst.idx.add.f32.msk $0xffff, v28  }
0xae: {  	v27 =	vor.u32 v4, v27;
	v28 =	vld [tilespmem:s5+$0xFFFFFFF0];
	_ =	sdelay $0x4  }
0xaf: {  	[tilespmem:v27+s26+$0x0] =	vst.idx.add.f32.msk $0xffff, v28  }
0xb0: {  	v28 =	vor.u32 v3, v26;
	v27 =	vld [tilespmem:s5+$0x0];
	_ =	sdelay $0x4  }
0xb1: {  	[tilespmem:v28+s26+$0x0] =	vst.idx.add.f32.msk $0xffff, v27  }
0xb2: {  	v26 =	vor.u32 v4, v26;
	v27 =	vld [tilespmem:s5+$0x10];
	_ =	sdelay $0x4  }
0xb3: {  	[tilespmem:v26+s26+$0x0] =	vst.idx.add.f32.msk $0xffff, v27  }
0xb4: {  	v27 =	vor.u32 v3, v25;
	v26 =	vld [tilespmem:s5+$0x20];
	_ =	sdelay $0x4  }
0xb5: {  	[tilespmem:v27+s26+$0x0] =	vst.idx.add.f32.msk $0xffff, v26  }
0xb6: {  	v25 =	vor.u32 v4, v25;
	v26 =	vld [tilespmem:s5+$0x30];
	_ =	sdelay $0x4  }
0xb7: {  	[tilespmem:v25+s26+$0x0] =	vst.idx.add.f32.msk $0xffff, v26  }
0xb8: {  	v26 =	vor.u32 v3, v24;
	v25 =	vld [tilespmem:s5+$0x40];
	_ =	sdelay $0x4  }
0xb9: {  	[tilespmem:v26+s26+$0x0] =	vst.idx.add.f32.msk $0xffff, v25  }
0xba: {  	v24 =	vor.u32 v4, v24;
	v25 =	vld [tilespmem:s5+$0x50];
	_ =	sdelay $0x4  }
0xbb: {  	[tilespmem:v24+s26+$0x0] =	vst.idx.add.f32.msk $0xffff, v25  }
0xbc: {  	v25 =	vor.u32 v3, v23;
	v24 =	vld [tilespmem:s5+$0x60];
	_ =	sdelay $0x4  }
0xbd: {  	[tilespmem:v25+s26+$0x0] =	vst.idx.add.f32.msk $0xffff, v24  }
0xbe: {  	v23 =	vor.u32 v4, v23;
	v24 =	vld [tilespmem:s5+$0x70];
	_ =	sdelay $0x4  }
0xbf: {  	[tilespmem:v23+s26+$0x0] =	vst.idx.add.f32.msk $0xffff, v24  }
0xc0: {  	v24 =	vor.u32 v3, v22;
	v23 =	vld [tilespmem:s5+$0x80];
	_ =	sdelay $0x4  }
0xc1: {  	[tilespmem:v24+s26+$0x0] =	vst.idx.add.f32.msk $0xffff, v23  }
0xc2: {  	v22 =	vor.u32 v4, v22;
	v23 =	vld [tilespmem:s5+$0x90];
	_ =	sdelay $0x4  }
0xc3: {  	[tilespmem:v22+s26+$0x0] =	vst.idx.add.f32.msk $0xffff, v23  }
0xc4: {  	v23 =	vor.u32 v3, v21;
	v22 =	vld [tilespmem:s5+$0xA0];
	_ =	sdelay $0x4  }
0xc5: {  	[tilespmem:v23+s26+$0x0] =	vst.idx.add.f32.msk $0xffff, v22  }
0xc6: {  	v21 =	vor.u32 v4, v21;
	v22 =	vld [tilespmem:s5+$0xB0];
	_ =	sdelay $0x4  }
0xc7: {  	[tilespmem:v21+s26+$0x0] =	vst.idx.add.f32.msk $0xffff, v22  }
0xc8: {  	v22 =	vor.u32 v3, v20;
	v21 =	vld [tilespmem:s5+$0xC0];
	_ =	sdelay $0x4  }
0xc9: {  	[tilespmem:v22+s26+$0x0] =	vst.idx.add.f32.msk $0xffff, v21  }
0xca: {  	v20 =	vor.u32 v4, v20;
	v21 =	vld [tilespmem:s5+$0xD0];
	_ =	sdelay $0x4  }
0xcb: {  	[tilespmem:v20+s26+$0x0] =	vst.idx.add.f32.msk $0xffff, v21  }
0xcc: {  	v21 =	vor.u32 v3, v19;
	v20 =	vld [tilespmem:s5+$0xE0];
	_ =	sdelay $0x1  }
.Ltmp1:
0xcd: {  	(pc) =	sbr.rel @p0 .LBB2_5-.Ltmp1, $3  }
0xce: {  	_ =	sdelay $0x1  }
0xcf: {  	[tilespmem:v21+s26+$0x0] =	vst.idx.add.f32.msk $0xffff, v20  }
0xd0: {  	s20 =	smov.u32 s3;
	v19 =	vor.u32 v4, v19;
	v20 =	vld [tilespmem:s5+$0xF0]  }
0xd1: {  	_ =	sdelay $0x3  }
0xd2: {  	s2 =	sshra.s32 s2, $0x2;
	[tilespmem:v19+s26+$0x0] =	vst.idx.add.f32.msk $0xffff, v20  }
0xd3: {  	v19 =	vld [tilespmem:s2+$0x1E200];
	_ =	sdelay $0x4  }
0xd4: {  	v20 =	vperm.xlane v19, v1;
	_ =	sdelay $0x1  }
0xd5: {  	s5 =	sadd.s32 $0x200, s5;
	v20 =	vshll.u32 v20, $0x5  }
0xd6: {  	v21 =	vld [tilespmem:s5+$0xFFFFFF00];
	v22 =	vor.u32 v3, v20;
	_ =	sdelay $0x4  }
0xd7: {  	[tilespmem:v22+s26+$0x0] =	vst.idx.add.f32.msk $0xffff, v21  }
0xd8: {  	v20 =	vor.u32 v4, v20;
	v21 =	vld [tilespmem:s5+$0xFFFFFF10];
	_ =	sdelay $0x2  }
0xd9: {  	v22 =	vperm.xlane v19, v5;
	_ =	sdelay $0x1  }
0xda: {  	v22 =	vshll.u32 v22, $0x5;
	[tilespmem:v20+s26+$0x0] =	vst.idx.add.f32.msk $0xffff, v21  }
0xdb: {  	v21 =	vor.u32 v3, v22;
	v20 =	vld [tilespmem:s5+$0xFFFFFF20];
	_ =	sdelay $0x4  }
0xdc: {  	[tilespmem:v21+s26+$0x0] =	vst.idx.add.f32.msk $0xffff, v20  }
0xdd: {  	v21 =	vor.u32 v4, v22;
	v20 =	vld [tilespmem:s5+$0xFFFFFF30];
	_ =	sdelay $0x2  }
0xde: {  	v22 =	vperm.xlane v19, v6;
	_ =	sdelay $0x1  }
0xdf: {  	v22 =	vshll.u32 v22, $0x5;
	[tilespmem:v21+s26+$0x0] =	vst.idx.add.f32.msk $0xffff, v20  }
0xe0: {  	v21 =	vor.u32 v3, v22;
	v20 =	vld [tilespmem:s5+$0xFFFFFF40];
	_ =	sdelay $0x4  }
0xe1: {  	[tilespmem:v21+s26+$0x0] =	vst.idx.add.f32.msk $0xffff, v20  }
0xe2: {  	v21 =	vor.u32 v4, v22;
	v20 =	vld [tilespmem:s5+$0xFFFFFF50];
	_ =	sdelay $0x2  }
0xe3: {  	v22 =	vperm.xlane v19, v7;
	_ =	sdelay $0x1  }
0xe4: {  	v22 =	vshll.u32 v22, $0x5;
	[tilespmem:v21+s26+$0x0] =	vst.idx.add.f32.msk $0xffff, v20  }
0xe5: {  	v21 =	vor.u32 v3, v22;
	v20 =	vld [tilespmem:s5+$0xFFFFFF60];
	_ =	sdelay $0x4  }
0xe6: {  	[tilespmem:v21+s26+$0x0] =	vst.idx.add.f32.msk $0xffff, v20  }
0xe7: {  	v21 =	vor.u32 v4, v22;
	v20 =	vld [tilespmem:s5+$0xFFFFFF70];
	_ =	sdelay $0x2  }
0xe8: {  	v22 =	vperm.xlane v19, v8;
	_ =	sdelay $0x1  }
0xe9: {  	v22 =	vshll.u32 v22, $0x5;
	[tilespmem:v21+s26+$0x0] =	vst.idx.add.f32.msk $0xffff, v20  }
0xea: {  	v21 =	vor.u32 v3, v22;
	v20 =	vld [tilespmem:s5+$0xFFFFFF80];
	_ =	sdelay $0x4  }
0xeb: {  	[tilespmem:v21+s26+$0x0] =	vst.idx.add.f32.msk $0xffff, v20  }
0xec: {  	v21 =	vor.u32 v4, v22;
	v20 =	vld [tilespmem:s5+$0xFFFFFF90];
	_ =	sdelay $0x2  }
0xed: {  	v22 =	vperm.xlane v19, v2;
	_ =	sdelay $0x1  }
0xee: {  	v22 =	vshll.u32 v22, $0x5;
	[tilespmem:v21+s26+$0x0] =	vst.idx.add.f32.msk $0xffff, v20  }
0xef: {  	v21 =	vor.u32 v3, v22;
	v20 =	vld [tilespmem:s5+$0xFFFFFFA0];
	_ =	sdelay $0x4  }
0xf0: {  	[tilespmem:v21+s26+$0x0] =	vst.idx.add.f32.msk $0xffff, v20  }
0xf1: {  	v21 =	vor.u32 v4, v22;
	v20 =	vld [tilespmem:s5+$0xFFFFFFB0];
	_ =	sdelay $0x2  }
0xf2: {  	v22 =	vperm.xlane v19, v9;
	_ =	sdelay $0x1  }
0xf3: {  	v22 =	vshll.u32 v22, $0x5;
	[tilespmem:v21+s26+$0x0] =	vst.idx.add.f32.msk $0xffff, v20  }
0xf4: {  	v21 =	vor.u32 v3, v22;
	v20 =	vld [tilespmem:s5+$0xFFFFFFC0];
	_ =	sdelay $0x4  }
0xf5: {  	[tilespmem:v21+s26+$0x0] =	vst.idx.add.f32.msk $0xffff, v20  }
0xf6: {  	v21 =	vor.u32 v4, v22;
	v20 =	vld [tilespmem:s5+$0xFFFFFFD0];
	_ =	sdelay $0x2  }
0xf7: {  	v22 =	vperm.xlane v19, v10;
	_ =	sdelay $0x1  }
0xf8: {  	v22 =	vshll.u32 v22, $0x5;
	[tilespmem:v21+s26+$0x0] =	vst.idx.add.f32.msk $0xffff, v20  }
0xf9: {  	v21 =	vor.u32 v3, v22;
	v20 =	vld [tilespmem:s5+$0xFFFFFFE0];
	_ =	sdelay $0x4  }
0xfa: {  	[tilespmem:v21+s26+$0x0] =	vst.idx.add.f32.msk $0xffff, v20  }
0xfb: {  	v21 =	vor.u32 v4, v22;
	v20 =	vld [tilespmem:s5+$0xFFFFFFF0];
	_ =	sdelay $0x2  }
0xfc: {  	v22 =	vperm.xlane v19, v11;
	_ =	sdelay $0x1  }
0xfd: {  	v22 =	vshll.u32 v22, $0x5;
	[tilespmem:v21+s26+$0x0] =	vst.idx.add.f32.msk $0xffff, v20  }
0xfe: {  	v21 =	vor.u32 v3, v22;
	v20 =	vld [tilespmem:s5+$0x0];
	_ =	sdelay $0x4  }
0xff: {  	[tilespmem:v21+s26+$0x0] =	vst.idx.add.f32.msk $0xffff, v20  }
0x100: {  	v21 =	vor.u32 v4, v22;
	v20 =	vld [tilespmem:s5+$0x10];
	_ =	sdelay $0x2  }
0x101: {  	v22 =	vperm.xlane v19, v12;
	_ =	sdelay $0x1  }
0x102: {  	v22 =	vshll.u32 v22, $0x5;
	[tilespmem:v21+s26+$0x0] =	vst.idx.add.f32.msk $0xffff, v20  }
0x103: {  	v21 =	vor.u32 v3, v22;
	v20 =	vld [tilespmem:s5+$0x20];
	_ =	sdelay $0x4  }
0x104: {  	[tilespmem:v21+s26+$0x0] =	vst.idx.add.f32.msk $0xffff, v20  }
0x105: {  	v21 =	vor.u32 v4, v22;
	v20 =	vld [tilespmem:s5+$0x30];
	_ =	sdelay $0x2  }
0x106: {  	v22 =	vperm.xlane v19, v13;
	_ =	sdelay $0x1  }
0x107: {  	v22 =	vshll.u32 v22, $0x5;
	[tilespmem:v21+s26+$0x0] =	vst.idx.add.f32.msk $0xffff, v20  }
0x108: {  	v21 =	vor.u32 v3, v22;
	v20 =	vld [tilespmem:s5+$0x40];
	_ =	sdelay $0x4  }
0x109: {  	[tilespmem:v21+s26+$0x0] =	vst.idx.add.f32.msk $0xffff, v20  }
0x10a: {  	v21 =	vor.u32 v4, v22;
	v20 =	vld [tilespmem:s5+$0x50];
	_ =	sdelay $0x2  }
0x10b: {  	v22 =	vperm.xlane v19, v14;
	_ =	sdelay $0x1  }
0x10c: {  	v22 =	vshll.u32 v22, $0x5;
	[tilespmem:v21+s26+$0x0] =	vst.idx.add.f32.msk $0xffff, v20  }
0x10d: {  	v21 =	vor.u32 v3, v22;
	v20 =	vld [tilespmem:s5+$0x60];
	_ =	sdelay $0x4  }
0x10e: {  	[tilespmem:v21+s26+$0x0] =	vst.idx.add.f32.msk $0xffff, v20  }
0x10f: {  	v21 =	vor.u32 v4, v22;
	v20 =	vld [tilespmem:s5+$0x70];
	_ =	sdelay $0x2  }
0x110: {  	v22 =	vperm.xlane v19, v15;
	_ =	sdelay $0x1  }
0x111: {  	v22 =	vshll.u32 v22, $0x5;
	[tilespmem:v21+s26+$0x0] =	vst.idx.add.f32.msk $0xffff, v20  }
0x112: {  	v21 =	vor.u32 v3, v22;
	v20 =	vld [tilespmem:s5+$0x80];
	_ =	sdelay $0x4  }
0x113: {  	[tilespmem:v21+s26+$0x0] =	vst.idx.add.f32.msk $0xffff, v20  }
0x114: {  	v21 =	vor.u32 v4, v22;
	v20 =	vld [tilespmem:s5+$0x90];
	_ =	sdelay $0x2  }
0x115: {  	v22 =	vperm.xlane v19, v16;
	_ =	sdelay $0x1  }
0x116: {  	v22 =	vshll.u32 v22, $0x5;
	[tilespmem:v21+s26+$0x0] =	vst.idx.add.f32.msk $0xffff, v20  }
0x117: {  	v21 =	vor.u32 v3, v22;
	v20 =	vld [tilespmem:s5+$0xA0];
	_ =	sdelay $0x4  }
0x118: {  	[tilespmem:v21+s26+$0x0] =	vst.idx.add.f32.msk $0xffff, v20  }
0x119: {  	v21 =	vor.u32 v4, v22;
	v20 =	vld [tilespmem:s5+$0xB0];
	_ =	sdelay $0x2  }
0x11a: {  	v22 =	vperm.xlane v19, v17;
	_ =	sdelay $0x1  }
0x11b: {  	v22 =	vshll.u32 v22, $0x5;
	[tilespmem:v21+s26+$0x0] =	vst.idx.add.f32.msk $0xffff, v20  }
0x11c: {  	v21 =	vor.u32 v3, v22;
	v20 =	vld [tilespmem:s5+$0xC0];
	_ =	sdelay $0x4  }
0x11d: {  	[tilespmem:v21+s26+$0x0] =	vst.idx.add.f32.msk $0xffff, v20  }
0x11e: {  	v21 =	vor.u32 v4, v22;
	v20 =	vld [tilespmem:s5+$0xD0];
	_ =	sdelay $0x2  }
0x11f: {  	v19 =	vperm.xlane v19, v18;
	_ =	sdelay $0x1  }
0x120: {  	v19 =	vshll.u32 v19, $0x5;
	[tilespmem:v21+s26+$0x0] =	vst.idx.add.f32.msk $0xffff, v20  }
0x121: {  	v21 =	vor.u32 v3, v19;
	v20 =	vld [tilespmem:s5+$0xE0];
	_ =	sdelay $0x4  }
0x122: {  	[tilespmem:v21+s26+$0x0] =	vst.idx.add.f32.msk $0xffff, v20  }
0x123: {  	v19 =	vor.u32 v4, v19;
	v20 =	vld [tilespmem:s5+$0xF0];
	_ =	sdelay $0x4  }
0x124: {  	[tilespmem:v19+s26+$0x0] =	vst.idx.add.f32.msk $0xffff, v20  }
0x125: {  	[spmem:s10] =	stream.strided.scatter [tilespmem:s26], [sflag:$0x1], $0x8000, s24, s23, $0x38;
	[tilespmem:$0x1E600] =	vst v63  }
0x126: {  	_ =	swait.ge [sflag:s21], $0x8000  }
0x127: {  	[sflag:s21] =	ssyncset.done $0x0  }
0x128: {  	[sflag:s21] =	ssyncadd.s32 $0xFFFF8000  }
0x129: {  	s0 =	sshll.u32 s0, $0x14;
	[bflag:$0x0] =	sbarrier.arrive $0xFFFF  }
0x12a: {  	[tilespmem:s28], [sflag:$0x1] =	stream.linear.gather [spmem:s11], $0x2000, $0x38;
	[tilespmem:$0x1E600] =	vst v63  }
0x12b: {  	s20 =	sor.u32 s12, s0;
	_ =	swait.ge [sflag:s21], $0x2000  }
0x12c: {  	s2 =	sshrl.u32 s20, $0x3;
	[sflag:s21] =	ssyncset.done $0x0  }
0x12d: {  	s22 =	simm.s32 $0x0;
	s3 =	sadd.s32 s1, s2;
	[sflag:s21] =	ssyncadd.s32 $0xFFFFE000  }
0x12e: {  	[tilespmem:s29], [sflag:$0x1] =	stream.linear.gather [hbm4b:s3+s22], $0x4000, $0x38;
	[tilespmem:$0x1E600] =	vst v63  }
0x12f: {  	_ =	swait.ge [sflag:s21], $0x4000  }
0x130: {  	[sflag:s21] =	ssyncset.done $0x0  }
0x131: {  	s20 =	simm.s32 $0x0;
	[sflag:s21] =	ssyncadd.s32 $0xFFFFC000  }
0x132: {  	v19 =	vld [tilespmem:s20+$0x1E000];
	_ =	sdelay $0x2  }
0x133: {  	v20 =	vld [tilespmem:s20+$0x1C000];
	_ =	sdelay $0x4  }
0x134: {  	[tilespmem:v19+s29+$0x0] =	vst.idx.add.f32.msk $0xffff, v20  }
0x135: {  	v21 =	vadd.s32 $0x400, v19;
	v20 =	vld [tilespmem:s20+$0x1C200];
	_ =	sdelay $0x4  }
0x136: {  	[tilespmem:v21+s29+$0x0] =	vst.idx.add.f32.msk $0xffff, v20  }
0x137: {  	v21 =	vadd.s32 $0x800, v19;
	v20 =	vld [tilespmem:s20+$0x1C400];
	_ =	sdelay $0x4  }
0x138: {  	[tilespmem:v21+s29+$0x0] =	vst.idx.add.f32.msk $0xffff, v20  }
0x139: {  	v21 =	vadd.s32 $0xC00, v19;
	v20 =	vld [tilespmem:s20+$0x1C600];
	_ =	sdelay $0x4  }
0x13a: {  	[tilespmem:v21+s29+$0x0] =	vst.idx.add.f32.msk $0xffff, v20  }
0x13b: {  	v21 =	vadd.s32 $0x1000, v19;
	v20 =	vld [tilespmem:s20+$0x1C800];
	_ =	sdelay $0x4  }
0x13c: {  	[tilespmem:v21+s29+$0x0] =	vst.idx.add.f32.msk $0xffff, v20  }
0x13d: {  	v21 =	vadd.s32 $0x1400, v19;
	v20 =	vld [tilespmem:s20+$0x1CA00];
	_ =	sdelay $0x4  }
0x13e: {  	[tilespmem:v21+s29+$0x0] =	vst.idx.add.f32.msk $0xffff, v20  }
0x13f: {  	v21 =	vadd.s32 $0x1800, v19;
	v20 =	vld [tilespmem:s20+$0x1CC00];
	_ =	sdelay $0x4  }
0x140: {  	[tilespmem:v21+s29+$0x0] =	vst.idx.add.f32.msk $0xffff, v20  }
0x141: {  	v21 =	vadd.s32 $0x1C00, v19;
	v20 =	vld [tilespmem:s20+$0x1CE00];
	_ =	sdelay $0x4  }
0x142: {  	[tilespmem:v21+s29+$0x0] =	vst.idx.add.f32.msk $0xffff, v20  }
0x143: {  	v21 =	vadd.s32 $0x2000, v19;
	v20 =	vld [tilespmem:s20+$0x1D000];
	_ =	sdelay $0x4  }
0x144: {  	[tilespmem:v21+s29+$0x0] =	vst.idx.add.f32.msk $0xffff, v20  }
0x145: {  	v21 =	vadd.s32 $0x2400, v19;
	v20 =	vld [tilespmem:s20+$0x1D200];
	_ =	sdelay $0x4  }
0x146: {  	[tilespmem:v21+s29+$0x0] =	vst.idx.add.f32.msk $0xffff, v20  }
0x147: {  	v21 =	vadd.s32 $0x2800, v19;
	v20 =	vld [tilespmem:s20+$0x1D400];
	_ =	sdelay $0x4  }
0x148: {  	[tilespmem:v21+s29+$0x0] =	vst.idx.add.f32.msk $0xffff, v20  }
0x149: {  	v21 =	vadd.s32 $0x2C00, v19;
	v20 =	vld [tilespmem:s20+$0x1D600];
	_ =	sdelay $0x4  }
0x14a: {  	[tilespmem:v21+s29+$0x0] =	vst.idx.add.f32.msk $0xffff, v20  }
0x14b: {  	v21 =	vadd.s32 $0x3000, v19;
	v20 =	vld [tilespmem:s20+$0x1D800];
	_ =	sdelay $0x4  }
0x14c: {  	[tilespmem:v21+s29+$0x0] =	vst.idx.add.f32.msk $0xffff, v20  }
0x14d: {  	v21 =	vadd.s32 $0x3400, v19;
	v20 =	vld [tilespmem:s20+$0x1DA00];
	_ =	sdelay $0x4  }
0x14e: {  	[tilespmem:v21+s29+$0x0] =	vst.idx.add.f32.msk $0xffff, v20  }
0x14f: {  	v21 =	vadd.s32 $0x3800, v19;
	v20 =	vld [tilespmem:s20+$0x1DC00];
	_ =	sdelay $0x4  }
0x150: {  	[tilespmem:v21+s29+$0x0] =	vst.idx.add.f32.msk $0xffff, v20  }
0x151: {  	s5 =	simm.s32 $0x80;
	s3 =	simm.s32 $0x40;
	v19 =	vadd.s32 $0x3C00, v19;
	v20 =	vld [tilespmem:s20+$0x1DE00]  }
.LBB2_7:
0x152: {  	_ =	sdelay $0x2  }
0x153: {  	p0 =	sne.s32 s5, $0x7C0  }
0x154: {  	s20 =	sshra.s32 s3, $0x2;
	s3 =	smov.u32 s5;
	s5 =	sadd.s32 $0x40, s5;
	[tilespmem:v19+s29+$0x0] =	vst.idx.add.f32.msk $0xffff, v20  }
0x155: {  	v19 =	vld [tilespmem:s20+$0x1E000];
	_ =	sdelay $0x2  }
0x156: {  	v20 =	vld [tilespmem:s20+$0x1C000];
	_ =	sdelay $0x4  }
0x157: {  	[tilespmem:v19+s29+$0x0] =	vst.idx.add.f32.msk $0xffff, v20  }
0x158: {  	v21 =	vadd.s32 $0x400, v19;
	v20 =	vld [tilespmem:s20+$0x1C200];
	_ =	sdelay $0x4  }
0x159: {  	[tilespmem:v21+s29+$0x0] =	vst.idx.add.f32.msk $0xffff, v20  }
0x15a: {  	v21 =	vadd.s32 $0x800, v19;
	v20 =	vld [tilespmem:s20+$0x1C400];
	_ =	sdelay $0x4  }
0x15b: {  	[tilespmem:v21+s29+$0x0] =	vst.idx.add.f32.msk $0xffff, v20  }
0x15c: {  	v21 =	vadd.s32 $0xC00, v19;
	v20 =	vld [tilespmem:s20+$0x1C600];
	_ =	sdelay $0x4  }
0x15d: {  	[tilespmem:v21+s29+$0x0] =	vst.idx.add.f32.msk $0xffff, v20  }
0x15e: {  	v21 =	vadd.s32 $0x1000, v19;
	v20 =	vld [tilespmem:s20+$0x1C800];
	_ =	sdelay $0x4  }
0x15f: {  	[tilespmem:v21+s29+$0x0] =	vst.idx.add.f32.msk $0xffff, v20  }
0x160: {  	v21 =	vadd.s32 $0x1400, v19;
	v20 =	vld [tilespmem:s20+$0x1CA00];
	_ =	sdelay $0x4  }
0x161: {  	[tilespmem:v21+s29+$0x0] =	vst.idx.add.f32.msk $0xffff, v20  }
0x162: {  	v21 =	vadd.s32 $0x1800, v19;
	v20 =	vld [tilespmem:s20+$0x1CC00];
	_ =	sdelay $0x4  }
0x163: {  	[tilespmem:v21+s29+$0x0] =	vst.idx.add.f32.msk $0xffff, v20  }
0x164: {  	v21 =	vadd.s32 $0x1C00, v19;
	v20 =	vld [tilespmem:s20+$0x1CE00];
	_ =	sdelay $0x4  }
0x165: {  	[tilespmem:v21+s29+$0x0] =	vst.idx.add.f32.msk $0xffff, v20  }
0x166: {  	v21 =	vadd.s32 $0x2000, v19;
	v20 =	vld [tilespmem:s20+$0x1D000];
	_ =	sdelay $0x4  }
0x167: {  	[tilespmem:v21+s29+$0x0] =	vst.idx.add.f32.msk $0xffff, v20  }
0x168: {  	v21 =	vadd.s32 $0x2400, v19;
	v20 =	vld [tilespmem:s20+$0x1D200];
	_ =	sdelay $0x4  }
0x169: {  	[tilespmem:v21+s29+$0x0] =	vst.idx.add.f32.msk $0xffff, v20  }
0x16a: {  	v21 =	vadd.s32 $0x2800, v19;
	v20 =	vld [tilespmem:s20+$0x1D400];
	_ =	sdelay $0x4  }
0x16b: {  	[tilespmem:v21+s29+$0x0] =	vst.idx.add.f32.msk $0xffff, v20  }
0x16c: {  	v21 =	vadd.s32 $0x2C00, v19;
	v20 =	vld [tilespmem:s20+$0x1D600];
	_ =	sdelay $0x4  }
0x16d: {  	[tilespmem:v21+s29+$0x0] =	vst.idx.add.f32.msk $0xffff, v20  }
0x16e: {  	v21 =	vadd.s32 $0x3000, v19;
	v20 =	vld [tilespmem:s20+$0x1D800];
	_ =	sdelay $0x4  }
0x16f: {  	[tilespmem:v21+s29+$0x0] =	vst.idx.add.f32.msk $0xffff, v20  }
0x170: {  	v21 =	vadd.s32 $0x3400, v19;
	v20 =	vld [tilespmem:s20+$0x1DA00];
	_ =	sdelay $0x4  }
0x171: {  	[tilespmem:v21+s29+$0x0] =	vst.idx.add.f32.msk $0xffff, v20  }
0x172: {  	v21 =	vadd.s32 $0x3800, v19;
	v20 =	vld [tilespmem:s20+$0x1DC00];
	_ =	sdelay $0x1  }
.Ltmp2:
0x173: {  	(pc) =	sbr.rel @p0 .LBB2_7-.Ltmp2, $3  }
0x174: {  	_ =	sdelay $0x1  }
0x175: {  	[tilespmem:v21+s29+$0x0] =	vst.idx.add.f32.msk $0xffff, v20  }
0x176: {  	v19 =	vadd.s32 $0x3C00, v19;
	v20 =	vld [tilespmem:s20+$0x1DE00]  }
0x177: {  	_ =	sdelay $0x3  }
0x178: {  	s3 =	sshra.s32 s3, $0x2;
	[tilespmem:v19+s29+$0x0] =	vst.idx.add.f32.msk $0xffff, v20  }
0x179: {  	v19 =	vld [tilespmem:s3+$0x1E000];
	_ =	sdelay $0x2  }
0x17a: {  	v20 =	vld [tilespmem:s3+$0x1C000];
	_ =	sdelay $0x4  }
0x17b: {  	[tilespmem:v19+s29+$0x0] =	vst.idx.add.f32.msk $0xffff, v20  }
0x17c: {  	v21 =	vadd.s32 $0x400, v19;
	v20 =	vld [tilespmem:s3+$0x1C200];
	_ =	sdelay $0x4  }
0x17d: {  	[tilespmem:v21+s29+$0x0] =	vst.idx.add.f32.msk $0xffff, v20  }
0x17e: {  	v21 =	vadd.s32 $0x800, v19;
	v20 =	vld [tilespmem:s3+$0x1C400];
	_ =	sdelay $0x4  }
0x17f: {  	[tilespmem:v21+s29+$0x0] =	vst.idx.add.f32.msk $0xffff, v20  }
0x180: {  	v21 =	vadd.s32 $0xC00, v19;
	v20 =	vld [tilespmem:s3+$0x1C600];
	_ =	sdelay $0x4  }
0x181: {  	[tilespmem:v21+s29+$0x0] =	vst.idx.add.f32.msk $0xffff, v20  }
0x182: {  	v21 =	vadd.s32 $0x1000, v19;
	v20 =	vld [tilespmem:s3+$0x1C800];
	_ =	sdelay $0x4  }
0x183: {  	[tilespmem:v21+s29+$0x0] =	vst.idx.add.f32.msk $0xffff, v20  }
0x184: {  	v21 =	vadd.s32 $0x1400, v19;
	v20 =	vld [tilespmem:s3+$0x1CA00];
	_ =	sdelay $0x4  }
0x185: {  	[tilespmem:v21+s29+$0x0] =	vst.idx.add.f32.msk $0xffff, v20  }
0x186: {  	v21 =	vadd.s32 $0x1800, v19;
	v20 =	vld [tilespmem:s3+$0x1CC00];
	_ =	sdelay $0x4  }
0x187: {  	[tilespmem:v21+s29+$0x0] =	vst.idx.add.f32.msk $0xffff, v20  }
0x188: {  	v21 =	vadd.s32 $0x1C00, v19;
	v20 =	vld [tilespmem:s3+$0x1CE00];
	_ =	sdelay $0x4  }
0x189: {  	[tilespmem:v21+s29+$0x0] =	vst.idx.add.f32.msk $0xffff, v20  }
0x18a: {  	v21 =	vadd.s32 $0x2000, v19;
	v20 =	vld [tilespmem:s3+$0x1D000];
	_ =	sdelay $0x4  }
0x18b: {  	[tilespmem:v21+s29+$0x0] =	vst.idx.add.f32.msk $0xffff, v20  }
0x18c: {  	v21 =	vadd.s32 $0x2400, v19;
	v20 =	vld [tilespmem:s3+$0x1D200];
	_ =	sdelay $0x4  }
0x18d: {  	[tilespmem:v21+s29+$0x0] =	vst.idx.add.f32.msk $0xffff, v20  }
0x18e: {  	v21 =	vadd.s32 $0x2800, v19;
	v20 =	vld [tilespmem:s3+$0x1D400];
	_ =	sdelay $0x4  }
0x18f: {  	[tilespmem:v21+s29+$0x0] =	vst.idx.add.f32.msk $0xffff, v20  }
0x190: {  	v21 =	vadd.s32 $0x2C00, v19;
	v20 =	vld [tilespmem:s3+$0x1D600];
	_ =	sdelay $0x4  }
0x191: {  	[tilespmem:v21+s29+$0x0] =	vst.idx.add.f32.msk $0xffff, v20  }
0x192: {  	v21 =	vadd.s32 $0x3000, v19;
	v20 =	vld [tilespmem:s3+$0x1D800];
	_ =	sdelay $0x4  }
0x193: {  	[tilespmem:v21+s29+$0x0] =	vst.idx.add.f32.msk $0xffff, v20  }
0x194: {  	v21 =	vadd.s32 $0x3400, v19;
	v20 =	vld [tilespmem:s3+$0x1DA00];
	_ =	sdelay $0x4  }
0x195: {  	[tilespmem:v21+s29+$0x0] =	vst.idx.add.f32.msk $0xffff, v20  }
0x196: {  	v21 =	vadd.s32 $0x3800, v19;
	v20 =	vld [tilespmem:s3+$0x1DC00];
	_ =	sdelay $0x4  }
0x197: {  	[tilespmem:v21+s29+$0x0] =	vst.idx.add.f32.msk $0xffff, v20  }
0x198: {  	v19 =	vadd.s32 $0x3C00, v19;
	v20 =	vld [tilespmem:s3+$0x1DE00];
	_ =	sdelay $0x4  }
0x199: {  	s2 =	sadd.s32 s7, s2;
	s20 =	simm.s32 $0x0;
	[tilespmem:v19+s29+$0x0] =	vst.idx.add.f32.msk $0xffff, v20  }
0x19a: {  	[hbm4b:s2+s20] =	stream.linear.scatter [tilespmem:s29], [sflag:$0x1], $0x4000, $0x38;
	[tilespmem:$0x1E600] =	vst v63  }
0x19b: {  	_ =	swait.ge [sflag:s21], $0x4000  }
0x19c: {  	[sflag:s21] =	ssyncset.done $0x0  }
0x19d: {  	[sflag:s21] =	ssyncadd.s32 $0xFFFFC000  }
0x19e: {  	[tilespmem:s28], [sflag:$0x1] =	stream.linear.gather [spmem:s13], $0x2000, $0x38;
	[tilespmem:$0x1E600] =	vst v63  }
0x19f: {  	s22 =	sor.u32 s14, s0;
	_ =	swait.ge [sflag:s21], $0x2000  }
0x1a0: {  	s2 =	sshrl.u32 s22, $0x3;
	[sflag:s21] =	ssyncset.done $0x0  }
0x1a1: {  	s5 =	sadd.s32 s1, s2;
	[sflag:s21] =	ssyncadd.s32 $0xFFFFE000  }
0x1a2: {  	[tilespmem:s29], [sflag:$0x1] =	stream.linear.gather [hbm4b:s5+s20], $0x4000, $0x38;
	[tilespmem:$0x1E600] =	vst v63  }
0x1a3: {  	_ =	swait.ge [sflag:s21], $0x4000  }
0x1a4: {  	[sflag:s21] =	ssyncset.done $0x0  }
0x1a5: {  	s20 =	simm.s32 $0x0;
	[sflag:s21] =	ssyncadd.s32 $0xFFFFC000  }
0x1a6: {  	v19 =	vld [tilespmem:s20+$0x1E000];
	_ =	sdelay $0x2  }
0x1a7: {  	v20 =	vld [tilespmem:s20+$0x1C000];
	_ =	sdelay $0x4  }
0x1a8: {  	[tilespmem:v19+s29+$0x0] =	vst.idx.add.f32.msk $0xffff, v20  }
0x1a9: {  	v21 =	vadd.s32 $0x400, v19;
	v20 =	vld [tilespmem:s20+$0x1C200];
	_ =	sdelay $0x4  }
0x1aa: {  	[tilespmem:v21+s29+$0x0] =	vst.idx.add.f32.msk $0xffff, v20  }
0x1ab: {  	v21 =	vadd.s32 $0x800, v19;
	v20 =	vld [tilespmem:s20+$0x1C400];
	_ =	sdelay $0x4  }
0x1ac: {  	[tilespmem:v21+s29+$0x0] =	vst.idx.add.f32.msk $0xffff, v20  }
0x1ad: {  	v21 =	vadd.s32 $0xC00, v19;
	v20 =	vld [tilespmem:s20+$0x1C600];
	_ =	sdelay $0x4  }
0x1ae: {  	[tilespmem:v21+s29+$0x0] =	vst.idx.add.f32.msk $0xffff, v20  }
0x1af: {  	v21 =	vadd.s32 $0x1000, v19;
	v20 =	vld [tilespmem:s20+$0x1C800];
	_ =	sdelay $0x4  }
0x1b0: {  	[tilespmem:v21+s29+$0x0] =	vst.idx.add.f32.msk $0xffff, v20  }
0x1b1: {  	v21 =	vadd.s32 $0x1400, v19;
	v20 =	vld [tilespmem:s20+$0x1CA00];
	_ =	sdelay $0x4  }
0x1b2: {  	[tilespmem:v21+s29+$0x0] =	vst.idx.add.f32.msk $0xffff, v20  }
0x1b3: {  	v21 =	vadd.s32 $0x1800, v19;
	v20 =	vld [tilespmem:s20+$0x1CC00];
	_ =	sdelay $0x4  }
0x1b4: {  	[tilespmem:v21+s29+$0x0] =	vst.idx.add.f32.msk $0xffff, v20  }
0x1b5: {  	v21 =	vadd.s32 $0x1C00, v19;
	v20 =	vld [tilespmem:s20+$0x1CE00];
	_ =	sdelay $0x4  }
0x1b6: {  	[tilespmem:v21+s29+$0x0] =	vst.idx.add.f32.msk $0xffff, v20  }
0x1b7: {  	v21 =	vadd.s32 $0x2000, v19;
	v20 =	vld [tilespmem:s20+$0x1D000];
	_ =	sdelay $0x4  }
0x1b8: {  	[tilespmem:v21+s29+$0x0] =	vst.idx.add.f32.msk $0xffff, v20  }
0x1b9: {  	v21 =	vadd.s32 $0x2400, v19;
	v20 =	vld [tilespmem:s20+$0x1D200];
	_ =	sdelay $0x4  }
0x1ba: {  	[tilespmem:v21+s29+$0x0] =	vst.idx.add.f32.msk $0xffff, v20  }
0x1bb: {  	v21 =	vadd.s32 $0x2800, v19;
	v20 =	vld [tilespmem:s20+$0x1D400];
	_ =	sdelay $0x4  }
0x1bc: {  	[tilespmem:v21+s29+$0x0] =	vst.idx.add.f32.msk $0xffff, v20  }
0x1bd: {  	v21 =	vadd.s32 $0x2C00, v19;
	v20 =	vld [tilespmem:s20+$0x1D600];
	_ =	sdelay $0x4  }
0x1be: {  	[tilespmem:v21+s29+$0x0] =	vst.idx.add.f32.msk $0xffff, v20  }
0x1bf: {  	v21 =	vadd.s32 $0x3000, v19;
	v20 =	vld [tilespmem:s20+$0x1D800];
	_ =	sdelay $0x4  }
0x1c0: {  	[tilespmem:v21+s29+$0x0] =	vst.idx.add.f32.msk $0xffff, v20  }
0x1c1: {  	v21 =	vadd.s32 $0x3400, v19;
	v20 =	vld [tilespmem:s20+$0x1DA00];
	_ =	sdelay $0x4  }
0x1c2: {  	[tilespmem:v21+s29+$0x0] =	vst.idx.add.f32.msk $0xffff, v20  }
0x1c3: {  	v21 =	vadd.s32 $0x3800, v19;
	v20 =	vld [tilespmem:s20+$0x1DC00];
	_ =	sdelay $0x4  }
0x1c4: {  	[tilespmem:v21+s29+$0x0] =	vst.idx.add.f32.msk $0xffff, v20  }
0x1c5: {  	s3 =	simm.s32 $0x40;
	s5 =	simm.s32 $0x80;
	v19 =	vadd.s32 $0x3C00, v19;
	v20 =	vld [tilespmem:s20+$0x1DE00]  }
.LBB2_9:
0x1c6: {  	_ =	sdelay $0x2  }
0x1c7: {  	p0 =	sne.s32 s5, $0x7C0  }
0x1c8: {  	s20 =	sshra.s32 s3, $0x2;
	s3 =	smov.u32 s5;
	s5 =	sadd.s32 $0x40, s5;
	[tilespmem:v19+s29+$0x0] =	vst.idx.add.f32.msk $0xffff, v20  }
0x1c9: {  	v19 =	vld [tilespmem:s20+$0x1E000];
	_ =	sdelay $0x2  }
0x1ca: {  	v20 =	vld [tilespmem:s20+$0x1C000];
	_ =	sdelay $0x4  }
0x1cb: {  	[tilespmem:v19+s29+$0x0] =	vst.idx.add.f32.msk $0xffff, v20  }
0x1cc: {  	v21 =	vadd.s32 $0x400, v19;
	v20 =	vld [tilespmem:s20+$0x1C200];
	_ =	sdelay $0x4  }
0x1cd: {  	[tilespmem:v21+s29+$0x0] =	vst.idx.add.f32.msk $0xffff, v20  }
0x1ce: {  	v21 =	vadd.s32 $0x800, v19;
	v20 =	vld [tilespmem:s20+$0x1C400];
	_ =	sdelay $0x4  }
0x1cf: {  	[tilespmem:v21+s29+$0x0] =	vst.idx.add.f32.msk $0xffff, v20  }
0x1d0: {  	v21 =	vadd.s32 $0xC00, v19;
	v20 =	vld [tilespmem:s20+$0x1C600];
	_ =	sdelay $0x4  }
0x1d1: {  	[tilespmem:v21+s29+$0x0] =	vst.idx.add.f32.msk $0xffff, v20  }
0x1d2: {  	v21 =	vadd.s32 $0x1000, v19;
	v20 =	vld [tilespmem:s20+$0x1C800];
	_ =	sdelay $0x4  }
0x1d3: {  	[tilespmem:v21+s29+$0x0] =	vst.idx.add.f32.msk $0xffff, v20  }
0x1d4: {  	v21 =	vadd.s32 $0x1400, v19;
	v20 =	vld [tilespmem:s20+$0x1CA00];
	_ =	sdelay $0x4  }
0x1d5: {  	[tilespmem:v21+s29+$0x0] =	vst.idx.add.f32.msk $0xffff, v20  }
0x1d6: {  	v21 =	vadd.s32 $0x1800, v19;
	v20 =	vld [tilespmem:s20+$0x1CC00];
	_ =	sdelay $0x4  }
0x1d7: {  	[tilespmem:v21+s29+$0x0] =	vst.idx.add.f32.msk $0xffff, v20  }
0x1d8: {  	v21 =	vadd.s32 $0x1C00, v19;
	v20 =	vld [tilespmem:s20+$0x1CE00];
	_ =	sdelay $0x4  }
0x1d9: {  	[tilespmem:v21+s29+$0x0] =	vst.idx.add.f32.msk $0xffff, v20  }
0x1da: {  	v21 =	vadd.s32 $0x2000, v19;
	v20 =	vld [tilespmem:s20+$0x1D000];
	_ =	sdelay $0x4  }
0x1db: {  	[tilespmem:v21+s29+$0x0] =	vst.idx.add.f32.msk $0xffff, v20  }
0x1dc: {  	v21 =	vadd.s32 $0x2400, v19;
	v20 =	vld [tilespmem:s20+$0x1D200];
	_ =	sdelay $0x4  }
0x1dd: {  	[tilespmem:v21+s29+$0x0] =	vst.idx.add.f32.msk $0xffff, v20  }
0x1de: {  	v21 =	vadd.s32 $0x2800, v19;
	v20 =	vld [tilespmem:s20+$0x1D400];
	_ =	sdelay $0x4  }
0x1df: {  	[tilespmem:v21+s29+$0x0] =	vst.idx.add.f32.msk $0xffff, v20  }
0x1e0: {  	v21 =	vadd.s32 $0x2C00, v19;
	v20 =	vld [tilespmem:s20+$0x1D600];
	_ =	sdelay $0x4  }
0x1e1: {  	[tilespmem:v21+s29+$0x0] =	vst.idx.add.f32.msk $0xffff, v20  }
0x1e2: {  	v21 =	vadd.s32 $0x3000, v19;
	v20 =	vld [tilespmem:s20+$0x1D800];
	_ =	sdelay $0x4  }
0x1e3: {  	[tilespmem:v21+s29+$0x0] =	vst.idx.add.f32.msk $0xffff, v20  }
0x1e4: {  	v21 =	vadd.s32 $0x3400, v19;
	v20 =	vld [tilespmem:s20+$0x1DA00];
	_ =	sdelay $0x4  }
0x1e5: {  	[tilespmem:v21+s29+$0x0] =	vst.idx.add.f32.msk $0xffff, v20  }
0x1e6: {  	v21 =	vadd.s32 $0x3800, v19;
	v20 =	vld [tilespmem:s20+$0x1DC00];
	_ =	sdelay $0x1  }
.Ltmp3:
0x1e7: {  	(pc) =	sbr.rel @p0 .LBB2_9-.Ltmp3, $3  }
0x1e8: {  	_ =	sdelay $0x1  }
0x1e9: {  	[tilespmem:v21+s29+$0x0] =	vst.idx.add.f32.msk $0xffff, v20  }
0x1ea: {  	v19 =	vadd.s32 $0x3C00, v19;
	v20 =	vld [tilespmem:s20+$0x1DE00]  }
0x1eb: {  	_ =	sdelay $0x3  }
0x1ec: {  	s3 =	sshra.s32 s3, $0x2;
	[tilespmem:v19+s29+$0x0] =	vst.idx.add.f32.msk $0xffff, v20  }
0x1ed: {  	v19 =	vld [tilespmem:s3+$0x1E000];
	_ =	sdelay $0x2  }
0x1ee: {  	v20 =	vld [tilespmem:s3+$0x1C000];
	_ =	sdelay $0x4  }
0x1ef: {  	[tilespmem:v19+s29+$0x0] =	vst.idx.add.f32.msk $0xffff, v20  }
0x1f0: {  	v21 =	vadd.s32 $0x400, v19;
	v20 =	vld [tilespmem:s3+$0x1C200];
	_ =	sdelay $0x4  }
0x1f1: {  	[tilespmem:v21+s29+$0x0] =	vst.idx.add.f32.msk $0xffff, v20  }
0x1f2: {  	v21 =	vadd.s32 $0x800, v19;
	v20 =	vld [tilespmem:s3+$0x1C400];
	_ =	sdelay $0x4  }
0x1f3: {  	[tilespmem:v21+s29+$0x0] =	vst.idx.add.f32.msk $0xffff, v20  }
0x1f4: {  	v21 =	vadd.s32 $0xC00, v19;
	v20 =	vld [tilespmem:s3+$0x1C600];
	_ =	sdelay $0x4  }
0x1f5: {  	[tilespmem:v21+s29+$0x0] =	vst.idx.add.f32.msk $0xffff, v20  }
0x1f6: {  	v21 =	vadd.s32 $0x1000, v19;
	v20 =	vld [tilespmem:s3+$0x1C800];
	_ =	sdelay $0x4  }
0x1f7: {  	[tilespmem:v21+s29+$0x0] =	vst.idx.add.f32.msk $0xffff, v20  }
0x1f8: {  	v21 =	vadd.s32 $0x1400, v19;
	v20 =	vld [tilespmem:s3+$0x1CA00];
	_ =	sdelay $0x4  }
0x1f9: {  	[tilespmem:v21+s29+$0x0] =	vst.idx.add.f32.msk $0xffff, v20  }
0x1fa: {  	v21 =	vadd.s32 $0x1800, v19;
	v20 =	vld [tilespmem:s3+$0x1CC00];
	_ =	sdelay $0x4  }
0x1fb: {  	[tilespmem:v21+s29+$0x0] =	vst.idx.add.f32.msk $0xffff, v20  }
0x1fc: {  	v21 =	vadd.s32 $0x1C00, v19;
	v20 =	vld [tilespmem:s3+$0x1CE00];
	_ =	sdelay $0x4  }
0x1fd: {  	[tilespmem:v21+s29+$0x0] =	vst.idx.add.f32.msk $0xffff, v20  }
0x1fe: {  	v21 =	vadd.s32 $0x2000, v19;
	v20 =	vld [tilespmem:s3+$0x1D000];
	_ =	sdelay $0x4  }
0x1ff: {  	[tilespmem:v21+s29+$0x0] =	vst.idx.add.f32.msk $0xffff, v20  }
0x200: {  	v21 =	vadd.s32 $0x2400, v19;
	v20 =	vld [tilespmem:s3+$0x1D200];
	_ =	sdelay $0x4  }
0x201: {  	[tilespmem:v21+s29+$0x0] =	vst.idx.add.f32.msk $0xffff, v20  }
0x202: {  	v21 =	vadd.s32 $0x2800, v19;
	v20 =	vld [tilespmem:s3+$0x1D400];
	_ =	sdelay $0x4  }
0x203: {  	[tilespmem:v21+s29+$0x0] =	vst.idx.add.f32.msk $0xffff, v20  }
0x204: {  	v21 =	vadd.s32 $0x2C00, v19;
	v20 =	vld [tilespmem:s3+$0x1D600];
	_ =	sdelay $0x4  }
0x205: {  	[tilespmem:v21+s29+$0x0] =	vst.idx.add.f32.msk $0xffff, v20  }
0x206: {  	v21 =	vadd.s32 $0x3000, v19;
	v20 =	vld [tilespmem:s3+$0x1D800];
	_ =	sdelay $0x4  }
0x207: {  	[tilespmem:v21+s29+$0x0] =	vst.idx.add.f32.msk $0xffff, v20  }
0x208: {  	v21 =	vadd.s32 $0x3400, v19;
	v20 =	vld [tilespmem:s3+$0x1DA00];
	_ =	sdelay $0x4  }
0x209: {  	[tilespmem:v21+s29+$0x0] =	vst.idx.add.f32.msk $0xffff, v20  }
0x20a: {  	v21 =	vadd.s32 $0x3800, v19;
	v20 =	vld [tilespmem:s3+$0x1DC00];
	_ =	sdelay $0x4  }
0x20b: {  	[tilespmem:v21+s29+$0x0] =	vst.idx.add.f32.msk $0xffff, v20  }
0x20c: {  	v19 =	vadd.s32 $0x3C00, v19;
	v20 =	vld [tilespmem:s3+$0x1DE00];
	_ =	sdelay $0x4  }
0x20d: {  	s2 =	sadd.s32 s7, s2;
	s20 =	simm.s32 $0x0;
	[tilespmem:v19+s29+$0x0] =	vst.idx.add.f32.msk $0xffff, v20  }
0x20e: {  	[hbm4b:s2+s20] =	stream.linear.scatter [tilespmem:s29], [sflag:$0x1], $0x4000, $0x38;
	[tilespmem:$0x1E600] =	vst v63  }
0x20f: {  	_ =	swait.ge [sflag:s21], $0x4000  }
0x210: {  	[sflag:s21] =	ssyncset.done $0x0  }
0x211: {  	[sflag:s21] =	ssyncadd.s32 $0xFFFFC000  }
0x212: {  	[tilespmem:s28], [sflag:$0x1] =	stream.linear.gather [spmem:s15], $0x2000, $0x38;
	[tilespmem:$0x1E600] =	vst v63  }
0x213: {  	s22 =	sor.u32 s16, s0;
	_ =	swait.ge [sflag:s21], $0x2000  }
0x214: {  	s2 =	sshrl.u32 s22, $0x3;
	[sflag:s21] =	ssyncset.done $0x0  }
0x215: {  	s5 =	sadd.s32 s1, s2;
	[sflag:s21] =	ssyncadd.s32 $0xFFFFE000  }
0x216: {  	[tilespmem:s29], [sflag:$0x1] =	stream.linear.gather [hbm4b:s5+s20], $0x4000, $0x38;
	[tilespmem:$0x1E600] =	vst v63  }
0x217: {  	_ =	swait.ge [sflag:s21], $0x4000  }
0x218: {  	[sflag:s21] =	ssyncset.done $0x0  }
0x219: {  	s20 =	simm.s32 $0x0;
	[sflag:s21] =	ssyncadd.s32 $0xFFFFC000  }
0x21a: {  	v19 =	vld [tilespmem:s20+$0x1E000];
	_ =	sdelay $0x2  }
0x21b: {  	v20 =	vld [tilespmem:s20+$0x1C000];
	_ =	sdelay $0x4  }
0x21c: {  	[tilespmem:v19+s29+$0x0] =	vst.idx.add.f32.msk $0xffff, v20  }
0x21d: {  	v21 =	vadd.s32 $0x400, v19;
	v20 =	vld [tilespmem:s20+$0x1C200];
	_ =	sdelay $0x4  }
0x21e: {  	[tilespmem:v21+s29+$0x0] =	vst.idx.add.f32.msk $0xffff, v20  }
0x21f: {  	v21 =	vadd.s32 $0x800, v19;
	v20 =	vld [tilespmem:s20+$0x1C400];
	_ =	sdelay $0x4  }
0x220: {  	[tilespmem:v21+s29+$0x0] =	vst.idx.add.f32.msk $0xffff, v20  }
0x221: {  	v21 =	vadd.s32 $0xC00, v19;
	v20 =	vld [tilespmem:s20+$0x1C600];
	_ =	sdelay $0x4  }
0x222: {  	[tilespmem:v21+s29+$0x0] =	vst.idx.add.f32.msk $0xffff, v20  }
0x223: {  	v21 =	vadd.s32 $0x1000, v19;
	v20 =	vld [tilespmem:s20+$0x1C800];
	_ =	sdelay $0x4  }
0x224: {  	[tilespmem:v21+s29+$0x0] =	vst.idx.add.f32.msk $0xffff, v20  }
0x225: {  	v21 =	vadd.s32 $0x1400, v19;
	v20 =	vld [tilespmem:s20+$0x1CA00];
	_ =	sdelay $0x4  }
0x226: {  	[tilespmem:v21+s29+$0x0] =	vst.idx.add.f32.msk $0xffff, v20  }
0x227: {  	v21 =	vadd.s32 $0x1800, v19;
	v20 =	vld [tilespmem:s20+$0x1CC00];
	_ =	sdelay $0x4  }
0x228: {  	[tilespmem:v21+s29+$0x0] =	vst.idx.add.f32.msk $0xffff, v20  }
0x229: {  	v21 =	vadd.s32 $0x1C00, v19;
	v20 =	vld [tilespmem:s20+$0x1CE00];
	_ =	sdelay $0x4  }
0x22a: {  	[tilespmem:v21+s29+$0x0] =	vst.idx.add.f32.msk $0xffff, v20  }
0x22b: {  	v21 =	vadd.s32 $0x2000, v19;
	v20 =	vld [tilespmem:s20+$0x1D000];
	_ =	sdelay $0x4  }
0x22c: {  	[tilespmem:v21+s29+$0x0] =	vst.idx.add.f32.msk $0xffff, v20  }
0x22d: {  	v21 =	vadd.s32 $0x2400, v19;
	v20 =	vld [tilespmem:s20+$0x1D200];
	_ =	sdelay $0x4  }
0x22e: {  	[tilespmem:v21+s29+$0x0] =	vst.idx.add.f32.msk $0xffff, v20  }
0x22f: {  	v21 =	vadd.s32 $0x2800, v19;
	v20 =	vld [tilespmem:s20+$0x1D400];
	_ =	sdelay $0x4  }
0x230: {  	[tilespmem:v21+s29+$0x0] =	vst.idx.add.f32.msk $0xffff, v20  }
0x231: {  	v21 =	vadd.s32 $0x2C00, v19;
	v20 =	vld [tilespmem:s20+$0x1D600];
	_ =	sdelay $0x4  }
0x232: {  	[tilespmem:v21+s29+$0x0] =	vst.idx.add.f32.msk $0xffff, v20  }
0x233: {  	v21 =	vadd.s32 $0x3000, v19;
	v20 =	vld [tilespmem:s20+$0x1D800];
	_ =	sdelay $0x4  }
0x234: {  	[tilespmem:v21+s29+$0x0] =	vst.idx.add.f32.msk $0xffff, v20  }
0x235: {  	v21 =	vadd.s32 $0x3400, v19;
	v20 =	vld [tilespmem:s20+$0x1DA00];
	_ =	sdelay $0x4  }
0x236: {  	[tilespmem:v21+s29+$0x0] =	vst.idx.add.f32.msk $0xffff, v20  }
0x237: {  	v21 =	vadd.s32 $0x3800, v19;
	v20 =	vld [tilespmem:s20+$0x1DC00];
	_ =	sdelay $0x4  }
0x238: {  	[tilespmem:v21+s29+$0x0] =	vst.idx.add.f32.msk $0xffff, v20  }
0x239: {  	s3 =	simm.s32 $0x40;
	s5 =	simm.s32 $0x80;
	v19 =	vadd.s32 $0x3C00, v19;
	v20 =	vld [tilespmem:s20+$0x1DE00]  }
.LBB2_11:
0x23a: {  	_ =	sdelay $0x2  }
0x23b: {  	p0 =	sne.s32 s5, $0x7C0  }
0x23c: {  	s20 =	sshra.s32 s3, $0x2;
	s3 =	smov.u32 s5;
	s5 =	sadd.s32 $0x40, s5;
	[tilespmem:v19+s29+$0x0] =	vst.idx.add.f32.msk $0xffff, v20  }
0x23d: {  	v19 =	vld [tilespmem:s20+$0x1E000];
	_ =	sdelay $0x2  }
0x23e: {  	v20 =	vld [tilespmem:s20+$0x1C000];
	_ =	sdelay $0x4  }
0x23f: {  	[tilespmem:v19+s29+$0x0] =	vst.idx.add.f32.msk $0xffff, v20  }
0x240: {  	v21 =	vadd.s32 $0x400, v19;
	v20 =	vld [tilespmem:s20+$0x1C200];
	_ =	sdelay $0x4  }
0x241: {  	[tilespmem:v21+s29+$0x0] =	vst.idx.add.f32.msk $0xffff, v20  }
0x242: {  	v21 =	vadd.s32 $0x800, v19;
	v20 =	vld [tilespmem:s20+$0x1C400];
	_ =	sdelay $0x4  }
0x243: {  	[tilespmem:v21+s29+$0x0] =	vst.idx.add.f32.msk $0xffff, v20  }
0x244: {  	v21 =	vadd.s32 $0xC00, v19;
	v20 =	vld [tilespmem:s20+$0x1C600];
	_ =	sdelay $0x4  }
0x245: {  	[tilespmem:v21+s29+$0x0] =	vst.idx.add.f32.msk $0xffff, v20  }
0x246: {  	v21 =	vadd.s32 $0x1000, v19;
	v20 =	vld [tilespmem:s20+$0x1C800];
	_ =	sdelay $0x4  }
0x247: {  	[tilespmem:v21+s29+$0x0] =	vst.idx.add.f32.msk $0xffff, v20  }
0x248: {  	v21 =	vadd.s32 $0x1400, v19;
	v20 =	vld [tilespmem:s20+$0x1CA00];
	_ =	sdelay $0x4  }
0x249: {  	[tilespmem:v21+s29+$0x0] =	vst.idx.add.f32.msk $0xffff, v20  }
0x24a: {  	v21 =	vadd.s32 $0x1800, v19;
	v20 =	vld [tilespmem:s20+$0x1CC00];
	_ =	sdelay $0x4  }
0x24b: {  	[tilespmem:v21+s29+$0x0] =	vst.idx.add.f32.msk $0xffff, v20  }
0x24c: {  	v21 =	vadd.s32 $0x1C00, v19;
	v20 =	vld [tilespmem:s20+$0x1CE00];
	_ =	sdelay $0x4  }
0x24d: {  	[tilespmem:v21+s29+$0x0] =	vst.idx.add.f32.msk $0xffff, v20  }
0x24e: {  	v21 =	vadd.s32 $0x2000, v19;
	v20 =	vld [tilespmem:s20+$0x1D000];
	_ =	sdelay $0x4  }
0x24f: {  	[tilespmem:v21+s29+$0x0] =	vst.idx.add.f32.msk $0xffff, v20  }
0x250: {  	v21 =	vadd.s32 $0x2400, v19;
	v20 =	vld [tilespmem:s20+$0x1D200];
	_ =	sdelay $0x4  }
0x251: {  	[tilespmem:v21+s29+$0x0] =	vst.idx.add.f32.msk $0xffff, v20  }
0x252: {  	v21 =	vadd.s32 $0x2800, v19;
	v20 =	vld [tilespmem:s20+$0x1D400];
	_ =	sdelay $0x4  }
0x253: {  	[tilespmem:v21+s29+$0x0] =	vst.idx.add.f32.msk $0xffff, v20  }
0x254: {  	v21 =	vadd.s32 $0x2C00, v19;
	v20 =	vld [tilespmem:s20+$0x1D600];
	_ =	sdelay $0x4  }
0x255: {  	[tilespmem:v21+s29+$0x0] =	vst.idx.add.f32.msk $0xffff, v20  }
0x256: {  	v21 =	vadd.s32 $0x3000, v19;
	v20 =	vld [tilespmem:s20+$0x1D800];
	_ =	sdelay $0x4  }
0x257: {  	[tilespmem:v21+s29+$0x0] =	vst.idx.add.f32.msk $0xffff, v20  }
0x258: {  	v21 =	vadd.s32 $0x3400, v19;
	v20 =	vld [tilespmem:s20+$0x1DA00];
	_ =	sdelay $0x4  }
0x259: {  	[tilespmem:v21+s29+$0x0] =	vst.idx.add.f32.msk $0xffff, v20  }
0x25a: {  	v21 =	vadd.s32 $0x3800, v19;
	v20 =	vld [tilespmem:s20+$0x1DC00];
	_ =	sdelay $0x1  }
.Ltmp4:
0x25b: {  	(pc) =	sbr.rel @p0 .LBB2_11-.Ltmp4, $3  }
0x25c: {  	_ =	sdelay $0x1  }
0x25d: {  	[tilespmem:v21+s29+$0x0] =	vst.idx.add.f32.msk $0xffff, v20  }
0x25e: {  	v19 =	vadd.s32 $0x3C00, v19;
	v20 =	vld [tilespmem:s20+$0x1DE00]  }
0x25f: {  	_ =	sdelay $0x3  }
0x260: {  	s3 =	sshra.s32 s3, $0x2;
	[tilespmem:v19+s29+$0x0] =	vst.idx.add.f32.msk $0xffff, v20  }
0x261: {  	v19 =	vld [tilespmem:s3+$0x1E000];
	_ =	sdelay $0x2  }
0x262: {  	v20 =	vld [tilespmem:s3+$0x1C000];
	_ =	sdelay $0x4  }
0x263: {  	[tilespmem:v19+s29+$0x0] =	vst.idx.add.f32.msk $0xffff, v20  }
0x264: {  	v21 =	vadd.s32 $0x400, v19;
	v20 =	vld [tilespmem:s3+$0x1C200];
	_ =	sdelay $0x4  }
0x265: {  	[tilespmem:v21+s29+$0x0] =	vst.idx.add.f32.msk $0xffff, v20  }
0x266: {  	v21 =	vadd.s32 $0x800, v19;
	v20 =	vld [tilespmem:s3+$0x1C400];
	_ =	sdelay $0x4  }
0x267: {  	[tilespmem:v21+s29+$0x0] =	vst.idx.add.f32.msk $0xffff, v20  }
0x268: {  	v21 =	vadd.s32 $0xC00, v19;
	v20 =	vld [tilespmem:s3+$0x1C600];
	_ =	sdelay $0x4  }
0x269: {  	[tilespmem:v21+s29+$0x0] =	vst.idx.add.f32.msk $0xffff, v20  }
0x26a: {  	v21 =	vadd.s32 $0x1000, v19;
	v20 =	vld [tilespmem:s3+$0x1C800];
	_ =	sdelay $0x4  }
0x26b: {  	[tilespmem:v21+s29+$0x0] =	vst.idx.add.f32.msk $0xffff, v20  }
0x26c: {  	v21 =	vadd.s32 $0x1400, v19;
	v20 =	vld [tilespmem:s3+$0x1CA00];
	_ =	sdelay $0x4  }
0x26d: {  	[tilespmem:v21+s29+$0x0] =	vst.idx.add.f32.msk $0xffff, v20  }
0x26e: {  	v21 =	vadd.s32 $0x1800, v19;
	v20 =	vld [tilespmem:s3+$0x1CC00];
	_ =	sdelay $0x4  }
0x26f: {  	[tilespmem:v21+s29+$0x0] =	vst.idx.add.f32.msk $0xffff, v20  }
0x270: {  	v21 =	vadd.s32 $0x1C00, v19;
	v20 =	vld [tilespmem:s3+$0x1CE00];
	_ =	sdelay $0x4  }
0x271: {  	[tilespmem:v21+s29+$0x0] =	vst.idx.add.f32.msk $0xffff, v20  }
0x272: {  	v21 =	vadd.s32 $0x2000, v19;
	v20 =	vld [tilespmem:s3+$0x1D000];
	_ =	sdelay $0x4  }
0x273: {  	[tilespmem:v21+s29+$0x0] =	vst.idx.add.f32.msk $0xffff, v20  }
0x274: {  	v21 =	vadd.s32 $0x2400, v19;
	v20 =	vld [tilespmem:s3+$0x1D200];
	_ =	sdelay $0x4  }
0x275: {  	[tilespmem:v21+s29+$0x0] =	vst.idx.add.f32.msk $0xffff, v20  }
0x276: {  	v21 =	vadd.s32 $0x2800, v19;
	v20 =	vld [tilespmem:s3+$0x1D400];
	_ =	sdelay $0x4  }
0x277: {  	[tilespmem:v21+s29+$0x0] =	vst.idx.add.f32.msk $0xffff, v20  }
0x278: {  	v21 =	vadd.s32 $0x2C00, v19;
	v20 =	vld [tilespmem:s3+$0x1D600];
	_ =	sdelay $0x4  }
0x279: {  	[tilespmem:v21+s29+$0x0] =	vst.idx.add.f32.msk $0xffff, v20  }
0x27a: {  	v21 =	vadd.s32 $0x3000, v19;
	v20 =	vld [tilespmem:s3+$0x1D800];
	_ =	sdelay $0x4  }
0x27b: {  	[tilespmem:v21+s29+$0x0] =	vst.idx.add.f32.msk $0xffff, v20  }
0x27c: {  	v21 =	vadd.s32 $0x3400, v19;
	v20 =	vld [tilespmem:s3+$0x1DA00];
	_ =	sdelay $0x4  }
0x27d: {  	[tilespmem:v21+s29+$0x0] =	vst.idx.add.f32.msk $0xffff, v20  }
0x27e: {  	v21 =	vadd.s32 $0x3800, v19;
	v20 =	vld [tilespmem:s3+$0x1DC00];
	_ =	sdelay $0x4  }
0x27f: {  	[tilespmem:v21+s29+$0x0] =	vst.idx.add.f32.msk $0xffff, v20  }
0x280: {  	v19 =	vadd.s32 $0x3C00, v19;
	v20 =	vld [tilespmem:s3+$0x1DE00];
	_ =	sdelay $0x4  }
0x281: {  	s2 =	sadd.s32 s7, s2;
	s20 =	simm.s32 $0x0;
	[tilespmem:v19+s29+$0x0] =	vst.idx.add.f32.msk $0xffff, v20  }
0x282: {  	[hbm4b:s2+s20] =	stream.linear.scatter [tilespmem:s29], [sflag:$0x1], $0x4000, $0x38;
	[tilespmem:$0x1E600] =	vst v63  }
0x283: {  	_ =	swait.ge [sflag:s21], $0x4000  }
0x284: {  	[sflag:s21] =	ssyncset.done $0x0  }
0x285: {  	[sflag:s21] =	ssyncadd.s32 $0xFFFFC000  }
0x286: {  	[tilespmem:s28], [sflag:$0x1] =	stream.linear.gather [spmem:s17], $0x2000, $0x38;
	[tilespmem:$0x1E600] =	vst v63  }
0x287: {  	_ =	swait.ge [sflag:s21], $0x2000  }
0x288: {  	s0 =	sor.u32 s18, s0;
	[sflag:s21] =	ssyncset.done $0x0  }
0x289: {  	s0 =	sshrl.u32 s0, $0x3;
	[sflag:s21] =	ssyncadd.s32 $0xFFFFE000  }
0x28a: {  	s22 =	sadd.s32 s1, s0;
	[bflag:$0x0] =	sbarrier.arrive $0xFFFF  }
0x28b: {  	[tilespmem:s29], [sflag:$0x1] =	stream.linear.gather [hbm4b:s22+s20], $0x4000, $0x38;
	[tilespmem:$0x1E600] =	vst v63  }
0x28c: {  	_ =	swait.ge [sflag:s21], $0x4000  }
0x28d: {  	[sflag:s21] =	ssyncset.done $0x0  }
0x28e: {  	s5 =	simm.s32 $0x0;
	[sflag:s21] =	ssyncadd.s32 $0xFFFFC000  }
0x28f: {  	v19 =	vld [tilespmem:s5+$0x1E000];
	_ =	sdelay $0x2  }
0x290: {  	v20 =	vld [tilespmem:s5+$0x1C000];
	_ =	sdelay $0x4  }
0x291: {  	[tilespmem:v19+s29+$0x0] =	vst.idx.add.f32.msk $0xffff, v20  }
0x292: {  	v21 =	vadd.s32 $0x400, v19;
	v20 =	vld [tilespmem:s5+$0x1C200];
	_ =	sdelay $0x4  }
0x293: {  	[tilespmem:v21+s29+$0x0] =	vst.idx.add.f32.msk $0xffff, v20  }
0x294: {  	v21 =	vadd.s32 $0x800, v19;
	v20 =	vld [tilespmem:s5+$0x1C400];
	_ =	sdelay $0x4  }
0x295: {  	[tilespmem:v21+s29+$0x0] =	vst.idx.add.f32.msk $0xffff, v20  }
0x296: {  	v21 =	vadd.s32 $0xC00, v19;
	v20 =	vld [tilespmem:s5+$0x1C600];
	_ =	sdelay $0x4  }
0x297: {  	[tilespmem:v21+s29+$0x0] =	vst.idx.add.f32.msk $0xffff, v20  }
0x298: {  	v21 =	vadd.s32 $0x1000, v19;
	v20 =	vld [tilespmem:s5+$0x1C800];
	_ =	sdelay $0x4  }
0x299: {  	[tilespmem:v21+s29+$0x0] =	vst.idx.add.f32.msk $0xffff, v20  }
0x29a: {  	v21 =	vadd.s32 $0x1400, v19;
	v20 =	vld [tilespmem:s5+$0x1CA00];
	_ =	sdelay $0x4  }
0x29b: {  	[tilespmem:v21+s29+$0x0] =	vst.idx.add.f32.msk $0xffff, v20  }
0x29c: {  	v21 =	vadd.s32 $0x1800, v19;
	v20 =	vld [tilespmem:s5+$0x1CC00];
	_ =	sdelay $0x4  }
0x29d: {  	[tilespmem:v21+s29+$0x0] =	vst.idx.add.f32.msk $0xffff, v20  }
0x29e: {  	v21 =	vadd.s32 $0x1C00, v19;
	v20 =	vld [tilespmem:s5+$0x1CE00];
	_ =	sdelay $0x4  }
0x29f: {  	[tilespmem:v21+s29+$0x0] =	vst.idx.add.f32.msk $0xffff, v20  }
0x2a0: {  	v21 =	vadd.s32 $0x2000, v19;
	v20 =	vld [tilespmem:s5+$0x1D000];
	_ =	sdelay $0x4  }
0x2a1: {  	[tilespmem:v21+s29+$0x0] =	vst.idx.add.f32.msk $0xffff, v20  }
0x2a2: {  	v21 =	vadd.s32 $0x2400, v19;
	v20 =	vld [tilespmem:s5+$0x1D200];
	_ =	sdelay $0x4  }
0x2a3: {  	[tilespmem:v21+s29+$0x0] =	vst.idx.add.f32.msk $0xffff, v20  }
0x2a4: {  	v21 =	vadd.s32 $0x2800, v19;
	v20 =	vld [tilespmem:s5+$0x1D400];
	_ =	sdelay $0x4  }
0x2a5: {  	[tilespmem:v21+s29+$0x0] =	vst.idx.add.f32.msk $0xffff, v20  }
0x2a6: {  	v21 =	vadd.s32 $0x2C00, v19;
	v20 =	vld [tilespmem:s5+$0x1D600];
	_ =	sdelay $0x4  }
0x2a7: {  	[tilespmem:v21+s29+$0x0] =	vst.idx.add.f32.msk $0xffff, v20  }
0x2a8: {  	v21 =	vadd.s32 $0x3000, v19;
	v20 =	vld [tilespmem:s5+$0x1D800];
	_ =	sdelay $0x4  }
0x2a9: {  	[tilespmem:v21+s29+$0x0] =	vst.idx.add.f32.msk $0xffff, v20  }
0x2aa: {  	v21 =	vadd.s32 $0x3400, v19;
	v20 =	vld [tilespmem:s5+$0x1DA00];
	_ =	sdelay $0x4  }
0x2ab: {  	[tilespmem:v21+s29+$0x0] =	vst.idx.add.f32.msk $0xffff, v20  }
0x2ac: {  	v21 =	vadd.s32 $0x3800, v19;
	v20 =	vld [tilespmem:s5+$0x1DC00];
	_ =	sdelay $0x4  }
0x2ad: {  	[tilespmem:v21+s29+$0x0] =	vst.idx.add.f32.msk $0xffff, v20  }
0x2ae: {  	s3 =	simm.s32 $0x80;
	s2 =	simm.s32 $0x40;
	v19 =	vadd.s32 $0x3C00, v19;
	v20 =	vld [tilespmem:s5+$0x1DE00]  }
.LBB2_13:
0x2af: {  	_ =	sdelay $0x2  }
0x2b0: {  	p0 =	sne.s32 s3, $0x7C0  }
0x2b1: {  	s5 =	sshra.s32 s2, $0x2;
	s2 =	smov.u32 s3;
	s3 =	sadd.s32 $0x40, s3;
	[tilespmem:v19+s29+$0x0] =	vst.idx.add.f32.msk $0xffff, v20  }
0x2b2: {  	v19 =	vld [tilespmem:s5+$0x1E000];
	_ =	sdelay $0x2  }
0x2b3: {  	v20 =	vld [tilespmem:s5+$0x1C000];
	_ =	sdelay $0x4  }
0x2b4: {  	[tilespmem:v19+s29+$0x0] =	vst.idx.add.f32.msk $0xffff, v20  }
0x2b5: {  	v21 =	vadd.s32 $0x400, v19;
	v20 =	vld [tilespmem:s5+$0x1C200];
	_ =	sdelay $0x4  }
0x2b6: {  	[tilespmem:v21+s29+$0x0] =	vst.idx.add.f32.msk $0xffff, v20  }
0x2b7: {  	v21 =	vadd.s32 $0x800, v19;
	v20 =	vld [tilespmem:s5+$0x1C400];
	_ =	sdelay $0x4  }
0x2b8: {  	[tilespmem:v21+s29+$0x0] =	vst.idx.add.f32.msk $0xffff, v20  }
0x2b9: {  	v21 =	vadd.s32 $0xC00, v19;
	v20 =	vld [tilespmem:s5+$0x1C600];
	_ =	sdelay $0x4  }
0x2ba: {  	[tilespmem:v21+s29+$0x0] =	vst.idx.add.f32.msk $0xffff, v20  }
0x2bb: {  	v21 =	vadd.s32 $0x1000, v19;
	v20 =	vld [tilespmem:s5+$0x1C800];
	_ =	sdelay $0x4  }
0x2bc: {  	[tilespmem:v21+s29+$0x0] =	vst.idx.add.f32.msk $0xffff, v20  }
0x2bd: {  	v21 =	vadd.s32 $0x1400, v19;
	v20 =	vld [tilespmem:s5+$0x1CA00];
	_ =	sdelay $0x4  }
0x2be: {  	[tilespmem:v21+s29+$0x0] =	vst.idx.add.f32.msk $0xffff, v20  }
0x2bf: {  	v21 =	vadd.s32 $0x1800, v19;
	v20 =	vld [tilespmem:s5+$0x1CC00];
	_ =	sdelay $0x4  }
0x2c0: {  	[tilespmem:v21+s29+$0x0] =	vst.idx.add.f32.msk $0xffff, v20  }
0x2c1: {  	v21 =	vadd.s32 $0x1C00, v19;
	v20 =	vld [tilespmem:s5+$0x1CE00];
	_ =	sdelay $0x4  }
0x2c2: {  	[tilespmem:v21+s29+$0x0] =	vst.idx.add.f32.msk $0xffff, v20  }
0x2c3: {  	v21 =	vadd.s32 $0x2000, v19;
	v20 =	vld [tilespmem:s5+$0x1D000];
	_ =	sdelay $0x4  }
0x2c4: {  	[tilespmem:v21+s29+$0x0] =	vst.idx.add.f32.msk $0xffff, v20  }
0x2c5: {  	v21 =	vadd.s32 $0x2400, v19;
	v20 =	vld [tilespmem:s5+$0x1D200];
	_ =	sdelay $0x4  }
0x2c6: {  	[tilespmem:v21+s29+$0x0] =	vst.idx.add.f32.msk $0xffff, v20  }
0x2c7: {  	v21 =	vadd.s32 $0x2800, v19;
	v20 =	vld [tilespmem:s5+$0x1D400];
	_ =	sdelay $0x4  }
0x2c8: {  	[tilespmem:v21+s29+$0x0] =	vst.idx.add.f32.msk $0xffff, v20  }
0x2c9: {  	v21 =	vadd.s32 $0x2C00, v19;
	v20 =	vld [tilespmem:s5+$0x1D600];
	_ =	sdelay $0x4  }
0x2ca: {  	[tilespmem:v21+s29+$0x0] =	vst.idx.add.f32.msk $0xffff, v20  }
0x2cb: {  	v21 =	vadd.s32 $0x3000, v19;
	v20 =	vld [tilespmem:s5+$0x1D800];
	_ =	sdelay $0x4  }
0x2cc: {  	[tilespmem:v21+s29+$0x0] =	vst.idx.add.f32.msk $0xffff, v20  }
0x2cd: {  	v21 =	vadd.s32 $0x3400, v19;
	v20 =	vld [tilespmem:s5+$0x1DA00];
	_ =	sdelay $0x4  }
0x2ce: {  	[tilespmem:v21+s29+$0x0] =	vst.idx.add.f32.msk $0xffff, v20  }
0x2cf: {  	v21 =	vadd.s32 $0x3800, v19;
	v20 =	vld [tilespmem:s5+$0x1DC00];
	_ =	sdelay $0x1  }
.Ltmp5:
0x2d0: {  	(pc) =	sbr.rel @p0 .LBB2_13-.Ltmp5, $3  }
0x2d1: {  	_ =	sdelay $0x1  }
0x2d2: {  	[tilespmem:v21+s29+$0x0] =	vst.idx.add.f32.msk $0xffff, v20  }
0x2d3: {  	v19 =	vadd.s32 $0x3C00, v19;
	v20 =	vld [tilespmem:s5+$0x1DE00]  }
0x2d4: {  	_ =	sdelay $0x3  }
0x2d5: {  	s2 =	sshra.s32 s2, $0x2;
	[tilespmem:v19+s29+$0x0] =	vst.idx.add.f32.msk $0xffff, v20  }
0x2d6: {  	v19 =	vld [tilespmem:s2+$0x1E000];
	_ =	sdelay $0x2  }
0x2d7: {  	v20 =	vld [tilespmem:s2+$0x1C000];
	_ =	sdelay $0x4  }
0x2d8: {  	[tilespmem:v19+s29+$0x0] =	vst.idx.add.f32.msk $0xffff, v20  }
0x2d9: {  	v21 =	vadd.s32 $0x400, v19;
	v20 =	vld [tilespmem:s2+$0x1C200];
	_ =	sdelay $0x4  }
0x2da: {  	[tilespmem:v21+s29+$0x0] =	vst.idx.add.f32.msk $0xffff, v20  }
0x2db: {  	v51 =	vadd.s32 $0x800, v19;
	v20 =	vld [tilespmem:s2+$0x1C400];
	_ =	sdelay $0x4  }
0x2dc: {  	[tilespmem:v51+s29+$0x0] =	vst.idx.add.f32.msk $0xffff, v20  }
0x2dd: {  	v52 =	vadd.s32 $0xC00, v19;
	v20 =	vld [tilespmem:s2+$0x1C600];
	_ =	sdelay $0x4  }
0x2de: {  	[tilespmem:v52+s29+$0x0] =	vst.idx.add.f32.msk $0xffff, v20  }
0x2df: {  	v53 =	vadd.s32 $0x1000, v19;
	v20 =	vld [tilespmem:s2+$0x1C800];
	_ =	sdelay $0x4  }
0x2e0: {  	[tilespmem:v53+s29+$0x0] =	vst.idx.add.f32.msk $0xffff, v20  }
0x2e1: {  	v54 =	vadd.s32 $0x1400, v19;
	v20 =	vld [tilespmem:s2+$0x1CA00];
	_ =	sdelay $0x4  }
0x2e2: {  	[tilespmem:v54+s29+$0x0] =	vst.idx.add.f32.msk $0xffff, v20  }
0x2e3: {  	v55 =	vadd.s32 $0x1800, v19;
	v20 =	vld [tilespmem:s2+$0x1CC00];
	_ =	sdelay $0x4  }
0x2e4: {  	[tilespmem:v55+s29+$0x0] =	vst.idx.add.f32.msk $0xffff, v20  }
0x2e5: {  	v56 =	vadd.s32 $0x1C00, v19;
	v20 =	vld [tilespmem:s2+$0x1CE00];
	_ =	sdelay $0x4  }
0x2e6: {  	[tilespmem:v56+s29+$0x0] =	vst.idx.add.f32.msk $0xffff, v20  }
0x2e7: {  	v57 =	vadd.s32 $0x2000, v19;
	v20 =	vld [tilespmem:s2+$0x1D000];
	_ =	sdelay $0x4  }
0x2e8: {  	[tilespmem:v57+s29+$0x0] =	vst.idx.add.f32.msk $0xffff, v20  }
0x2e9: {  	v58 =	vadd.s32 $0x2400, v19;
	v20 =	vld [tilespmem:s2+$0x1D200];
	_ =	sdelay $0x4  }
0x2ea: {  	[tilespmem:v58+s29+$0x0] =	vst.idx.add.f32.msk $0xffff, v20  }
0x2eb: {  	v59 =	vadd.s32 $0x2800, v19;
	v20 =	vld [tilespmem:s2+$0x1D400];
	_ =	sdelay $0x4  }
0x2ec: {  	[tilespmem:v59+s29+$0x0] =	vst.idx.add.f32.msk $0xffff, v20  }
0x2ed: {  	v60 =	vadd.s32 $0x2C00, v19;
	v20 =	vld [tilespmem:s2+$0x1D600];
	_ =	sdelay $0x4  }
0x2ee: {  	[tilespmem:v60+s29+$0x0] =	vst.idx.add.f32.msk $0xffff, v20  }
0x2ef: {  	v61 =	vadd.s32 $0x3000, v19;
	v20 =	vld [tilespmem:s2+$0x1D800];
	_ =	sdelay $0x4  }
0x2f0: {  	[tilespmem:v61+s29+$0x0] =	vst.idx.add.f32.msk $0xffff, v20  }
0x2f1: {  	v62 =	vadd.s32 $0x3400, v19;
	v20 =	vld [tilespmem:s2+$0x1DA00];
	_ =	sdelay $0x4  }
0x2f2: {  	[tilespmem:v62+s29+$0x0] =	vst.idx.add.f32.msk $0xffff, v20  }
0x2f3: {  	v63 =	vadd.s32 $0x3800, v19;
	v20 =	vld [tilespmem:s2+$0x1DC00];
	_ =	sdelay $0x4  }
0x2f4: {  	[tilespmem:v63+s29+$0x0] =	vst.idx.add.f32.msk $0xffff, v20  }
0x2f5: {  	v19 =	vadd.s32 $0x3C00, v19;
	v20 =	vld [tilespmem:s2+$0x1DE00];
	_ =	sdelay $0x2  }
0x2f6: {  	s31 =	sadd.s32 $0x1, s31  }
0x2f7: {  	p0 =	sne.s32 s31, $0x10  }
.Ltmp6:
0x2f8: {  	s0 =	sadd.s32 s7, s0;
	[tilespmem:v19+s29+$0x0] =	vst.idx.add.f32.msk $0xffff, v20;
	(pc) =	sbr.rel @p0 .LBB2_2-.Ltmp6, $4  }
0x2f9: {  	[hbm4b:s0+s4] =	stream.linear.scatter [tilespmem:s29], [sflag:$0x1], $0x4000, $0x38;
	[tilespmem:$0x1E600] =	vst v63  }
0x2fa: {  	_ =	swait.ge [sflag:s21], $0x4000  }
0x2fb: {  	[sflag:s21] =	ssyncset.done $0x0  }
0x2fc: {  	[sflag:s21] =	ssyncadd.s32 $0xFFFFC000  }
0x2fd: {  	s30 =	sadd.s32 $0x1, s30  }
0x2fe: {  	p0 =	sne.s32 s30, s19  }
.Ltmp7:
0x2ff: {  	_ = 	snop;
	(pc) =	sbr.rel @p0 .LBB2_1-.Ltmp7, $1  }
0x300: {  	_ =	sdelay $0x3  }
0x301: {  	_ =	sfence.sel $0x180000  }
0x302: {  	[bflag:$0x0] =	sbarrier.arrive $0xFFFF  }
0x303: {  	_ =	strace $0x9000004D  }
0x304: {  	s0 =	stileid.u32;
	[bflag:$0x2] =	sbarrier.arrive $0xFFFF  }
0x305: {  	p0 =	sne.s32 s0, $0x0;
	s0 =	rddreg [dreg:$0x5]  }
0x306: {  	s0 =	sadd.s32 @!p0 $0x100000, s0  }
0x307: {  	[sflag:s0] =	ssyncadd.tile.s32 @!p0 $0x1;
	_ =	shalt  }
.Lfunc_end2:
_tile_overlayer_lowered:
.L_overlay_start_2:
0x308: {  	(tag) =	ssettag $0x2  }
0x309: {  	s0 =	rddreg [dreg:$0x0];
	s2 =	stileid.u32  }
0x30a: {  	s1 =	rddreg [dreg:$0x1];
	p0 =	sne.s32 s2, $0x0  }
0x30b: {  	s3 =	rddreg [dreg:$0x2];
	[bflag:$0x3] =	sbarrier.arrive $0xFFFF;
	s2 =	simm.s32 @!p0 $0x1C01  }
0x30c: {  	[timem:s3], [sflag:s2] =	dma.local @!p0 [hbm:s0], s1  }
0x30d: {  	s0 =	simm.s32 @!p0 $0x1  }
0x30e: {  	_ =	swait.ge @!p0 [sflag:s0], s1  }
0x30f: {  	s1 =	ssub.s32 @!p0 $0x0, s1;
	[sflag:s0] =	ssyncset.done @!p0 $0x0  }
0x310: {  	[sflag:s0] =	ssyncadd.s32 @!p0 s1  }
0x311: {  	[bflag:$0x3] =	sbarrier.arrive $0xFFFF  }
0x312: {  	_ =	shalt  }

// kernel: sparse-core-data-format-call.1.cloned.1.call-start
scs
called_computation.1_lowered:
.L_overlay_start_0:
0x0: {  	s2 =	sld [smem:$0x3FD9]  }
0x1: {  	s3 =	sld [smem:$0x3FFE];
	_ =	sdelay $0x1  }
0x2: {  	s1 =	srdreg.scid  }
0x3: {  	s0 =	sand.u32 $0x1, s1  }
0x4: {  	s19 =	sshll.u32 s0, $0xA;
	s2 =	sadd.s32 s3, s2  }
0x5: {  	s2 =	sadd.s32 s2, s19  }
0x6: {  	[smem:$0x3FC4] =	sst s2  }
0x7: {  	_ = 	snop  }
0x8: {  	s20 =	sld [smem:$0x3FC9]  }
0x9: {  	s4 =	sld [smem:$0x3FD0];
	(tm) =	ssettm $0x1  }
0xa: {  	s21 =	sld [smem:$0x3FFB];
	_ =	sdelay $0x3  }
0xb: {  	_ =	strace s21  }
0xc: {  	s2 =	sld [smem:$0x3FFC];
	_ =	sdelay $0x3  }
0xd: {  	_ =	strace s2  }
0xe: {  	s2 =	sld [smem:$0x3FFD];
	_ =	sdelay $0x3  }
0xf: {  	_ =	strace s2  }
0x10: {  	_ =	strace $0x8FFFFFFF  }
0x11: {  	s22 =	sld [smem:$0x3FDB];
	_ =	sdelay $0x1  }
0x12: {  	s5 =	simm.s32 $_scs_section_size  }
0x13: {  	s6 =	simm.s32 $_size__tile_overlayer_lowered;
	s7 =	simm.s32 $_tile_overlayer_lowered  }
0x14: {  	s8 =	simm.s32 $0x1BFF;
	s23 =	sshll.u32 s7, $0x1;
	s5 =	sadd.s32 s5, s22  }
0x15: {  	s24 =	simm.s32 $0x0;
	s6 =	sshll.u32 s6, $0x1;
	s7 =	sadd.s32 s23, s5  }
0x16: {  	[timem:s24], [sflag:s8] =	dma.local [hbm:s7], s6  }
0x17: {  	_ =	swait.ge [sflag:s8], s6  }
0x18: {  	s6 =	ssub.s32 $0x0, s6;
	[sflag:s8] =	ssyncset.done $0x0  }
0x19: {  	[sflag:s8] =	ssyncadd.s32 s6;
	_ =	sdelay $0x1  }
0x1a: {  	s25 =	simm.s32 $0x1B8B  }
0x1b: {  	_ =	swait.ge [sflag:s25], $0x1  }
0x1c: {  	[sflag:s25] =	ssyncset.done $0x0  }
0x1d: {  	[sflag:s25] =	ssyncadd.s32 $0xFFFFFFFF  }
0x1e: {  	s6 =	sld [smem:$0x0]  }
0x1f: {  	s7 =	sand.u32 $0xFFFFFFFE, s1  }
0x20: {  	p0 =	sne.s32 s1, s7  }
0x21: {  	s7 =	sshll.u32 @p0 s7, $0xE  }
0x22: {  	s7 =	sadd.s32 @p0 $0x11B8D, s7;
	s8 =	sshll.u32 @p0 s6, $0x11  }
0x23: {  	s7 =	sor.u32 @p0 s8, s7  }
0x24: {  	[sflag:s7] =	ssyncadd.remote.s32 @p0 $0x1;
	_ =	sdelay $0x1  }
0x25: {  	s7 =	simm.s32 @p0 $0x1B8D  }
0x26: {  	_ =	swait.eq @p0 [sflag:s7], $0x1  }
0x27: {  	[sflag:s7] =	ssyncadd.s32 @p0 $0xFFFFFFFF  }
0x28: {  	s8 =	sshll.u32 @!p0 s1, $0xE  }
0x29: {  	s8 =	sor.u32 @!p0 $0x4000, s8;
	s7 =	simm.s32 @!p0 $0x1B8D  }
0x2a: {  	s6 =	sshll.u32 @!p0 s6, $0x11;
	s8 =	sadd.s32 @!p0 $0x11B8D, s8;
	_ =	swait.eq @!p0 [sflag:s7], $0x1  }
0x2b: {  	s6 =	sor.u32 @!p0 s6, s8;
	[sflag:s7] =	ssyncadd.s32 @!p0 $0xFFFFFFFF  }
0x2c: {  	s26 =	simm.s32 $0x1B8E;
	[sflag:s6] =	ssyncadd.remote.s32 @!p0 $0x1  }
0x2d: {  	s27 =	simm.s32 $execute0_lowered;
	[smem:$0x3FD2] =	sst s26  }
0x2e: {  	s6 =	sshll.u32 s27, $0x1;
	_ =	strace $0x80000049;
	[dreg:$0x1] =	wrdreg $0xFFFFFFFF  }
0x2f: {  	s28 =	simm.s32 $_size_execute0_lowered;
	s5 =	sadd.s32 s5, s6;
	[dreg:$0x0] =	wrdreg $0x0  }
0x30: {  	s6 =	sshll.u32 s28, $0x1;
	[dreg:$0x2] =	wrdreg s5  }
0x31: {  	[dreg:$0x3] =	wrdreg s6  }
0x32: {  	[dreg:$0x4] =	wrdreg $0xC0  }
0x33: {  	_ =	task [dreg:s24], $0x5FFFF  }
0x34: {  	[dreg:$0x1] =	wrdreg $0xFFFFFFFF  }
0x35: {  	[dreg:$0x0] =	wrdreg $0x60  }
0x36: {  	[dreg:$0x2] =	wrdreg s20  }
0x37: {  	[dreg:$0x3] =	wrdreg s4  }
0x38: {  	[dreg:$0x4] =	wrdreg $0xA  }
0x39: {  	_ =	task.clear_ibuf [dreg:s24], $0x5FFFF;
	_ =	strace $0x90000049  }
0x3a: {  	s29 =	simm.s32 $0xA;
	_ =	strace $0x8000004B  }
0x3b: {  	_ =	swait.ge [sflag:s29], $0x1  }
0x3c: {  	[sflag:s29] =	ssyncadd.s32 $0xFFFFFFFF  }
0x3d: {  	_ =	strace $0x9000004B  }
0x3e: {  	_ =	sfence  }
0x3f: {  	s30 =	sld [smem:$0x0];
	_ =	sdelay $0x2  }
0x40: {  	s31 =	sshll.u32 s1, $0xD;
	s1 =	sshrl.u32 s1, $0x2  }
0x41: {  	s4 =	sand.u32 $0x4000, s31;
	s1 =	sadd.s32 s1, s30  }
0x42: {  	s0 =	sor.u32 s4, s0;
	s1 =	sshll.u32 s1, $0x11  }
0x43: {  	s0 =	sor.u32 s1, s0  }
0x44: {  	s0 =	sadd.s32 $0x8F2B, s0  }
0x45: {  	[sflag:s0] =	ssyncadd.remote.s32 $0x1  }
0x46: {  	_ =	sfence.sel $0xFFFF  }
0x47: {  	[dreg:$0x0] =	wrdreg $0xFFFFFFFF;
	(pc) =	sbr.abs _section_cstart, $3  }
0x48: {  	[dreg:$0x1] =	wrdreg $0xFFFFFFFF  }
0x49: {  	_ =	task.clear_ibuf [dreg:s24], $0x2FFFF;
	_ =	strace $0x9FFFFFFF  }
0x4a: {  	(tm) =	ssettm $0x7FFFFFFF  }
0x4b: {  	_ =	shalt  }
tec
execute0_lowered:
.L_overlay_start_1:
0x0: {  	(tag) =	ssettag $0x1  }
0x1: {  	s0 =	srdreg.scid  }
0x2: {  	s1 =	sshll.u32 s0, $0x4  }
0x3: {  	s2 =	rddreg [dreg:$0x0];
	s0 =	stileid.u32;
	s1 =	sand.u32 $0x10, s1  }
0x4: {  	s4 =	rddreg [dreg:$0x1];
	s1 =	sor.u32 s0, s1  }
0x5: {  	s7 =	simm.s32 $0x1;
	s8 =	simm.s32 $0x2;
	s3 =	sshll.u32 s1, $0x1  }
0x6: {  	s9 =	simm.s32 $0x0;
	s12 =	simm.s32 $0x0;
	s6 =	ssub.s32 $0x1000, s3  }
.Ltmp0:
0x7: {  	s11 =	simm.s32 $0x0;
	s5 =	sand.u32 $0x3E, s6;
	(pc) =	sbr.rel .LBB1_1-.Ltmp0, $4  }
0x8: {  	s1 =	rddreg [dreg:$0x2];
	_ =	strace $0x8000004A;
	p0 =	sne.s32 s5, $0x0  }
0x9: {  	s6 =	sshrl.u32 s6, $0x6;
	s5 =	simm.s32 $0x1;
	s7 =	simm.s32 @!p0 $0x0  }
0xa: {  	s10 =	smov.u32 s3;
	[sflag:s5] =	ssyncpa.u1 $0x0;
	s6 =	sadd.s32 s7, s6  }
0xb: {  	[sflag:s8] =	ssyncpa.u1 $0x0;
	s8 =	simm.s32 $0x0;
	s7 =	sadd.s32 $0x1, s6  }
.LBB1_9:
0xc: {  	s14 =	sadd.s32 $0x40, s10  }
0xd: {  	p1 =	sgt.s32 s14, $0xFFF  }
0xe: {  	s14 =	smov.u32 @p1 s3;
	p1 =	sne.s32 s11, s7  }
.Ltmp1:
0xf: {  	p0 =	slt.u32 s11, $0x2;
	(pc) =	sbr.rel @!p1 .LBB1_10-.Ltmp1, $4  }
0x10: {  	s13 =	simm.s32 @!p0 $0x2  }
0x11: {  	s15 =	sadd.s32 $0x1, s11;
	_ =	swait.ge @!p0 [sflag:s13], $0x4000  }
0x12: {  	s12 =	smov.u32 s10;
	s9 =	sadd.s32 $0x4000, s9;
	[sflag:s13] =	ssyncset.done @!p0 $0x0  }
0x13: {  	s11 =	smov.u32 s15;
	s10 =	smov.u32 s14;
	[sflag:s13] =	ssyncadd.s32 @!p0 $0xFFFFC000  }
.LBB1_1:
0x14: {  	p0 =	sge.u32 s11, s6  }
0x15: {  	s13 =	sxor.u32 @!p0 $0xFFFFFFFF, s11  }
0x16: {  	s31 =	sadd.s32 $0xFFFFFFFF, s11;
	s14 =	sshll.u32 @!p0 s10, $0xA;
	s13 =	sshll.u32 @!p0 s13, $0xE  }
0x17: {  	s15 =	simm.s32 @!p0 $0x0;
	s14 =	sadd.s32 @!p0 s2, s14;
	s13 =	sand.u32 @!p0 $0x4000, s13  }
0x18: {  	[tilespmem:s13], [sflag:$0x1] =	stream.linear.gather @!p0 [hbm4b:s14+s15], $0x4000, $0x38;
	[tilespmem:$0x10000] =	vst v63  }
0x19: {  	p0 =	sge.u32 s31, s6  }
.Ltmp2:
0x1a: {  	_ = 	snop;
	(pc) =	sbr.rel @p0 .LBB1_9-.Ltmp2, $1  }
0x1b: {  	_ =	sdelay $0x3  }
0x1c: {  	s13 =	sshll.u32 s9, $0x2  }
0x1d: {  	_ =	swait.ge [sflag:s5], $0x4000;
	s14 =	sshll.u32 s11, $0xE;
	s16 =	simm.s32 $0x0  }
0x1e: {  	p1 =	por $0x1, $0x1;
	s13 =	sand.u32 $0x10000, s13;
	[sflag:s5] =	ssyncset.done $0x0  }
0x1f: {  	s14 =	sand.u32 $0x4000, s14;
	s15 =	sshrl.u32 s13, $0x2;
	[sflag:s5] =	ssyncadd.s32 $0xFFFFC000  }
0x20: {  	s13 =	sor.u32 $0x8000, s14;
	s14 =	sadd.s32 $0x8040, s15;
	s15 =	sadd.s32 $0x40, s15  }
.LBB1_3:
0x21: {  	s16 =	sshll.u32 s16, $0x2  }
0x22: {  	p0 =	por p1, p1;
	s17 =	sshra.s32 s16, $0x2  }
0x23: {  	s18 =	simm.s32 $0x0;
	s16 =	sadd.s32 s17, s14;
	s17 =	sadd.s32 s17, s15  }
.LBB1_4:
0x24: {  	v0 =	vmov s17;
	_ =	sdelay $0x3  }
0x25: {  	s20 =	simm.s32 $0x0  }
0x26: {  	v6 =	vld.idx.msk [tilespmem:v0+s20+$0x30 ss:$0x1], $0xffff  }
0x27: {  	v7 =	vld.idx.msk [tilespmem:v0+s20+$0xFFFFFFC0 ss:$0x1], $0xffff  }
0x28: {  	v5 =	vld.idx.msk [tilespmem:v0+s20+$0xFFFFFFD0 ss:$0x1], $0xffff  }
0x29: {  	v4 =	vld.idx.msk [tilespmem:v0+s20+$0xFFFFFFE0 ss:$0x1], $0xffff  }
0x2a: {  	v3 =	vld.idx.msk [tilespmem:v0+s20+$0xFFFFFFF0 ss:$0x1], $0xffff  }
0x2b: {  	v1 =	vld.idx.msk [tilespmem:v0+s20+$0x0 ss:$0x1], $0xffff  }
0x2c: {  	v2 =	vld.idx.msk [tilespmem:v0+s20+$0x10 ss:$0x1], $0xffff;
	[tilespmem:s16+$0x30] =	vst v6  }
0x2d: {  	s19 =	simm.s32 $0x80;
	s21 =	simm.s32 $0x400;
	[tilespmem:s16+$0xFFFFFFC0] =	vst v7;
	v6 =	vld.idx.msk [tilespmem:v0+s20+$0x20 ss:$0x1], $0xffff;
	s20 =	smov.u32 s16  }
.LBB1_5:
0x2e: {  	p1 =	sne.s32 s21, $0xE00;
	v7 =	vld.idx.msk [tilespmem:v0+s19+$0x30 ss:$0x1], $0xffff;
	[tilespmem:s20+$0xFFFFFFD0] =	vst v5  }
0x2f: {  	v8 =	vld.idx.msk [tilespmem:v0+s19+$0xFFFFFFC0 ss:$0x1], $0xffff;
	[tilespmem:s20+$0xFFFFFFE0] =	vst v4  }
0x30: {  	v5 =	vld.idx.msk [tilespmem:v0+s19+$0xFFFFFFD0 ss:$0x1], $0xffff;
	[tilespmem:s20+$0xFFFFFFF0] =	vst v3  }
.Ltmp3:
0x31: {  	v4 =	vld.idx.msk [tilespmem:v0+s19+$0xFFFFFFE0 ss:$0x1], $0xffff;
	[tilespmem:s20+$0x0] =	vst v1;
	(pc) =	sbr.rel @p1 .LBB1_5-.Ltmp3, $4  }
0x32: {  	v3 =	vld.idx.msk [tilespmem:v0+s19+$0xFFFFFFF0 ss:$0x1], $0xffff;
	[tilespmem:s20+$0x10] =	vst v2  }
0x33: {  	v1 =	vld.idx.msk [tilespmem:v0+s19+$0x0 ss:$0x1], $0xffff;
	[tilespmem:s20+$0x20] =	vst v6;
	s20 =	sadd.s32 $0x400, s20  }
0x34: {  	v2 =	vld.idx.msk [tilespmem:v0+s19+$0x10 ss:$0x1], $0xffff;
	[tilespmem:s20+$0x30] =	vst v7  }
0x35: {  	[tilespmem:s20+$0xFFFFFFC0] =	vst v8;
	v6 =	vld.idx.msk [tilespmem:v0+s19+$0x20 ss:$0x1], $0xffff;
	s19 =	sshra.s32 s21, $0x2;
	s21 =	sadd.s32 $0x200, s21  }
0x36: {  	_ =	sdelay $0x2  }
0x37: {  	[tilespmem:s20+$0xFFFFFFD0] =	vst v5  }
0x38: {  	v56 =	vld.idx.msk [tilespmem:v0+s19+$0x30 ss:$0x1], $0xffff;
	[tilespmem:s20+$0xFFFFFFE0] =	vst v4  }
0x39: {  	v57 =	vld.idx.msk [tilespmem:v0+s19+$0xFFFFFFC0 ss:$0x1], $0xffff;
	[tilespmem:s20+$0xFFFFFFF0] =	vst v3  }
0x3a: {  	v58 =	vld.idx.msk [tilespmem:v0+s19+$0xFFFFFFD0 ss:$0x1], $0xffff;
	[tilespmem:s20+$0x0] =	vst v1  }
0x3b: {  	v59 =	vld.idx.msk [tilespmem:v0+s19+$0xFFFFFFE0 ss:$0x1], $0xffff;
	[tilespmem:s20+$0x10] =	vst v2  }
0x3c: {  	v60 =	vld.idx.msk [tilespmem:v0+s19+$0xFFFFFFF0 ss:$0x1], $0xffff;
	s31 =	sadd.s32 $0x400, s20;
	[tilespmem:s20+$0x20] =	vst v6  }
0x3d: {  	v61 =	vld.idx.msk [tilespmem:v0+s19+$0x0 ss:$0x1], $0xffff;
	[tilespmem:s31+$0x30] =	vst v56  }
0x3e: {  	v62 =	vld.idx.msk [tilespmem:v0+s19+$0x10 ss:$0x1], $0xffff;
	s18 =	sadd.s32 $0x1, s18;
	[tilespmem:s31+$0xFFFFFFC0] =	vst v57  }
0x3f: {  	v63 =	vld.idx.msk [tilespmem:v0+s19+$0x20 ss:$0x1], $0xffff;
	p1 =	sne.s32 s18, $0x8;
	[tilespmem:s31+$0xFFFFFFD0] =	vst v58  }
.Ltmp4:
0x40: {  	[tilespmem:s31+$0xFFFFFFE0] =	vst v59;
	(pc) =	sbr.rel @p1 .LBB1_4-.Ltmp4, $4  }
0x41: {  	[tilespmem:s31+$0xFFFFFFF0] =	vst v60  }
0x42: {  	[tilespmem:s31+$0x0] =	vst v61  }
0x43: {  	[tilespmem:s31+$0x10] =	vst v62  }
0x44: {  	s16 =	sadd.s32 $0x80, s16;
	s17 =	sadd.s32 $0x400, s17;
	[tilespmem:s31+$0x20] =	vst v63  }
.Ltmp5:
0x45: {  	(pc) =	sbr.rel @p0 .LBB1_3-.Ltmp5, $2  }
0x46: {  	_ =	sdelay $0x2  }
0x47: {  	s16 =	simm.s32 $0x2000;
	p1 =	por $0x0, $0x0  }
.Ltmp6:
0x48: {  	(pc) =	sbr.rel .LBB1_9-.Ltmp6, $4  }
0x49: {  	_ = 	snop  }
0x4a: {  	s12 =	sshll.u32 s12, $0xA  }
0x4b: {  	s12 =	sadd.s32 s4, s12  }
0x4c: {  	[hbm4b:s12+s8] =	stream.linear.scatter [tilespmem:s13], [sflag:$0x2], $0x4000, $0x38;
	[tilespmem:$0x10000] =	vst v63  }
.LBB1_10:
0x4d: {  	_ =	sfence.sel $0x180000  }
0x4e: {  	s2 =	simm.s32 $0x1;
	[bflag:$0x0] =	sbarrier.arrive $0xFFFF  }
0x4f: {  	s31 =	simm.s32 $0x2;
	[sflag:s2] =	ssyncpa.u1 $0x1  }
0x50: {  	[sflag:s31] =	ssyncpa.u1 $0x1  }
0x51: {  	p0 =	sne.s32 s0, $0x0;
	_ =	strace $0x9000004A  }
0x52: {  	s0 =	sadd.s32 @!p0 $0x100000, s1;
	[bflag:$0x2] =	sbarrier.arrive $0xFFFF  }
0x53: {  	[sflag:s0] =	ssyncadd.tile.s32 @!p0 $0x1;
	_ =	shalt  }
.Lfunc_end1:
_tile_overlayer_lowered:
.L_overlay_start_2:
0x54: {  	(tag) =	ssettag $0x2  }
0x55: {  	s0 =	rddreg [dreg:$0x0];
	s2 =	stileid.u32  }
0x56: {  	s1 =	rddreg [dreg:$0x1];
	p0 =	sne.s32 s2, $0x0  }
0x57: {  	s3 =	rddreg [dreg:$0x2];
	[bflag:$0x3] =	sbarrier.arrive $0xFFFF;
	s2 =	simm.s32 @!p0 $0x1C01  }
0x58: {  	[timem:s3], [sflag:s2] =	dma.local @!p0 [hbm:s0], s1  }
0x59: {  	s0 =	simm.s32 @!p0 $0x1  }
0x5a: {  	_ =	swait.ge @!p0 [sflag:s0], s1  }
0x5b: {  	s1 =	ssub.s32 @!p0 $0x0, s1;
	[sflag:s0] =	ssyncset.done @!p0 $0x0  }
0x5c: {  	[sflag:s0] =	ssyncadd.s32 @!p0 s1  }
0x5d: {  	[bflag:$0x3] =	sbarrier.arrive $0xFFFF  }
0x5e: {  	_ =	shalt  }

// kernel: sparse-core-data-format-call.cloned.1.call-start
scs
called_computation_lowered:
.L_overlay_start_0:
0x0: {  	s2 =	sld [smem:$0x3FD9]  }
0x1: {  	s3 =	sld [smem:$0x3FFE];
	_ =	sdelay $0x1  }
0x2: {  	s1 =	srdreg.scid  }
0x3: {  	s0 =	sand.u32 $0x1, s1  }
0x4: {  	s18 =	sshll.u32 s0, $0xA;
	s2 =	sadd.s32 s3, s2  }
0x5: {  	s2 =	sadd.s32 s2, s18  }
0x6: {  	[smem:$0x3FC4] =	sst s2  }
0x7: {  	_ = 	snop  }
0x8: {  	s2 =	sld [smem:$0x3FC8];
	(tm) =	ssettm $0x1  }
0x9: {  	s19 =	sld [smem:$0x3FFB];
	_ =	sdelay $0x3  }
0xa: {  	_ =	strace s19  }
0xb: {  	s3 =	sld [smem:$0x3FFC];
	_ =	sdelay $0x3  }
0xc: {  	_ =	strace s3  }
0xd: {  	s3 =	sld [smem:$0x3FFD];
	_ =	sdelay $0x3  }
0xe: {  	_ =	strace s3  }
0xf: {  	_ =	strace $0x8FFFFFFF  }
0x10: {  	s20 =	sld [smem:$0x3FDB];
	_ =	sdelay $0x1  }
0x11: {  	s4 =	simm.s32 $_scs_section_size  }
0x12: {  	s5 =	simm.s32 $_size__tile_overlayer_lowered;
	s6 =	simm.s32 $_tile_overlayer_lowered  }
0x13: {  	s23 =	simm.s32 $0x1BFF;
	s22 =	sshll.u32 s6, $0x1;
	s3 =	sadd.s32 s4, s20  }
0x14: {  	s7 =	simm.s32 $0x0;
	s21 =	sshll.u32 s5, $0x1;
	s5 =	sadd.s32 s22, s3  }
0x15: {  	[timem:s7], [sflag:s23] =	dma.local [hbm:s5], s21  }
0x16: {  	_ =	swait.ge [sflag:s23], s21  }
0x17: {  	s4 =	ssub.s32 $0x0, s21;
	[sflag:s23] =	ssyncset.done $0x0  }
0x18: {  	[sflag:s23] =	ssyncadd.s32 s4;
	_ =	sdelay $0x1  }
0x19: {  	s24 =	simm.s32 $0x1B8B  }
0x1a: {  	_ =	swait.ge [sflag:s24], $0x1  }
0x1b: {  	[sflag:s24] =	ssyncset.done $0x0  }
0x1c: {  	s26 =	simm.s32 $0x1B8E;
	s25 =	sld [smem:$0x3FFE];
	[sflag:s24] =	ssyncadd.s32 $0xFFFFFFFF  }
0x1d: {  	s27 =	simm.s32 $execute0_lowered;
	[smem:$0x3FD2] =	sst s26  }
0x1e: {  	s5 =	sshll.u32 s27, $0x1;
	_ =	strace $0x80000046;
	[dreg:$0x1] =	wrdreg $0xFFFFFFFF  }
0x1f: {  	s28 =	simm.s32 $_size_execute0_lowered;
	s3 =	sadd.s32 s3, s5;
	[dreg:$0x0] =	wrdreg $0x0  }
0x20: {  	s5 =	sshll.u32 s28, $0x1;
	[dreg:$0x2] =	wrdreg s3  }
0x21: {  	[dreg:$0x3] =	wrdreg s5  }
0x22: {  	[dreg:$0x4] =	wrdreg $0xC0  }
0x23: {  	_ =	task [dreg:s7], $0x5FFFF  }
0x24: {  	[dreg:$0x1] =	wrdreg $0xFFFFFFFF  }
0x25: {  	[dreg:$0x0] =	wrdreg $0x60  }
0x26: {  	[dreg:$0x2] =	wrdreg s2  }
0x27: {  	[dreg:$0x3] =	wrdreg s25  }
0x28: {  	[dreg:$0x4] =	wrdreg $0x9  }
0x29: {  	_ =	task.clear_ibuf [dreg:s7], $0x5FFFF;
	_ =	strace $0x90000046  }
0x2a: {  	s29 =	simm.s32 $0x9;
	_ =	strace $0x80000048  }
0x2b: {  	_ =	swait.ge [sflag:s29], $0x1  }
0x2c: {  	[sflag:s29] =	ssyncadd.s32 $0xFFFFFFFF  }
0x2d: {  	_ =	strace $0x90000048  }
0x2e: {  	_ =	sfence  }
0x2f: {  	s30 =	sld [smem:$0x0];
	_ =	sdelay $0x2  }
0x30: {  	s31 =	sshll.u32 s1, $0xD;
	s1 =	sshrl.u32 s1, $0x2  }
0x31: {  	s3 =	sand.u32 $0x4000, s31;
	s1 =	sadd.s32 s1, s30  }
0x32: {  	s0 =	sor.u32 s3, s0;
	s1 =	sshll.u32 s1, $0x11  }
0x33: {  	s0 =	sor.u32 s1, s0  }
0x34: {  	s0 =	sadd.s32 $0x8F2B, s0  }
0x35: {  	[sflag:s0] =	ssyncadd.remote.s32 $0x1  }
0x36: {  	_ =	sfence.sel $0xFFFF  }
0x37: {  	[dreg:$0x0] =	wrdreg $0xFFFFFFFF;
	(pc) =	sbr.abs _section_cstart, $3  }
0x38: {  	[dreg:$0x1] =	wrdreg $0xFFFFFFFF  }
0x39: {  	_ =	task.clear_ibuf [dreg:s7], $0x2FFFF;
	_ =	strace $0x9FFFFFFF  }
0x3a: {  	(tm) =	ssettm $0x7FFFFFFF  }
0x3b: {  	_ =	shalt  }
tec
execute0_lowered:
.L_overlay_start_1:
0x0: {  	(tag) =	ssettag $0x1  }
0x1: {  	s0 =	srdreg.scid  }
0x2: {  	s1 =	sshll.u32 s0, $0x4  }
0x3: {  	s2 =	rddreg [dreg:$0x0];
	s0 =	stileid.u32;
	s1 =	sand.u32 $0x10, s1  }
0x4: {  	s4 =	rddreg [dreg:$0x1];
	s7 =	simm.s32 $0x1;
	s1 =	sor.u32 s0, s1  }
0x5: {  	s8 =	simm.s32 $0x2;
	s9 =	simm.s32 $0x0;
	s3 =	sshll.u32 s1, $0x2  }
0x6: {  	s12 =	simm.s32 $0x0;
	s11 =	simm.s32 $0x0;
	s6 =	ssub.s32 $0x1000, s3  }
.Ltmp0:
0x7: {  	s4 =	sadd.s32 $0xC00, s4;
	s5 =	sand.u32 $0x7C, s6;
	(pc) =	sbr.rel .LBB1_1-.Ltmp0, $4  }
0x8: {  	s1 =	rddreg [dreg:$0x2];
	_ =	strace $0x80000047;
	p0 =	sne.s32 s5, $0x0  }
0x9: {  	s6 =	sshrl.u32 s6, $0x7;
	s5 =	simm.s32 $0x1;
	s7 =	simm.s32 @!p0 $0x0  }
0xa: {  	s10 =	smov.u32 s3;
	[sflag:s5] =	ssyncpa.u1 $0x0;
	s6 =	sadd.s32 s7, s6  }
0xb: {  	[sflag:s8] =	ssyncpa.u1 $0x0;
	s8 =	simm.s32 $0x0;
	s7 =	sadd.s32 $0x1, s6  }
.LBB1_9:
0xc: {  	s14 =	sadd.s32 $0x80, s10  }
0xd: {  	p1 =	sgt.s32 s14, $0xFFF  }
0xe: {  	s14 =	smov.u32 @p1 s3;
	p1 =	sne.s32 s11, s7  }
.Ltmp1:
0xf: {  	p0 =	slt.u32 s11, $0x2;
	(pc) =	sbr.rel @!p1 .LBB1_10-.Ltmp1, $4  }
0x10: {  	s13 =	simm.s32 @!p0 $0x2  }
0x11: {  	s15 =	sadd.s32 $0x1, s11;
	_ =	swait.ge @!p0 [sflag:s13], $0x4000  }
0x12: {  	s12 =	smov.u32 s10;
	s9 =	sadd.s32 $0x4000, s9;
	[sflag:s13] =	ssyncset.done @!p0 $0x0  }
0x13: {  	s11 =	smov.u32 s15;
	s10 =	smov.u32 s14;
	[sflag:s13] =	ssyncadd.s32 @!p0 $0xFFFFC000  }
.LBB1_1:
0x14: {  	p0 =	sge.u32 s11, s6  }
0x15: {  	s13 =	sxor.u32 @!p0 $0xFFFFFFFF, s11  }
0x16: {  	s31 =	sadd.s32 $0xFFFFFFFF, s11;
	s14 =	sshll.u32 @!p0 s10, $0x9;
	s13 =	sshll.u32 @!p0 s13, $0xE  }
0x17: {  	s15 =	simm.s32 @!p0 $0x0;
	s14 =	sadd.s32 @!p0 s2, s14;
	s13 =	sand.u32 @!p0 $0x4000, s13  }
0x18: {  	[tilespmem:s13], [sflag:$0x1] =	stream.linear.gather @!p0 [hbm4b:s14+s15], $0x4000, $0x38;
	[tilespmem:$0x10000] =	vst v63  }
0x19: {  	p0 =	sge.u32 s31, s6  }
.Ltmp2:
0x1a: {  	_ = 	snop;
	(pc) =	sbr.rel @p0 .LBB1_9-.Ltmp2, $1  }
0x1b: {  	_ =	sdelay $0x3  }
0x1c: {  	s14 =	sand.u32 $0x4000, s9  }
0x1d: {  	_ =	swait.ge [sflag:s5], $0x4000;
	s15 =	sshll.u32 s11, $0xE;
	s16 =	simm.s32 $0x0  }
0x1e: {  	s13 =	sor.u32 $0x40, s14;
	[sflag:s5] =	ssyncset.done $0x0;
	s15 =	sand.u32 $0x4000, s15  }
0x1f: {  	s14 =	sor.u32 $0x8040, s14;
	[sflag:s5] =	ssyncadd.s32 $0xFFFFC000;
	s15 =	sor.u32 $0x8000, s15  }
.LBB1_3:
0x20: {  	s17 =	smov.u32 s14;
	s18 =	smov.u32 s13;
	s19 =	simm.s32 $0x0  }
.LBB1_4:
0x21: {  	v0 =	vmov s17;
	v2 =	vld [tilespmem:s18+$0x30]  }
0x22: {  	v4 =	vld [tilespmem:s18+$0xFFFFFFD0]  }
0x23: {  	v6 =	vld [tilespmem:s18+$0xFFFFFFE0]  }
0x24: {  	v7 =	vld [tilespmem:s18+$0xFFFFFFF0]  }
0x25: {  	s20 =	simm.s32 $0x0;
	v1 =	vld [tilespmem:s18+$0x0]  }
0x26: {  	v3 =	vld [tilespmem:s18+$0x10];
	[tilespmem:v0+s20+$0x30 ss:$0x1] =	vst.idx.msk $0xffff, v2  }
0x27: {  	v5 =	vld [tilespmem:s18+$0x20];
	[tilespmem:v0+s20+$0xFFFFFFD0 ss:$0x1] =	vst.idx.msk $0xffff, v4  }
0x28: {  	s21 =	sadd.s32 $0x80, s18;
	v2 =	vld [tilespmem:s18+$0xFFFFFFC0];
	[tilespmem:v0+s20+$0xFFFFFFE0 ss:$0x1] =	vst.idx.msk $0xffff, v6  }
0x29: {  	s22 =	simm.s32 $0x800;
	s23 =	simm.s32 $0x1000;
	v4 =	vld [tilespmem:s21+$0x30];
	[tilespmem:v0+s20+$0xFFFFFFF0 ss:$0x1] =	vst.idx.msk $0xffff, v7  }
.LBB1_5:
0x2a: {  	p0 =	sne.s32 s23, $0x3800;
	v6 =	vld [tilespmem:s21+$0xFFFFFFD0];
	[tilespmem:v0+s20+$0x0 ss:$0x1] =	vst.idx.msk $0xffff, v1  }
0x2b: {  	v7 =	vld [tilespmem:s21+$0xFFFFFFE0];
	[tilespmem:v0+s20+$0x10 ss:$0x1] =	vst.idx.msk $0xffff, v3  }
0x2c: {  	v8 =	vld [tilespmem:s21+$0xFFFFFFF0];
	[tilespmem:v0+s20+$0x20 ss:$0x1] =	vst.idx.msk $0xffff, v5  }
.Ltmp3:
0x2d: {  	v1 =	vld [tilespmem:s21+$0x0];
	[tilespmem:v0+s20+$0xFFFFFFC0 ss:$0x1] =	vst.idx.msk $0xffff, v2;
	s20 =	sshra.s32 s22, $0x2;
	s22 =	smov.u32 s23;
	(pc) =	sbr.rel @p0 .LBB1_5-.Ltmp3, $4  }
0x2e: {  	v3 =	vld [tilespmem:s21+$0x10];
	[tilespmem:v0+s20+$0x30 ss:$0x1] =	vst.idx.msk $0xffff, v4  }
0x2f: {  	[tilespmem:v0+s20+$0xFFFFFFD0 ss:$0x1] =	vst.idx.msk $0xffff, v6;
	v5 =	vld [tilespmem:s21+$0x20]  }
0x30: {  	v2 =	vld [tilespmem:s21+$0xFFFFFFC0];
	[tilespmem:v0+s20+$0xFFFFFFE0 ss:$0x1] =	vst.idx.msk $0xffff, v7;
	s21 =	sadd.s32 $0x80, s21  }
0x31: {  	s23 =	sadd.s32 $0x800, s23;
	v4 =	vld [tilespmem:s21+$0x30];
	[tilespmem:v0+s20+$0xFFFFFFF0 ss:$0x1] =	vst.idx.msk $0xffff, v8  }
0x32: {  	_ =	sdelay $0x3  }
0x33: {  	v6 =	vld [tilespmem:s21+$0xFFFFFFD0];
	[tilespmem:v0+s20+$0x0 ss:$0x1] =	vst.idx.msk $0xffff, v1  }
0x34: {  	v58 =	vld [tilespmem:s21+$0xFFFFFFE0];
	[tilespmem:v0+s20+$0x10 ss:$0x1] =	vst.idx.msk $0xffff, v3  }
0x35: {  	v59 =	vld [tilespmem:s21+$0xFFFFFFF0];
	[tilespmem:v0+s20+$0x20 ss:$0x1] =	vst.idx.msk $0xffff, v5  }
0x36: {  	s22 =	sshra.s32 s22, $0x2;
	v60 =	vld [tilespmem:s21+$0x0];
	[tilespmem:v0+s20+$0xFFFFFFC0 ss:$0x1] =	vst.idx.msk $0xffff, v2  }
0x37: {  	v61 =	vld [tilespmem:s21+$0x10];
	[tilespmem:v0+s22+$0x30 ss:$0x1] =	vst.idx.msk $0xffff, v4  }
0x38: {  	v62 =	vld [tilespmem:s21+$0x20];
	s19 =	sadd.s32 $0x1, s19;
	[tilespmem:v0+s22+$0xFFFFFFD0 ss:$0x1] =	vst.idx.msk $0xffff, v6  }
0x39: {  	v63 =	vld [tilespmem:s21+$0xFFFFFFC0];
	p0 =	sne.s32 s19, $0x4;
	[tilespmem:v0+s22+$0xFFFFFFE0 ss:$0x1] =	vst.idx.msk $0xffff, v58  }
.Ltmp4:
0x3a: {  	[tilespmem:v0+s22+$0xFFFFFFF0 ss:$0x1] =	vst.idx.msk $0xffff, v59;
	(pc) =	sbr.rel @p0 .LBB1_4-.Ltmp4, $4  }
0x3b: {  	[tilespmem:v0+s22+$0x0 ss:$0x1] =	vst.idx.msk $0xffff, v60  }
0x3c: {  	[tilespmem:v0+s22+$0x10 ss:$0x1] =	vst.idx.msk $0xffff, v61  }
0x3d: {  	[tilespmem:v0+s22+$0x20 ss:$0x1] =	vst.idx.msk $0xffff, v62  }
0x3e: {  	s18 =	sadd.s32 $0x400, s18;
	s17 =	sadd.s32 $0x80, s17;
	[tilespmem:v0+s22+$0xFFFFFFC0 ss:$0x1] =	vst.idx.msk $0xffff, v63  }
0x3f: {  	s16 =	sadd.s32 $0x1, s16  }
0x40: {  	p0 =	sne.s32 s16, $0x4  }
.Ltmp5:
0x41: {  	_ = 	snop;
	(pc) =	sbr.rel @p0 .LBB1_3-.Ltmp5, $2  }
0x42: {  	_ =	sdelay $0x2  }
0x43: {  	s13 =	sadd.s32 $0x1000, s13;
	s14 =	sadd.s32 $0x1000, s14  }
.Ltmp6:
0x44: {  	(pc) =	sbr.rel .LBB1_9-.Ltmp6, $4  }
0x45: {  	_ = 	snop  }
0x46: {  	s12 =	sshll.u32 s12, $0x9  }
0x47: {  	s12 =	sadd.s32 s4, s12  }
0x48: {  	[hbm4b:s12+s8] =	stream.linear.scatter [tilespmem:s15], [sflag:$0x2], $0x4000, $0x38;
	[tilespmem:$0x10000] =	vst v63  }
.LBB1_10:
0x49: {  	_ =	sfence.sel $0x180000  }
0x4a: {  	s2 =	simm.s32 $0x1;
	[bflag:$0x0] =	sbarrier.arrive $0xFFFF  }
0x4b: {  	s31 =	simm.s32 $0x2;
	[sflag:s2] =	ssyncpa.u1 $0x1  }
0x4c: {  	[sflag:s31] =	ssyncpa.u1 $0x1  }
0x4d: {  	p0 =	sne.s32 s0, $0x0;
	_ =	strace $0x90000047  }
0x4e: {  	s0 =	sadd.s32 @!p0 $0x100000, s1;
	[bflag:$0x2] =	sbarrier.arrive $0xFFFF  }
0x4f: {  	[sflag:s0] =	ssyncadd.tile.s32 @!p0 $0x1;
	_ =	shalt  }
.Lfunc_end1:
_tile_overlayer_lowered:
.L_overlay_start_2:
0x50: {  	(tag) =	ssettag $0x2  }
0x51: {  	s0 =	rddreg [dreg:$0x0];
	s2 =	stileid.u32  }
0x52: {  	s1 =	rddreg [dreg:$0x1];
	p0 =	sne.s32 s2, $0x0  }
0x53: {  	s3 =	rddreg [dreg:$0x2];
	[bflag:$0x3] =	sbarrier.arrive $0xFFFF;
	s2 =	simm.s32 @!p0 $0x1C01  }
0x54: {  	[timem:s3], [sflag:s2] =	dma.local @!p0 [hbm:s0], s1  }
0x55: {  	s0 =	simm.s32 @!p0 $0x1  }
0x56: {  	_ =	swait.ge @!p0 [sflag:s0], s1  }
0x57: {  	s1 =	ssub.s32 @!p0 $0x0, s1;
	[sflag:s0] =	ssyncset.done @!p0 $0x0  }
0x58: {  	[sflag:s0] =	ssyncadd.s32 @!p0 s1  }
0x59: {  	[bflag:$0x3] =	sbarrier.arrive $0xFFFF  }
0x5a: {  	_ =	shalt  }

</sc_bundles>
